<compile_context>
chip_gen: v7x
topology: tpu7x:2x2x1
jax: 0.10.2.dev20260603
libtpu: 0.0.44.dev20260713+nightly
codegen_flags: <defaults>
</compile_context>

<pallas_src>
import functools

import jax
import jax.numpy as jnp
from jax import lax
from jax.experimental import pallas as pl
from jax.experimental.pallas import tpu as pltpu
from jax.experimental.pallas import tpu_sc as plsc

N = 10000
E = 320000
NPAD = 10240
F1 = 128
NC = 2
NS = 16
NW = NC * NS
EW = E // NW
CH = 128
EWP = 10240
NCH = EWP // CH
NGC = 16
NG = NCH // NGC
NR = NPAD // NS


def _seg_sum_body(D, with_cnt, *refs):
    if with_cnt:
        (src3, dst3, x, zrows, zn, ones_c, s_out, cnt_out,
         src_v, dst_v, rows_v, ones_v, acc_sh, cnt_sh,
         lsem, gsem, ssem) = refs
    else:
        (src3, dst3, x, zrows, s_out,
         src_v, dst_v, rows_v, acc_sh, lsem, gsem, ssem) = refs
    cid = lax.axis_index("c")
    sid = lax.axis_index("s")
    wid = cid * NS + sid

    pltpu.sync_copy(zrows.at[pl.ds(sid * NR, NR)],
                    acc_sh.at[pl.ds(sid * NR, NR)])
    if with_cnt:
        pltpu.sync_copy(zn.at[pl.ds(sid * NR, NR)],
                        cnt_sh.at[pl.ds(sid * NR, NR)])
        pltpu.sync_copy(ones_c, ones_v)

    def fire_slab(g, sb):
        pltpu.async_copy(src3.at[wid, pl.ds(g * NGC, NGC)], src_v.at[sb],
                         lsem.at[sb])
        pltpu.async_copy(dst3.at[wid, pl.ds(g * NGC, NGC)], dst_v.at[sb],
                         lsem.at[sb])

    def wait_slab(sb):
        pltpu.make_async_copy(src3.at[wid, pl.ds(0, NGC)], src_v.at[sb],
                              lsem.at[sb]).wait()
        pltpu.make_async_copy(dst3.at[wid, pl.ds(0, NGC)], dst_v.at[sb],
                              lsem.at[sb]).wait()

    def fire_gather(sb, j, b):
        pltpu.async_copy(x.at[src_v.at[sb, j]], rows_v.at[b], gsem.at[b])

    def wait_gather(b):
        pltpu.make_async_copy(x.at[src_v.at[0, 0]], rows_v.at[b],
                              gsem.at[b]).wait()

    def fire_scatter(sb, j, b):
        pltpu.async_copy(rows_v.at[b], acc_sh.at[dst_v.at[sb, j]],
                         ssem.at[b], add=True)

    def wait_scatter(b):
        pltpu.make_async_copy(rows_v.at[b], acc_sh.at[dst_v.at[0, 0]],
                              ssem.at[b]).wait()

    def cnt_add(sb, j):
        if with_cnt:
            pltpu.sync_copy(ones_v, cnt_sh.at[dst_v.at[sb, j]], add=True)

    fire_slab(0, 0)
    plsc.subcore_barrier()

    for g in range(NG):
        sb = g % 2
        wait_slab(sb)
        if g + 1 < NG:
            fire_slab(g + 1, 1 - sb)

        def chunk(j, carry, sb=sb):
            fire_gather(sb, j, 0)
            wait_gather(0)
            fire_scatter(sb, j, 0)
            wait_scatter(0)
            cnt_add(sb, j)
            return carry

        lax.fori_loop(0, NGC, chunk, 0)
    plsc.subcore_barrier()

    pltpu.sync_copy(acc_sh.at[pl.ds(sid * NR, NR)],
                    s_out.at[cid, pl.ds(sid * NR, NR)])
    if with_cnt:
        pltpu.sync_copy(cnt_sh.at[pl.ds(sid * NR, NR)],
                        cnt_out.at[cid, pl.ds(sid * NR, NR)])


def _make_seg_sum(D, with_cnt):
    mesh = plsc.VectorSubcoreMesh(core_axis_name="c", subcore_axis_name="s",
                                  num_cores=NC, num_subcores=NS)
    out_type = [jax.ShapeDtypeStruct((NC, NPAD, D), jnp.float32)]
    scratch = [
        pltpu.VMEM((2, NGC, CH), jnp.int32),
        pltpu.VMEM((2, NGC, CH), jnp.int32),
        pltpu.VMEM((2, CH, D), jnp.float32),
    ]
    if with_cnt:
        out_type.append(jax.ShapeDtypeStruct((NC, NPAD), jnp.float32))
        scratch.append(pltpu.VMEM((CH,), jnp.float32))
    scratch.append(pltpu.VMEM_SHARED((NPAD, D), jnp.float32))
    if with_cnt:
        scratch.append(pltpu.VMEM_SHARED((NPAD,), jnp.float32))
    scratch.append(pltpu.SemaphoreType.DMA((2,)))
    scratch.append(pltpu.SemaphoreType.DMA((2,)))
    scratch.append(pltpu.SemaphoreType.DMA((2,)))
    return pl.kernel(functools.partial(_seg_sum_body, D, with_cnt),
                     out_type=out_type, mesh=mesh, scratch_types=scratch)


def _layer1_body(s_ref, c_ref, x_ref, a1_ref, b1_ref, r1_ref, h_ref):
    s = s_ref[0] + s_ref[1]
    cnt = c_ref[0] + c_ref[1]
    mean = s / jnp.maximum(cnt, 1.0)
    h = (jnp.dot(mean, a1_ref[...], preferred_element_type=jnp.float32)
         + b1_ref[...]
         + jnp.dot(x_ref[...], r1_ref[...], preferred_element_type=jnp.float32))
    h_ref[...] = h


def _layer2_body(s_ref, c_ref, h_ref, c2_ref, r2_ref, b2_ref, o_ref):
    s = s_ref[0] + s_ref[1]
    cnt = c_ref[0] + c_ref[1]
    mean = s / jnp.maximum(cnt, 1.0)
    o_ref[...] = (jnp.dot(mean, c2_ref[...], preferred_element_type=jnp.float32)
                  + b2_ref[...]
                  + jnp.dot(h_ref[...], r2_ref[...],
                            preferred_element_type=jnp.float32))


BR = 1000
GRID = N // BR
NCL = 40


def _tc_layer1(s1, cntr, x, a1, b1, r1):
    return pl.pallas_call(
        _layer1_body,
        grid=(GRID,),
        in_specs=[
            pl.BlockSpec((NC, BR, F1), lambda i: (0, i, 0)),
            pl.BlockSpec((NC, BR, 1), lambda i: (0, i, 0)),
            pl.BlockSpec((BR, F1), lambda i: (i, 0)),
            pl.BlockSpec((F1, F1), lambda i: (0, 0)),
            pl.BlockSpec((1, F1), lambda i: (0, 0)),
            pl.BlockSpec((F1, F1), lambda i: (0, 0)),
        ],
        out_specs=pl.BlockSpec((BR, F1), lambda i: (i, 0)),
        out_shape=jax.ShapeDtypeStruct((N, F1), jnp.float32),
    )(s1, cntr, x, a1, b1, r1)


def _tc_layer2(s2, cntr, h, c2, r2, b2):
    return pl.pallas_call(
        _layer2_body,
        grid=(GRID,),
        in_specs=[
            pl.BlockSpec((NC, BR, F1), lambda i: (0, i, 0)),
            pl.BlockSpec((NC, BR, 1), lambda i: (0, i, 0)),
            pl.BlockSpec((BR, F1), lambda i: (i, 0)),
            pl.BlockSpec((F1, NCL), lambda i: (0, 0)),
            pl.BlockSpec((F1, NCL), lambda i: (0, 0)),
            pl.BlockSpec((1, NCL), lambda i: (0, 0)),
        ],
        out_specs=pl.BlockSpec((BR, NCL), lambda i: (i, 0)),
        out_shape=jax.ShapeDtypeStruct((N, NCL), jnp.float32),
    )(s2, cntr, h, c2, r2, b2)


def kernel(g, embeds, W_l1, b_l1, W_r1, W_l2, b_l2, W_r2):
    pad_rows = jnp.broadcast_to(N + jnp.arange(EWP - EW, dtype=jnp.int32),
                                (NW, EWP - EW))
    src_pads = jnp.broadcast_to(jnp.arange(EWP - EW, dtype=jnp.int32),
                                (NW, EWP - EW))
    src2 = jnp.concatenate(
        [g[0].reshape(NW, EW), src_pads], axis=1).reshape(NW, NCH, CH)
    dst2 = jnp.concatenate(
        [g[1].reshape(NW, EW), pad_rows], axis=1).reshape(NW, NCH, CH)
    zrows1 = jnp.zeros((NPAD, F1), jnp.float32)
    zn = jnp.zeros((NPAD,), jnp.float32)
    ones_c = jnp.ones((CH,), jnp.float32)

    s1, cnt = _make_seg_sum(F1, True)(src2, dst2, embeds, zrows1, zn, ones_c)
    cntr = cnt.reshape(NC, NPAD, 1)

    a1 = W_l1.T
    r1 = W_r1.T
    b1r = b_l1.reshape(1, F1)
    h = _tc_layer1(s1, cntr, embeds, a1, b1r, r1)

    (s2,) = _make_seg_sum(F1, False)(src2, dst2, h, zrows1)

    return _tc_layer2(s2, cntr, h, W_l2.T, W_r2.T, b_l2.reshape(1, NCL))

# --- scband reference (transcript-rebuilt; emitter-appended) ---
"""Pipeline reference for scband-gnnsage-46943992545895 (READ-ONLY COPY).

The authoritative reference and input builder live on the scoring server;
editing this copy changes nothing except your own understanding.
"""

import jax, jax.numpy as jnp
import numpy as np

N = 10000
E = 320000
IN_FEATS = 128
HIDDEN = 128
NUM_CLASSES = 40


def setup_inputs(seed: int = 0) -> dict:
    key = jax.random.key(seed)
    ks = jax.random.split(key, 8)
    g = jax.random.randint(ks[0], (2, E), 0, N, dtype=jnp.int32)
    embeds = jax.random.normal(ks[1], (N, IN_FEATS), dtype=jnp.float32)
    # SAGEConv layer 1 params: lin_l (neighbor agg, has bias), lin_r (root, no bias)
    W_l1 = jax.random.normal(ks[2], (HIDDEN, IN_FEATS), dtype=jnp.float32) * (1.0 / np.sqrt(IN_FEATS))
    b_l1 = jnp.zeros((HIDDEN,), dtype=jnp.float32)
    W_r1 = jax.random.normal(ks[3], (HIDDEN, IN_FEATS), dtype=jnp.float32) * (1.0 / np.sqrt(IN_FEATS))
    # SAGEConv layer 2 params
    W_l2 = jax.random.normal(ks[4], (NUM_CLASSES, HIDDEN), dtype=jnp.float32) * (1.0 / np.sqrt(HIDDEN))
    b_l2 = jnp.zeros((NUM_CLASSES,), dtype=jnp.float32)
    W_r2 = jax.random.normal(ks[5], (NUM_CLASSES, HIDDEN), dtype=jnp.float32) * (1.0 / np.sqrt(HIDDEN))
    return {"g": g, "embeds": embeds, "W_l1": W_l1, "b_l1": b_l1, "W_r1": W_r1,
            "W_l2": W_l2, "b_l2": b_l2, "W_r2": W_r2}


def _sage_conv(x, edge_index, W_l, b_l, W_r):
    # PyG SAGEConv with mean aggregation:
    #   out_i = W_l @ mean_{j in N(i)} x_j + b_l + W_r @ x_i
    src = edge_index[0]
    dst = edge_index[1]
    n = x.shape[0]
    msgs = x[src]  # gather
    summed = jax.ops.segment_sum(msgs, dst, num_segments=n)  # scatter-add
    cnt = jax.ops.segment_sum(jnp.ones((edge_index.shape[1],), dtype=x.dtype), dst, num_segments=n)
    mean = summed / jnp.clip(cnt, 1.0)[:, None]
    return mean @ W_l.T + b_l + x @ W_r.T


def reference(g, embeds, W_l1, b_l1, W_r1, W_l2, b_l2, W_r2):
    # forward: layer1 -> dropout (identity in eval) -> layer2; no nonlinearity in given code
    h = _sage_conv(embeds, g, W_l1, b_l1, W_r1)
    h = _sage_conv(h, g, W_l2, b_l2, W_r2)
    return h

if __name__ == "__main__":
    import jax
    _d = setup_inputs()
    print(jax.jit(kernel)(*tuple(_d.values())))

</pallas_src>

<mosaic_0001>
#map = affine_map<(d0, d1) -> (0, 0, 0)>
#map1 = affine_map<(d0, d1) -> (0, 0)>
module attributes {stable_mosaic.version = 14 : i64} {
  func.func @_seg_sum_body(%arg0: i32, %arg1: i32, %arg2: memref<32x80x128xi32, #tpu.memory_space<hbm>>, %arg3: memref<32x80x128xi32, #tpu.memory_space<hbm>>, %arg4: memref<10000x128xf32, #tpu.memory_space<hbm>>, %arg5: memref<10240x128xf32, #tpu.memory_space<hbm>>, %arg6: memref<2x10240x128xf32, #tpu.memory_space<hbm>>, %arg7: memref<2x16x128xi32, #tpu.memory_space<vmem>>, %arg8: memref<2x16x128xi32, #tpu.memory_space<vmem>>, %arg9: memref<2x128x128xf32, #tpu.memory_space<vmem>>, %arg10: memref<10240x128xf32, #tpu.memory_space<vmem_shared>>, %arg11: memref<2x!tpu.dma_semaphore, #tpu.memory_space<semaphore_mem>>, %arg12: memref<2x!tpu.dma_semaphore, #tpu.memory_space<semaphore_mem>>, %arg13: memref<2x!tpu.dma_semaphore, #tpu.memory_space<semaphore_mem>>) attributes {dimension_semantics = [#tpu.dimension_semantics<core_parallel>, #tpu.dimension_semantics<subcore_parallel>], iteration_bounds = array<i64: 2, 16>, scalar_prefetch = 0 : i64, scratch_operands = 7 : i64, tpu.core_type = #tpu.core_type<sc_vector_subcore>, window_params = [{transform_indices = #map}, {transform_indices = #map}, {transform_indices = #map1}, {transform_indices = #map1}, {transform_indices = #map}]} {
    %mul3A = arith.constant 16 : i32
    %mul3A_0 = arith.muli %arg0, %mul3A : i32
    %add3A = arith.addi %mul3A_0, %arg1 : i32
    %mul3A_1 = arith.constant 640 : i32
    %mul3A_2 = arith.muli %arg1, %mul3A_1 : i32
    %mul3A_3 = arith.constant 640 : i32
    %mul3A_4 = arith.muli %arg1, %mul3A_3 : i32
    "tpu.region"() ({
      %run_scoped3A = tpu.sem_alloc : memref<!tpu.dma_semaphore, #tpu.memory_space<semaphore_mem>>
      %dma_start3A_437 = arith.constant 0 : i32
      %dma_start3A_438 = tpu.memref_slice %arg10[%mul3A_4, %dma_start3A_437] : memref<10240x128xf32, #tpu.memory_space<vmem_shared>> -> memref<640x128xf32, #tpu.memory_space<vmem_shared>>
      %dma_start3A_439 = arith.constant 0 : i32
      %dma_start3A_440 = tpu.memref_slice %arg5[%mul3A_2, %dma_start3A_439] : memref<10240x128xf32, #tpu.memory_space<hbm>> -> memref<640x128xf32, #tpu.memory_space<hbm>>
      tpu.enqueue_dma source(%dma_start3A_440 : memref<640x128xf32, #tpu.memory_space<hbm>>) target(%dma_start3A_438 : memref<640x128xf32, #tpu.memory_space<vmem_shared>>) target_semaphore(%run_scoped3A : memref<!tpu.dma_semaphore, #tpu.memory_space<semaphore_mem>>)
      %dma_wait3A_441 = arith.constant 0 : i32
      %dma_wait3A_442 = tpu.memref_slice %arg10[%mul3A_4, %dma_wait3A_441] : memref<10240x128xf32, #tpu.memory_space<vmem_shared>> -> memref<640x128xf32, #tpu.memory_space<vmem_shared>>
      %dma_wait3A_443 = arith.constant 0 : i32
      %dma_wait3A_444 = tpu.memref_slice %arg5[%mul3A_2, %dma_wait3A_443] : memref<10240x128xf32, #tpu.memory_space<hbm>> -> memref<640x128xf32, #tpu.memory_space<hbm>>
      tpu.wait_dma2 semaphore(%run_scoped3A : memref<!tpu.dma_semaphore, #tpu.memory_space<semaphore_mem>>) src(%dma_wait3A_444 : memref<640x128xf32, #tpu.memory_space<hbm>>) dst(%dma_wait3A_442 : memref<640x128xf32, #tpu.memory_space<vmem_shared>>)
      tpu.yield
    }) : () -> ()
    %dma_start3A = arith.constant 0 : i32
    %dma_start3A_5 = arith.constant 0 : i32
    %dma_start3A_6 = arith.constant 0 : i32
    %dma_start3A_7 = arith.constant 0 : i32
    %dma_start3A_8 = tpu.memref_slice %arg7[%dma_start3A, %dma_start3A_6, %dma_start3A_7] : memref<2x16x128xi32, #tpu.memory_space<vmem>> -> memref<1x16x128xi32, #tpu.memory_space<vmem>>
    %dma_start3A_9 = tpu.memref_squeeze %dma_start3A_8 : memref<1x16x128xi32, #tpu.memory_space<vmem>> -> memref<16x128xi32, #tpu.memory_space<vmem>>
    %dma_start3A_10 = arith.constant 0 : i32
    %dma_start3A_11 = arith.constant 0 : i32
    %dma_start3A_12 = tpu.memref_slice %arg2[%add3A, %dma_start3A_10, %dma_start3A_11] : memref<32x80x128xi32, #tpu.memory_space<hbm>> -> memref<1x16x128xi32, #tpu.memory_space<hbm>>
    %dma_start3A_13 = tpu.memref_squeeze %dma_start3A_12 : memref<1x16x128xi32, #tpu.memory_space<hbm>> -> memref<16x128xi32, #tpu.memory_space<hbm>>
    %dma_start3A_14 = tpu.memref_slice %arg11[%dma_start3A_5] : memref<2x!tpu.dma_semaphore, #tpu.memory_space<semaphore_mem>> -> memref<1x!tpu.dma_semaphore, #tpu.memory_space<semaphore_mem>>
    %dma_start3A_15 = tpu.memref_squeeze %dma_start3A_14 : memref<1x!tpu.dma_semaphore, #tpu.memory_space<semaphore_mem>> -> memref<!tpu.dma_semaphore, #tpu.memory_space<semaphore_mem>>
    %dma_start3A_16 = arith.constant 0 : i32
    %dma_start3A_17 = arith.constant 0 : i32
    %dma_start3A_18 = tpu.memref_slice %arg7[%dma_start3A, %dma_start3A_16, %dma_start3A_17] : memref<2x16x128xi32, #tpu.memory_space<vmem>> -> memref<1x16x128xi32, #tpu.memory_space<vmem>>
    %dma_start3A_19 = tpu.memref_squeeze %dma_start3A_18 : memref<1x16x128xi32, #tpu.memory_space<vmem>> -> memref<16x128xi32, #tpu.memory_space<vmem>>
    %dma_start3A_20 = arith.constant 0 : i32
    %dma_start3A_21 = arith.constant 0 : i32
    %dma_start3A_22 = tpu.memref_slice %arg2[%add3A, %dma_start3A_20, %dma_start3A_21] : memref<32x80x128xi32, #tpu.memory_space<hbm>> -> memref<1x16x128xi32, #tpu.memory_space<hbm>>
    %dma_start3A_23 = tpu.memref_squeeze %dma_start3A_22 : memref<1x16x128xi32, #tpu.memory_space<hbm>> -> memref<16x128xi32, #tpu.memory_space<hbm>>
    tpu.enqueue_dma source(%dma_start3A_23 : memref<16x128xi32, #tpu.memory_space<hbm>>) target(%dma_start3A_19 : memref<16x128xi32, #tpu.memory_space<vmem>>) target_semaphore(%dma_start3A_15 : memref<!tpu.dma_semaphore, #tpu.memory_space<semaphore_mem>>)
    %dma_start3A_24 = arith.constant 0 : i32
    %dma_start3A_25 = arith.constant 0 : i32
    %dma_start3A_26 = arith.constant 0 : i32
    %dma_start3A_27 = arith.constant 0 : i32
    %dma_start3A_28 = tpu.memref_slice %arg8[%dma_start3A_24, %dma_start3A_26, %dma_start3A_27] : memref<2x16x128xi32, #tpu.memory_space<vmem>> -> memref<1x16x128xi32, #tpu.memory_space<vmem>>
    %dma_start3A_29 = tpu.memref_squeeze %dma_start3A_28 : memref<1x16x128xi32, #tpu.memory_space<vmem>> -> memref<16x128xi32, #tpu.memory_space<vmem>>
    %dma_start3A_30 = arith.constant 0 : i32
    %dma_start3A_31 = arith.constant 0 : i32
    %dma_start3A_32 = tpu.memref_slice %arg3[%add3A, %dma_start3A_30, %dma_start3A_31] : memref<32x80x128xi32, #tpu.memory_space<hbm>> -> memref<1x16x128xi32, #tpu.memory_space<hbm>>
    %dma_start3A_33 = tpu.memref_squeeze %dma_start3A_32 : memref<1x16x128xi32, #tpu.memory_space<hbm>> -> memref<16x128xi32, #tpu.memory_space<hbm>>
    %dma_start3A_34 = tpu.memref_slice %arg11[%dma_start3A_25] : memref<2x!tpu.dma_semaphore, #tpu.memory_space<semaphore_mem>> -> memref<1x!tpu.dma_semaphore, #tpu.memory_space<semaphore_mem>>
    %dma_start3A_35 = tpu.memref_squeeze %dma_start3A_34 : memref<1x!tpu.dma_semaphore, #tpu.memory_space<semaphore_mem>> -> memref<!tpu.dma_semaphore, #tpu.memory_space<semaphore_mem>>
    %dma_start3A_36 = arith.constant 0 : i32
    %dma_start3A_37 = arith.constant 0 : i32
    %dma_start3A_38 = tpu.memref_slice %arg8[%dma_start3A_24, %dma_start3A_36, %dma_start3A_37] : memref<2x16x128xi32, #tpu.memory_space<vmem>> -> memref<1x16x128xi32, #tpu.memory_space<vmem>>
    %dma_start3A_39 = tpu.memref_squeeze %dma_start3A_38 : memref<1x16x128xi32, #tpu.memory_space<vmem>> -> memref<16x128xi32, #tpu.memory_space<vmem>>
    %dma_start3A_40 = arith.constant 0 : i32
    %dma_start3A_41 = arith.constant 0 : i32
    %dma_start3A_42 = tpu.memref_slice %arg3[%add3A, %dma_start3A_40, %dma_start3A_41] : memref<32x80x128xi32, #tpu.memory_space<hbm>> -> memref<1x16x128xi32, #tpu.memory_space<hbm>>
    %dma_start3A_43 = tpu.memref_squeeze %dma_start3A_42 : memref<1x16x128xi32, #tpu.memory_space<hbm>> -> memref<16x128xi32, #tpu.memory_space<hbm>>
    tpu.enqueue_dma source(%dma_start3A_43 : memref<16x128xi32, #tpu.memory_space<hbm>>) target(%dma_start3A_39 : memref<16x128xi32, #tpu.memory_space<vmem>>) target_semaphore(%dma_start3A_35 : memref<!tpu.dma_semaphore, #tpu.memory_space<semaphore_mem>>)
    %barrier3A = arith.constant 0 : index
    tpu.barrier barrier_id(%barrier3A)
    %dma_wait3A = arith.constant 0 : i32
    %dma_wait3A_44 = arith.constant 0 : i32
    %dma_wait3A_45 = arith.constant 0 : i32
    %dma_wait3A_46 = arith.constant 0 : i32
    %dma_wait3A_47 = tpu.memref_slice %arg7[%dma_wait3A, %dma_wait3A_45, %dma_wait3A_46] : memref<2x16x128xi32, #tpu.memory_space<vmem>> -> memref<1x16x128xi32, #tpu.memory_space<vmem>>
    %dma_wait3A_48 = tpu.memref_squeeze %dma_wait3A_47 : memref<1x16x128xi32, #tpu.memory_space<vmem>> -> memref<16x128xi32, #tpu.memory_space<vmem>>
    %dma_wait3A_49 = arith.constant 0 : i32
    %dma_wait3A_50 = arith.constant 0 : i32
    %dma_wait3A_51 = tpu.memref_slice %arg2[%add3A, %dma_wait3A_49, %dma_wait3A_50] : memref<32x80x128xi32, #tpu.memory_space<hbm>> -> memref<1x16x128xi32, #tpu.memory_space<hbm>>
    %dma_wait3A_52 = tpu.memref_squeeze %dma_wait3A_51 : memref<1x16x128xi32, #tpu.memory_space<hbm>> -> memref<16x128xi32, #tpu.memory_space<hbm>>
    %dma_wait3A_53 = tpu.memref_slice %arg11[%dma_wait3A_44] : memref<2x!tpu.dma_semaphore, #tpu.memory_space<semaphore_mem>> -> memref<1x!tpu.dma_semaphore, #tpu.memory_space<semaphore_mem>>
    %dma_wait3A_54 = tpu.memref_squeeze %dma_wait3A_53 : memref<1x!tpu.dma_semaphore, #tpu.memory_space<semaphore_mem>> -> memref<!tpu.dma_semaphore, #tpu.memory_space<semaphore_mem>>
    %dma_wait3A_55 = arith.constant 0 : i32
    %dma_wait3A_56 = arith.constant 0 : i32
    %dma_wait3A_57 = tpu.memref_slice %arg7[%dma_wait3A, %dma_wait3A_55, %dma_wait3A_56] : memref<2x16x128xi32, #tpu.memory_space<vmem>> -> memref<1x16x128xi32, #tpu.memory_space<vmem>>
    %dma_wait3A_58 = tpu.memref_squeeze %dma_wait3A_57 : memref<1x16x128xi32, #tpu.memory_space<vmem>> -> memref<16x128xi32, #tpu.memory_space<vmem>>
    %dma_wait3A_59 = arith.constant 0 : i32
    %dma_wait3A_60 = arith.constant 0 : i32
    %dma_wait3A_61 = tpu.memref_slice %arg2[%add3A, %dma_wait3A_59, %dma_wait3A_60] : memref<32x80x128xi32, #tpu.memory_space<hbm>> -> memref<1x16x128xi32, #tpu.memory_space<hbm>>
    %dma_wait3A_62 = tpu.memref_squeeze %dma_wait3A_61 : memref<1x16x128xi32, #tpu.memory_space<hbm>> -> memref<16x128xi32, #tpu.memory_space<hbm>>
    tpu.wait_dma2 semaphore(%dma_wait3A_54 : memref<!tpu.dma_semaphore, #tpu.memory_space<semaphore_mem>>) src(%dma_wait3A_62 : memref<16x128xi32, #tpu.memory_space<hbm>>) dst(%dma_wait3A_58 : memref<16x128xi32, #tpu.memory_space<vmem>>)
    %dma_wait3A_63 = arith.constant 0 : i32
    %dma_wait3A_64 = arith.constant 0 : i32
    %dma_wait3A_65 = arith.constant 0 : i32
    %dma_wait3A_66 = arith.constant 0 : i32
    %dma_wait3A_67 = tpu.memref_slice %arg8[%dma_wait3A_63, %dma_wait3A_65, %dma_wait3A_66] : memref<2x16x128xi32, #tpu.memory_space<vmem>> -> memref<1x16x128xi32, #tpu.memory_space<vmem>>
    %dma_wait3A_68 = tpu.memref_squeeze %dma_wait3A_67 : memref<1x16x128xi32, #tpu.memory_space<vmem>> -> memref<16x128xi32, #tpu.memory_space<vmem>>
    %dma_wait3A_69 = arith.constant 0 : i32
    %dma_wait3A_70 = arith.constant 0 : i32
    %dma_wait3A_71 = tpu.memref_slice %arg3[%add3A, %dma_wait3A_69, %dma_wait3A_70] : memref<32x80x128xi32, #tpu.memory_space<hbm>> -> memref<1x16x128xi32, #tpu.memory_space<hbm>>
    %dma_wait3A_72 = tpu.memref_squeeze %dma_wait3A_71 : memref<1x16x128xi32, #tpu.memory_space<hbm>> -> memref<16x128xi32, #tpu.memory_space<hbm>>
    %dma_wait3A_73 = tpu.memref_slice %arg11[%dma_wait3A_64] : memref<2x!tpu.dma_semaphore, #tpu.memory_space<semaphore_mem>> -> memref<1x!tpu.dma_semaphore, #tpu.memory_space<semaphore_mem>>
    %dma_wait3A_74 = tpu.memref_squeeze %dma_wait3A_73 : memref<1x!tpu.dma_semaphore, #tpu.memory_space<semaphore_mem>> -> memref<!tpu.dma_semaphore, #tpu.memory_space<semaphore_mem>>
    %dma_wait3A_75 = arith.constant 0 : i32
    %dma_wait3A_76 = arith.constant 0 : i32
    %dma_wait3A_77 = tpu.memref_slice %arg8[%dma_wait3A_63, %dma_wait3A_75, %dma_wait3A_76] : memref<2x16x128xi32, #tpu.memory_space<vmem>> -> memref<1x16x128xi32, #tpu.memory_space<vmem>>
    %dma_wait3A_78 = tpu.memref_squeeze %dma_wait3A_77 : memref<1x16x128xi32, #tpu.memory_space<vmem>> -> memref<16x128xi32, #tpu.memory_space<vmem>>
    %dma_wait3A_79 = arith.constant 0 : i32
    %dma_wait3A_80 = arith.constant 0 : i32
    %dma_wait3A_81 = tpu.memref_slice %arg3[%add3A, %dma_wait3A_79, %dma_wait3A_80] : memref<32x80x128xi32, #tpu.memory_space<hbm>> -> memref<1x16x128xi32, #tpu.memory_space<hbm>>
    %dma_wait3A_82 = tpu.memref_squeeze %dma_wait3A_81 : memref<1x16x128xi32, #tpu.memory_space<hbm>> -> memref<16x128xi32, #tpu.memory_space<hbm>>
    tpu.wait_dma2 semaphore(%dma_wait3A_74 : memref<!tpu.dma_semaphore, #tpu.memory_space<semaphore_mem>>) src(%dma_wait3A_82 : memref<16x128xi32, #tpu.memory_space<hbm>>) dst(%dma_wait3A_78 : memref<16x128xi32, #tpu.memory_space<vmem>>)
    %dma_start3A_83 = arith.constant 1 : i32
    %dma_start3A_84 = arith.constant 1 : i32
    %dma_start3A_85 = arith.constant 0 : i32
    %dma_start3A_86 = arith.constant 0 : i32
    %dma_start3A_87 = tpu.memref_slice %arg7[%dma_start3A_83, %dma_start3A_85, %dma_start3A_86] : memref<2x16x128xi32, #tpu.memory_space<vmem>> -> memref<1x16x128xi32, #tpu.memory_space<vmem>>
    %dma_start3A_88 = tpu.memref_squeeze %dma_start3A_87 : memref<1x16x128xi32, #tpu.memory_space<vmem>> -> memref<16x128xi32, #tpu.memory_space<vmem>>
    %dma_start3A_89 = arith.constant 16 : i32
    %dma_start3A_90 = arith.constant 0 : i32
    %dma_start3A_91 = tpu.memref_slice %arg2[%add3A, %dma_start3A_89, %dma_start3A_90] : memref<32x80x128xi32, #tpu.memory_space<hbm>> -> memref<1x16x128xi32, #tpu.memory_space<hbm>>
    %dma_start3A_92 = tpu.memref_squeeze %dma_start3A_91 : memref<1x16x128xi32, #tpu.memory_space<hbm>> -> memref<16x128xi32, #tpu.memory_space<hbm>>
    %dma_start3A_93 = tpu.memref_slice %arg11[%dma_start3A_84] : memref<2x!tpu.dma_semaphore, #tpu.memory_space<semaphore_mem>> -> memref<1x!tpu.dma_semaphore, #tpu.memory_space<semaphore_mem>>
    %dma_start3A_94 = tpu.memref_squeeze %dma_start3A_93 : memref<1x!tpu.dma_semaphore, #tpu.memory_space<semaphore_mem>> -> memref<!tpu.dma_semaphore, #tpu.memory_space<semaphore_mem>>
    %dma_start3A_95 = arith.constant 0 : i32
    %dma_start3A_96 = arith.constant 0 : i32
    %dma_start3A_97 = tpu.memref_slice %arg7[%dma_start3A_83, %dma_start3A_95, %dma_start3A_96] : memref<2x16x128xi32, #tpu.memory_space<vmem>> -> memref<1x16x128xi32, #tpu.memory_space<vmem>>
    %dma_start3A_98 = tpu.memref_squeeze %dma_start3A_97 : memref<1x16x128xi32, #tpu.memory_space<vmem>> -> memref<16x128xi32, #tpu.memory_space<vmem>>
    %dma_start3A_99 = arith.constant 16 : i32
    %dma_start3A_100 = arith.constant 0 : i32
    %dma_start3A_101 = tpu.memref_slice %arg2[%add3A, %dma_start3A_99, %dma_start3A_100] : memref<32x80x128xi32, #tpu.memory_space<hbm>> -> memref<1x16x128xi32, #tpu.memory_space<hbm>>
    %dma_start3A_102 = tpu.memref_squeeze %dma_start3A_101 : memref<1x16x128xi32, #tpu.memory_space<hbm>> -> memref<16x128xi32, #tpu.memory_space<hbm>>
    tpu.enqueue_dma source(%dma_start3A_102 : memref<16x128xi32, #tpu.memory_space<hbm>>) target(%dma_start3A_98 : memref<16x128xi32, #tpu.memory_space<vmem>>) target_semaphore(%dma_start3A_94 : memref<!tpu.dma_semaphore, #tpu.memory_space<semaphore_mem>>)
    %dma_start3A_103 = arith.constant 1 : i32
    %dma_start3A_104 = arith.constant 1 : i32
    %dma_start3A_105 = arith.constant 0 : i32
    %dma_start3A_106 = arith.constant 0 : i32
    %dma_start3A_107 = tpu.memref_slice %arg8[%dma_start3A_103, %dma_start3A_105, %dma_start3A_106] : memref<2x16x128xi32, #tpu.memory_space<vmem>> -> memref<1x16x128xi32, #tpu.memory_space<vmem>>
    %dma_start3A_108 = tpu.memref_squeeze %dma_start3A_107 : memref<1x16x128xi32, #tpu.memory_space<vmem>> -> memref<16x128xi32, #tpu.memory_space<vmem>>
    %dma_start3A_109 = arith.constant 16 : i32
    %dma_start3A_110 = arith.constant 0 : i32
    %dma_start3A_111 = tpu.memref_slice %arg3[%add3A, %dma_start3A_109, %dma_start3A_110] : memref<32x80x128xi32, #tpu.memory_space<hbm>> -> memref<1x16x128xi32, #tpu.memory_space<hbm>>
    %dma_start3A_112 = tpu.memref_squeeze %dma_start3A_111 : memref<1x16x128xi32, #tpu.memory_space<hbm>> -> memref<16x128xi32, #tpu.memory_space<hbm>>
    %dma_start3A_113 = tpu.memref_slice %arg11[%dma_start3A_104] : memref<2x!tpu.dma_semaphore, #tpu.memory_space<semaphore_mem>> -> memref<1x!tpu.dma_semaphore, #tpu.memory_space<semaphore_mem>>
    %dma_start3A_114 = tpu.memref_squeeze %dma_start3A_113 : memref<1x!tpu.dma_semaphore, #tpu.memory_space<semaphore_mem>> -> memref<!tpu.dma_semaphore, #tpu.memory_space<semaphore_mem>>
    %dma_start3A_115 = arith.constant 0 : i32
    %dma_start3A_116 = arith.constant 0 : i32
    %dma_start3A_117 = tpu.memref_slice %arg8[%dma_start3A_103, %dma_start3A_115, %dma_start3A_116] : memref<2x16x128xi32, #tpu.memory_space<vmem>> -> memref<1x16x128xi32, #tpu.memory_space<vmem>>
    %dma_start3A_118 = tpu.memref_squeeze %dma_start3A_117 : memref<1x16x128xi32, #tpu.memory_space<vmem>> -> memref<16x128xi32, #tpu.memory_space<vmem>>
    %dma_start3A_119 = arith.constant 16 : i32
    %dma_start3A_120 = arith.constant 0 : i32
    %dma_start3A_121 = tpu.memref_slice %arg3[%add3A, %dma_start3A_119, %dma_start3A_120] : memref<32x80x128xi32, #tpu.memory_space<hbm>> -> memref<1x16x128xi32, #tpu.memory_space<hbm>>
    %dma_start3A_122 = tpu.memref_squeeze %dma_start3A_121 : memref<1x16x128xi32, #tpu.memory_space<hbm>> -> memref<16x128xi32, #tpu.memory_space<hbm>>
    tpu.enqueue_dma source(%dma_start3A_122 : memref<16x128xi32, #tpu.memory_space<hbm>>) target(%dma_start3A_118 : memref<16x128xi32, #tpu.memory_space<vmem>>) target_semaphore(%dma_start3A_114 : memref<!tpu.dma_semaphore, #tpu.memory_space<semaphore_mem>>)
    %scan3A = arith.constant 0 : i32
    %scan3A_123 = arith.constant 0 : i32
    %scan3A_124 = arith.constant 16 : i32
    %scan3A_125 = arith.addi %scan3A_123, %scan3A_124 : i32
    %scan3A_126 = arith.constant 1 : i32
    scf.for %scan3A_437 = %scan3A_123 to %scan3A_125 step %scan3A_126  : i32 {
      %dma_start3A_438 = arith.constant 0 : i32
      %dma_start3A_439 = arith.constant 0 : i32
      %dma_start3A_440 = arith.constant 0 : i32
      %dma_start3A_441 = arith.constant 0 : i32
      %dma_start3A_442 = arith.constant 0 : i32
      %dma_start3A_443 = tpu.memref_slice %arg9[%dma_start3A_439, %dma_start3A_441, %dma_start3A_442] : memref<2x128x128xf32, #tpu.memory_space<vmem>> -> memref<1x128x128xf32, #tpu.memory_space<vmem>>
      %dma_start3A_444 = tpu.memref_squeeze %dma_start3A_443 : memref<1x128x128xf32, #tpu.memory_space<vmem>> -> memref<128x128xf32, #tpu.memory_space<vmem>>
      %dma_start3A_445 = arith.constant 0 : i32
      %dma_start3A_446 = tpu.memref_slice %arg7[%dma_start3A_438, %scan3A_437, %dma_start3A_445] : memref<2x16x128xi32, #tpu.memory_space<vmem>> -> memref<1x1x128xi32, #tpu.memory_space<vmem>>
      %dma_start3A_447 = tpu.memref_squeeze %dma_start3A_446 : memref<1x1x128xi32, #tpu.memory_space<vmem>> -> memref<128xi32, #tpu.memory_space<vmem>>
      %dma_start3A_448 = arith.constant 0 : i32
      %dma_start3A_449 = arith.constant 0 : i32
      %dma_start3A_450 = tpu.memref_slice %arg4[%dma_start3A_448, %dma_start3A_449] : memref<10000x128xf32, #tpu.memory_space<hbm>> -> memref<10000x128xf32, #tpu.memory_space<hbm>>
      %dma_start3A_451 = tpu.memref_slice %arg12[%dma_start3A_440] : memref<2x!tpu.dma_semaphore, #tpu.memory_space<semaphore_mem>> -> memref<1x!tpu.dma_semaphore, #tpu.memory_space<semaphore_mem>>
      %dma_start3A_452 = tpu.memref_squeeze %dma_start3A_451 : memref<1x!tpu.dma_semaphore, #tpu.memory_space<semaphore_mem>> -> memref<!tpu.dma_semaphore, #tpu.memory_space<semaphore_mem>>
      tpu.enqueue_indirect_dma source(%dma_start3A_450 : memref<10000x128xf32, #tpu.memory_space<hbm>>) target(%dma_start3A_444 : memref<128x128xf32, #tpu.memory_space<vmem>>) offsets(%dma_start3A_447 : memref<128xi32, #tpu.memory_space<vmem>>) semaphore(%dma_start3A_452 : memref<!tpu.dma_semaphore, #tpu.memory_space<semaphore_mem>>)
      %dma_wait3A_453 = arith.constant 0 : i32
      %dma_wait3A_454 = arith.constant 0 : i32
      %dma_wait3A_455 = arith.constant 0 : i32
      %dma_wait3A_456 = arith.constant 0 : i32
      %dma_wait3A_457 = arith.constant 0 : i32
      %dma_wait3A_458 = arith.constant 0 : i32
      %dma_wait3A_459 = tpu.memref_slice %arg9[%dma_wait3A_455, %dma_wait3A_457, %dma_wait3A_458] : memref<2x128x128xf32, #tpu.memory_space<vmem>> -> memref<1x128x128xf32, #tpu.memory_space<vmem>>
      %dma_wait3A_460 = tpu.memref_squeeze %dma_wait3A_459 : memref<1x128x128xf32, #tpu.memory_space<vmem>> -> memref<128x128xf32, #tpu.memory_space<vmem>>
      %dma_wait3A_461 = arith.constant 0 : i32
      %dma_wait3A_462 = tpu.memref_slice %arg7[%dma_wait3A_453, %dma_wait3A_454, %dma_wait3A_461] : memref<2x16x128xi32, #tpu.memory_space<vmem>> -> memref<1x1x128xi32, #tpu.memory_space<vmem>>
      %dma_wait3A_463 = tpu.memref_squeeze %dma_wait3A_462 : memref<1x1x128xi32, #tpu.memory_space<vmem>> -> memref<128xi32, #tpu.memory_space<vmem>>
      %dma_wait3A_464 = arith.constant 0 : i32
      %dma_wait3A_465 = arith.constant 0 : i32
      %dma_wait3A_466 = tpu.memref_slice %arg4[%dma_wait3A_464, %dma_wait3A_465] : memref<10000x128xf32, #tpu.memory_space<hbm>> -> memref<10000x128xf32, #tpu.memory_space<hbm>>
      %dma_wait3A_467 = tpu.memref_slice %arg12[%dma_wait3A_456] : memref<2x!tpu.dma_semaphore, #tpu.memory_space<semaphore_mem>> -> memref<1x!tpu.dma_semaphore, #tpu.memory_space<semaphore_mem>>
      %dma_wait3A_468 = tpu.memref_squeeze %dma_wait3A_467 : memref<1x!tpu.dma_semaphore, #tpu.memory_space<semaphore_mem>> -> memref<!tpu.dma_semaphore, #tpu.memory_space<semaphore_mem>>
      tpu.wait_indirect_dma semaphore(%dma_wait3A_468 : memref<!tpu.dma_semaphore, #tpu.memory_space<semaphore_mem>>) src(%dma_wait3A_466 : memref<10000x128xf32, #tpu.memory_space<hbm>>) dst(%dma_wait3A_460 : memref<128x128xf32, #tpu.memory_space<vmem>>)
      %dma_start3A_469 = arith.constant 0 : i32
      %dma_start3A_470 = arith.constant 0 : i32
      %dma_start3A_471 = arith.constant 0 : i32
      %dma_start3A_472 = arith.constant 0 : i32
      %dma_start3A_473 = arith.constant 0 : i32
      %dma_start3A_474 = tpu.memref_slice %arg9[%dma_start3A_469, %dma_start3A_472, %dma_start3A_473] : memref<2x128x128xf32, #tpu.memory_space<vmem>> -> memref<1x128x128xf32, #tpu.memory_space<vmem>>
      %dma_start3A_475 = tpu.memref_squeeze %dma_start3A_474 : memref<1x128x128xf32, #tpu.memory_space<vmem>> -> memref<128x128xf32, #tpu.memory_space<vmem>>
      %dma_start3A_476 = arith.constant 0 : i32
      %dma_start3A_477 = tpu.memref_slice %arg8[%dma_start3A_470, %scan3A_437, %dma_start3A_476] : memref<2x16x128xi32, #tpu.memory_space<vmem>> -> memref<1x1x128xi32, #tpu.memory_space<vmem>>
      %dma_start3A_478 = tpu.memref_squeeze %dma_start3A_477 : memref<1x1x128xi32, #tpu.memory_space<vmem>> -> memref<128xi32, #tpu.memory_space<vmem>>
      %dma_start3A_479 = arith.constant 0 : i32
      %dma_start3A_480 = arith.constant 0 : i32
      %dma_start3A_481 = tpu.memref_slice %arg10[%dma_start3A_479, %dma_start3A_480] : memref<10240x128xf32, #tpu.memory_space<vmem_shared>> -> memref<10240x128xf32, #tpu.memory_space<vmem_shared>>
      %dma_start3A_482 = tpu.memref_slice %arg13[%dma_start3A_471] : memref<2x!tpu.dma_semaphore, #tpu.memory_space<semaphore_mem>> -> memref<1x!tpu.dma_semaphore, #tpu.memory_space<semaphore_mem>>
      %dma_start3A_483 = tpu.memref_squeeze %dma_start3A_482 : memref<1x!tpu.dma_semaphore, #tpu.memory_space<semaphore_mem>> -> memref<!tpu.dma_semaphore, #tpu.memory_space<semaphore_mem>>
      tpu.enqueue_indirect_dma source(%dma_start3A_475 : memref<128x128xf32, #tpu.memory_space<vmem>>) target(%dma_start3A_481 : memref<10240x128xf32, #tpu.memory_space<vmem_shared>>) offsets(%dma_start3A_478 : memref<128xi32, #tpu.memory_space<vmem>>) semaphore(%dma_start3A_483 : memref<!tpu.dma_semaphore, #tpu.memory_space<semaphore_mem>>) {add = true}
      %dma_wait3A_484 = arith.constant 0 : i32
      %dma_wait3A_485 = arith.constant 0 : i32
      %dma_wait3A_486 = arith.constant 0 : i32
      %dma_wait3A_487 = arith.constant 0 : i32
      %dma_wait3A_488 = arith.constant 0 : i32
      %dma_wait3A_489 = arith.constant 0 : i32
      %dma_wait3A_490 = tpu.memref_slice %arg9[%dma_wait3A_484, %dma_wait3A_488, %dma_wait3A_489] : memref<2x128x128xf32, #tpu.memory_space<vmem>> -> memref<1x128x128xf32, #tpu.memory_space<vmem>>
      %dma_wait3A_491 = tpu.memref_squeeze %dma_wait3A_490 : memref<1x128x128xf32, #tpu.memory_space<vmem>> -> memref<128x128xf32, #tpu.memory_space<vmem>>
      %dma_wait3A_492 = arith.constant 0 : i32
      %dma_wait3A_493 = tpu.memref_slice %arg8[%dma_wait3A_485, %dma_wait3A_486, %dma_wait3A_492] : memref<2x16x128xi32, #tpu.memory_space<vmem>> -> memref<1x1x128xi32, #tpu.memory_space<vmem>>
      %dma_wait3A_494 = tpu.memref_squeeze %dma_wait3A_493 : memref<1x1x128xi32, #tpu.memory_space<vmem>> -> memref<128xi32, #tpu.memory_space<vmem>>
      %dma_wait3A_495 = arith.constant 0 : i32
      %dma_wait3A_496 = arith.constant 0 : i32
      %dma_wait3A_497 = tpu.memref_slice %arg10[%dma_wait3A_495, %dma_wait3A_496] : memref<10240x128xf32, #tpu.memory_space<vmem_shared>> -> memref<10240x128xf32, #tpu.memory_space<vmem_shared>>
      %dma_wait3A_498 = tpu.memref_slice %arg13[%dma_wait3A_487] : memref<2x!tpu.dma_semaphore, #tpu.memory_space<semaphore_mem>> -> memref<1x!tpu.dma_semaphore, #tpu.memory_space<semaphore_mem>>
      %dma_wait3A_499 = tpu.memref_squeeze %dma_wait3A_498 : memref<1x!tpu.dma_semaphore, #tpu.memory_space<semaphore_mem>> -> memref<!tpu.dma_semaphore, #tpu.memory_space<semaphore_mem>>
      tpu.wait_indirect_dma semaphore(%dma_wait3A_499 : memref<!tpu.dma_semaphore, #tpu.memory_space<semaphore_mem>>) src(%dma_wait3A_491 : memref<128x128xf32, #tpu.memory_space<vmem>>) dst(%dma_wait3A_497 : memref<10240x128xf32, #tpu.memory_space<vmem_shared>>)
    }
    %scan3A_127 = arith.constant 16 : i32
    %dma_wait3A_128 = arith.constant 1 : i32
    %dma_wait3A_129 = arith.constant 1 : i32
    %dma_wait3A_130 = arith.constant 0 : i32
    %dma_wait3A_131 = arith.constant 0 : i32
    %dma_wait3A_132 = tpu.memref_slice %arg7[%dma_wait3A_128, %dma_wait3A_130, %dma_wait3A_131] : memref<2x16x128xi32, #tpu.memory_space<vmem>> -> memref<1x16x128xi32, #tpu.memory_space<vmem>>
    %dma_wait3A_133 = tpu.memref_squeeze %dma_wait3A_132 : memref<1x16x128xi32, #tpu.memory_space<vmem>> -> memref<16x128xi32, #tpu.memory_space<vmem>>
    %dma_wait3A_134 = arith.constant 0 : i32
    %dma_wait3A_135 = arith.constant 0 : i32
    %dma_wait3A_136 = tpu.memref_slice %arg2[%add3A, %dma_wait3A_134, %dma_wait3A_135] : memref<32x80x128xi32, #tpu.memory_space<hbm>> -> memref<1x16x128xi32, #tpu.memory_space<hbm>>
    %dma_wait3A_137 = tpu.memref_squeeze %dma_wait3A_136 : memref<1x16x128xi32, #tpu.memory_space<hbm>> -> memref<16x128xi32, #tpu.memory_space<hbm>>
    %dma_wait3A_138 = tpu.memref_slice %arg11[%dma_wait3A_129] : memref<2x!tpu.dma_semaphore, #tpu.memory_space<semaphore_mem>> -> memref<1x!tpu.dma_semaphore, #tpu.memory_space<semaphore_mem>>
    %dma_wait3A_139 = tpu.memref_squeeze %dma_wait3A_138 : memref<1x!tpu.dma_semaphore, #tpu.memory_space<semaphore_mem>> -> memref<!tpu.dma_semaphore, #tpu.memory_space<semaphore_mem>>
    %dma_wait3A_140 = arith.constant 0 : i32
    %dma_wait3A_141 = arith.constant 0 : i32
    %dma_wait3A_142 = tpu.memref_slice %arg7[%dma_wait3A_128, %dma_wait3A_140, %dma_wait3A_141] : memref<2x16x128xi32, #tpu.memory_space<vmem>> -> memref<1x16x128xi32, #tpu.memory_space<vmem>>
    %dma_wait3A_143 = tpu.memref_squeeze %dma_wait3A_142 : memref<1x16x128xi32, #tpu.memory_space<vmem>> -> memref<16x128xi32, #tpu.memory_space<vmem>>
    %dma_wait3A_144 = arith.constant 0 : i32
    %dma_wait3A_145 = arith.constant 0 : i32
    %dma_wait3A_146 = tpu.memref_slice %arg2[%add3A, %dma_wait3A_144, %dma_wait3A_145] : memref<32x80x128xi32, #tpu.memory_space<hbm>> -> memref<1x16x128xi32, #tpu.memory_space<hbm>>
    %dma_wait3A_147 = tpu.memref_squeeze %dma_wait3A_146 : memref<1x16x128xi32, #tpu.memory_space<hbm>> -> memref<16x128xi32, #tpu.memory_space<hbm>>
    tpu.wait_dma2 semaphore(%dma_wait3A_139 : memref<!tpu.dma_semaphore, #tpu.memory_space<semaphore_mem>>) src(%dma_wait3A_147 : memref<16x128xi32, #tpu.memory_space<hbm>>) dst(%dma_wait3A_143 : memref<16x128xi32, #tpu.memory_space<vmem>>)
    %dma_wait3A_148 = arith.constant 1 : i32
    %dma_wait3A_149 = arith.constant 1 : i32
    %dma_wait3A_150 = arith.constant 0 : i32
    %dma_wait3A_151 = arith.constant 0 : i32
    %dma_wait3A_152 = tpu.memref_slice %arg8[%dma_wait3A_148, %dma_wait3A_150, %dma_wait3A_151] : memref<2x16x128xi32, #tpu.memory_space<vmem>> -> memref<1x16x128xi32, #tpu.memory_space<vmem>>
    %dma_wait3A_153 = tpu.memref_squeeze %dma_wait3A_152 : memref<1x16x128xi32, #tpu.memory_space<vmem>> -> memref<16x128xi32, #tpu.memory_space<vmem>>
    %dma_wait3A_154 = arith.constant 0 : i32
    %dma_wait3A_155 = arith.constant 0 : i32
    %dma_wait3A_156 = tpu.memref_slice %arg3[%add3A, %dma_wait3A_154, %dma_wait3A_155] : memref<32x80x128xi32, #tpu.memory_space<hbm>> -> memref<1x16x128xi32, #tpu.memory_space<hbm>>
    %dma_wait3A_157 = tpu.memref_squeeze %dma_wait3A_156 : memref<1x16x128xi32, #tpu.memory_space<hbm>> -> memref<16x128xi32, #tpu.memory_space<hbm>>
    %dma_wait3A_158 = tpu.memref_slice %arg11[%dma_wait3A_149] : memref<2x!tpu.dma_semaphore, #tpu.memory_space<semaphore_mem>> -> memref<1x!tpu.dma_semaphore, #tpu.memory_space<semaphore_mem>>
    %dma_wait3A_159 = tpu.memref_squeeze %dma_wait3A_158 : memref<1x!tpu.dma_semaphore, #tpu.memory_space<semaphore_mem>> -> memref<!tpu.dma_semaphore, #tpu.memory_space<semaphore_mem>>
    %dma_wait3A_160 = arith.constant 0 : i32
    %dma_wait3A_161 = arith.constant 0 : i32
    %dma_wait3A_162 = tpu.memref_slice %arg8[%dma_wait3A_148, %dma_wait3A_160, %dma_wait3A_161] : memref<2x16x128xi32, #tpu.memory_space<vmem>> -> memref<1x16x128xi32, #tpu.memory_space<vmem>>
    %dma_wait3A_163 = tpu.memref_squeeze %dma_wait3A_162 : memref<1x16x128xi32, #tpu.memory_space<vmem>> -> memref<16x128xi32, #tpu.memory_space<vmem>>
    %dma_wait3A_164 = arith.constant 0 : i32
    %dma_wait3A_165 = arith.constant 0 : i32
    %dma_wait3A_166 = tpu.memref_slice %arg3[%add3A, %dma_wait3A_164, %dma_wait3A_165] : memref<32x80x128xi32, #tpu.memory_space<hbm>> -> memref<1x16x128xi32, #tpu.memory_space<hbm>>
    %dma_wait3A_167 = tpu.memref_squeeze %dma_wait3A_166 : memref<1x16x128xi32, #tpu.memory_space<hbm>> -> memref<16x128xi32, #tpu.memory_space<hbm>>
    tpu.wait_dma2 semaphore(%dma_wait3A_159 : memref<!tpu.dma_semaphore, #tpu.memory_space<semaphore_mem>>) src(%dma_wait3A_167 : memref<16x128xi32, #tpu.memory_space<hbm>>) dst(%dma_wait3A_163 : memref<16x128xi32, #tpu.memory_space<vmem>>)
    %dma_start3A_168 = arith.constant 0 : i32
    %dma_start3A_169 = arith.constant 0 : i32
    %dma_start3A_170 = arith.constant 0 : i32
    %dma_start3A_171 = arith.constant 0 : i32
    %dma_start3A_172 = tpu.memref_slice %arg7[%dma_start3A_168, %dma_start3A_170, %dma_start3A_171] : memref<2x16x128xi32, #tpu.memory_space<vmem>> -> memref<1x16x128xi32, #tpu.memory_space<vmem>>
    %dma_start3A_173 = tpu.memref_squeeze %dma_start3A_172 : memref<1x16x128xi32, #tpu.memory_space<vmem>> -> memref<16x128xi32, #tpu.memory_space<vmem>>
    %dma_start3A_174 = arith.constant 32 : i32
    %dma_start3A_175 = arith.constant 0 : i32
    %dma_start3A_176 = tpu.memref_slice %arg2[%add3A, %dma_start3A_174, %dma_start3A_175] : memref<32x80x128xi32, #tpu.memory_space<hbm>> -> memref<1x16x128xi32, #tpu.memory_space<hbm>>
    %dma_start3A_177 = tpu.memref_squeeze %dma_start3A_176 : memref<1x16x128xi32, #tpu.memory_space<hbm>> -> memref<16x128xi32, #tpu.memory_space<hbm>>
    %dma_start3A_178 = tpu.memref_slice %arg11[%dma_start3A_169] : memref<2x!tpu.dma_semaphore, #tpu.memory_space<semaphore_mem>> -> memref<1x!tpu.dma_semaphore, #tpu.memory_space<semaphore_mem>>
    %dma_start3A_179 = tpu.memref_squeeze %dma_start3A_178 : memref<1x!tpu.dma_semaphore, #tpu.memory_space<semaphore_mem>> -> memref<!tpu.dma_semaphore, #tpu.memory_space<semaphore_mem>>
    %dma_start3A_180 = arith.constant 0 : i32
    %dma_start3A_181 = arith.constant 0 : i32
    %dma_start3A_182 = tpu.memref_slice %arg7[%dma_start3A_168, %dma_start3A_180, %dma_start3A_181] : memref<2x16x128xi32, #tpu.memory_space<vmem>> -> memref<1x16x128xi32, #tpu.memory_space<vmem>>
    %dma_start3A_183 = tpu.memref_squeeze %dma_start3A_182 : memref<1x16x128xi32, #tpu.memory_space<vmem>> -> memref<16x128xi32, #tpu.memory_space<vmem>>
    %dma_start3A_184 = arith.constant 32 : i32
    %dma_start3A_185 = arith.constant 0 : i32
    %dma_start3A_186 = tpu.memref_slice %arg2[%add3A, %dma_start3A_184, %dma_start3A_185] : memref<32x80x128xi32, #tpu.memory_space<hbm>> -> memref<1x16x128xi32, #tpu.memory_space<hbm>>
    %dma_start3A_187 = tpu.memref_squeeze %dma_start3A_186 : memref<1x16x128xi32, #tpu.memory_space<hbm>> -> memref<16x128xi32, #tpu.memory_space<hbm>>
    tpu.enqueue_dma source(%dma_start3A_187 : memref<16x128xi32, #tpu.memory_space<hbm>>) target(%dma_start3A_183 : memref<16x128xi32, #tpu.memory_space<vmem>>) target_semaphore(%dma_start3A_179 : memref<!tpu.dma_semaphore, #tpu.memory_space<semaphore_mem>>)
    %dma_start3A_188 = arith.constant 0 : i32
    %dma_start3A_189 = arith.constant 0 : i32
    %dma_start3A_190 = arith.constant 0 : i32
    %dma_start3A_191 = arith.constant 0 : i32
    %dma_start3A_192 = tpu.memref_slice %arg8[%dma_start3A_188, %dma_start3A_190, %dma_start3A_191] : memref<2x16x128xi32, #tpu.memory_space<vmem>> -> memref<1x16x128xi32, #tpu.memory_space<vmem>>
    %dma_start3A_193 = tpu.memref_squeeze %dma_start3A_192 : memref<1x16x128xi32, #tpu.memory_space<vmem>> -> memref<16x128xi32, #tpu.memory_space<vmem>>
    %dma_start3A_194 = arith.constant 32 : i32
    %dma_start3A_195 = arith.constant 0 : i32
    %dma_start3A_196 = tpu.memref_slice %arg3[%add3A, %dma_start3A_194, %dma_start3A_195] : memref<32x80x128xi32, #tpu.memory_space<hbm>> -> memref<1x16x128xi32, #tpu.memory_space<hbm>>
    %dma_start3A_197 = tpu.memref_squeeze %dma_start3A_196 : memref<1x16x128xi32, #tpu.memory_space<hbm>> -> memref<16x128xi32, #tpu.memory_space<hbm>>
    %dma_start3A_198 = tpu.memref_slice %arg11[%dma_start3A_189] : memref<2x!tpu.dma_semaphore, #tpu.memory_space<semaphore_mem>> -> memref<1x!tpu.dma_semaphore, #tpu.memory_space<semaphore_mem>>
    %dma_start3A_199 = tpu.memref_squeeze %dma_start3A_198 : memref<1x!tpu.dma_semaphore, #tpu.memory_space<semaphore_mem>> -> memref<!tpu.dma_semaphore, #tpu.memory_space<semaphore_mem>>
    %dma_start3A_200 = arith.constant 0 : i32
    %dma_start3A_201 = arith.constant 0 : i32
    %dma_start3A_202 = tpu.memref_slice %arg8[%dma_start3A_188, %dma_start3A_200, %dma_start3A_201] : memref<2x16x128xi32, #tpu.memory_space<vmem>> -> memref<1x16x128xi32, #tpu.memory_space<vmem>>
    %dma_start3A_203 = tpu.memref_squeeze %dma_start3A_202 : memref<1x16x128xi32, #tpu.memory_space<vmem>> -> memref<16x128xi32, #tpu.memory_space<vmem>>
    %dma_start3A_204 = arith.constant 32 : i32
    %dma_start3A_205 = arith.constant 0 : i32
    %dma_start3A_206 = tpu.memref_slice %arg3[%add3A, %dma_start3A_204, %dma_start3A_205] : memref<32x80x128xi32, #tpu.memory_space<hbm>> -> memref<1x16x128xi32, #tpu.memory_space<hbm>>
    %dma_start3A_207 = tpu.memref_squeeze %dma_start3A_206 : memref<1x16x128xi32, #tpu.memory_space<hbm>> -> memref<16x128xi32, #tpu.memory_space<hbm>>
    tpu.enqueue_dma source(%dma_start3A_207 : memref<16x128xi32, #tpu.memory_space<hbm>>) target(%dma_start3A_203 : memref<16x128xi32, #tpu.memory_space<vmem>>) target_semaphore(%dma_start3A_199 : memref<!tpu.dma_semaphore, #tpu.memory_space<semaphore_mem>>)
    %scan3A_208 = arith.constant 0 : i32
    %scan3A_209 = arith.constant 0 : i32
    %scan3A_210 = arith.constant 16 : i32
    %scan3A_211 = arith.addi %scan3A_209, %scan3A_210 : i32
    %scan3A_212 = arith.constant 1 : i32
    scf.for %scan3A_437 = %scan3A_209 to %scan3A_211 step %scan3A_212  : i32 {
      %dma_start3A_438 = arith.constant 1 : i32
      %dma_start3A_439 = arith.constant 0 : i32
      %dma_start3A_440 = arith.constant 0 : i32
      %dma_start3A_441 = arith.constant 0 : i32
      %dma_start3A_442 = arith.constant 0 : i32
      %dma_start3A_443 = tpu.memref_slice %arg9[%dma_start3A_439, %dma_start3A_441, %dma_start3A_442] : memref<2x128x128xf32, #tpu.memory_space<vmem>> -> memref<1x128x128xf32, #tpu.memory_space<vmem>>
      %dma_start3A_444 = tpu.memref_squeeze %dma_start3A_443 : memref<1x128x128xf32, #tpu.memory_space<vmem>> -> memref<128x128xf32, #tpu.memory_space<vmem>>
      %dma_start3A_445 = arith.constant 0 : i32
      %dma_start3A_446 = tpu.memref_slice %arg7[%dma_start3A_438, %scan3A_437, %dma_start3A_445] : memref<2x16x128xi32, #tpu.memory_space<vmem>> -> memref<1x1x128xi32, #tpu.memory_space<vmem>>
      %dma_start3A_447 = tpu.memref_squeeze %dma_start3A_446 : memref<1x1x128xi32, #tpu.memory_space<vmem>> -> memref<128xi32, #tpu.memory_space<vmem>>
      %dma_start3A_448 = arith.constant 0 : i32
      %dma_start3A_449 = arith.constant 0 : i32
      %dma_start3A_450 = tpu.memref_slice %arg4[%dma_start3A_448, %dma_start3A_449] : memref<10000x128xf32, #tpu.memory_space<hbm>> -> memref<10000x128xf32, #tpu.memory_space<hbm>>
      %dma_start3A_451 = tpu.memref_slice %arg12[%dma_start3A_440] : memref<2x!tpu.dma_semaphore, #tpu.memory_space<semaphore_mem>> -> memref<1x!tpu.dma_semaphore, #tpu.memory_space<semaphore_mem>>
      %dma_start3A_452 = tpu.memref_squeeze %dma_start3A_451 : memref<1x!tpu.dma_semaphore, #tpu.memory_space<semaphore_mem>> -> memref<!tpu.dma_semaphore, #tpu.memory_space<semaphore_mem>>
      tpu.enqueue_indirect_dma source(%dma_start3A_450 : memref<10000x128xf32, #tpu.memory_space<hbm>>) target(%dma_start3A_444 : memref<128x128xf32, #tpu.memory_space<vmem>>) offsets(%dma_start3A_447 : memref<128xi32, #tpu.memory_space<vmem>>) semaphore(%dma_start3A_452 : memref<!tpu.dma_semaphore, #tpu.memory_space<semaphore_mem>>)
      %dma_wait3A_453 = arith.constant 0 : i32
      %dma_wait3A_454 = arith.constant 0 : i32
      %dma_wait3A_455 = arith.constant 0 : i32
      %dma_wait3A_456 = arith.constant 0 : i32
      %dma_wait3A_457 = arith.constant 0 : i32
      %dma_wait3A_458 = arith.constant 0 : i32
      %dma_wait3A_459 = tpu.memref_slice %arg9[%dma_wait3A_455, %dma_wait3A_457, %dma_wait3A_458] : memref<2x128x128xf32, #tpu.memory_space<vmem>> -> memref<1x128x128xf32, #tpu.memory_space<vmem>>
      %dma_wait3A_460 = tpu.memref_squeeze %dma_wait3A_459 : memref<1x128x128xf32, #tpu.memory_space<vmem>> -> memref<128x128xf32, #tpu.memory_space<vmem>>
      %dma_wait3A_461 = arith.constant 0 : i32
      %dma_wait3A_462 = tpu.memref_slice %arg7[%dma_wait3A_453, %dma_wait3A_454, %dma_wait3A_461] : memref<2x16x128xi32, #tpu.memory_space<vmem>> -> memref<1x1x128xi32, #tpu.memory_space<vmem>>
      %dma_wait3A_463 = tpu.memref_squeeze %dma_wait3A_462 : memref<1x1x128xi32, #tpu.memory_space<vmem>> -> memref<128xi32, #tpu.memory_space<vmem>>
      %dma_wait3A_464 = arith.constant 0 : i32
      %dma_wait3A_465 = arith.constant 0 : i32
      %dma_wait3A_466 = tpu.memref_slice %arg4[%dma_wait3A_464, %dma_wait3A_465] : memref<10000x128xf32, #tpu.memory_space<hbm>> -> memref<10000x128xf32, #tpu.memory_space<hbm>>
      %dma_wait3A_467 = tpu.memref_slice %arg12[%dma_wait3A_456] : memref<2x!tpu.dma_semaphore, #tpu.memory_space<semaphore_mem>> -> memref<1x!tpu.dma_semaphore, #tpu.memory_space<semaphore_mem>>
      %dma_wait3A_468 = tpu.memref_squeeze %dma_wait3A_467 : memref<1x!tpu.dma_semaphore, #tpu.memory_space<semaphore_mem>> -> memref<!tpu.dma_semaphore, #tpu.memory_space<semaphore_mem>>
      tpu.wait_indirect_dma semaphore(%dma_wait3A_468 : memref<!tpu.dma_semaphore, #tpu.memory_space<semaphore_mem>>) src(%dma_wait3A_466 : memref<10000x128xf32, #tpu.memory_space<hbm>>) dst(%dma_wait3A_460 : memref<128x128xf32, #tpu.memory_space<vmem>>)
      %dma_start3A_469 = arith.constant 0 : i32
      %dma_start3A_470 = arith.constant 1 : i32
      %dma_start3A_471 = arith.constant 0 : i32
      %dma_start3A_472 = arith.constant 0 : i32
      %dma_start3A_473 = arith.constant 0 : i32
      %dma_start3A_474 = tpu.memref_slice %arg9[%dma_start3A_469, %dma_start3A_472, %dma_start3A_473] : memref<2x128x128xf32, #tpu.memory_space<vmem>> -> memref<1x128x128xf32, #tpu.memory_space<vmem>>
      %dma_start3A_475 = tpu.memref_squeeze %dma_start3A_474 : memref<1x128x128xf32, #tpu.memory_space<vmem>> -> memref<128x128xf32, #tpu.memory_space<vmem>>
      %dma_start3A_476 = arith.constant 0 : i32
      %dma_start3A_477 = tpu.memref_slice %arg8[%dma_start3A_470, %scan3A_437, %dma_start3A_476] : memref<2x16x128xi32, #tpu.memory_space<vmem>> -> memref<1x1x128xi32, #tpu.memory_space<vmem>>
      %dma_start3A_478 = tpu.memref_squeeze %dma_start3A_477 : memref<1x1x128xi32, #tpu.memory_space<vmem>> -> memref<128xi32, #tpu.memory_space<vmem>>
      %dma_start3A_479 = arith.constant 0 : i32
      %dma_start3A_480 = arith.constant 0 : i32
      %dma_start3A_481 = tpu.memref_slice %arg10[%dma_start3A_479, %dma_start3A_480] : memref<10240x128xf32, #tpu.memory_space<vmem_shared>> -> memref<10240x128xf32, #tpu.memory_space<vmem_shared>>
      %dma_start3A_482 = tpu.memref_slice %arg13[%dma_start3A_471] : memref<2x!tpu.dma_semaphore, #tpu.memory_space<semaphore_mem>> -> memref<1x!tpu.dma_semaphore, #tpu.memory_space<semaphore_mem>>
      %dma_start3A_483 = tpu.memref_squeeze %dma_start3A_482 : memref<1x!tpu.dma_semaphore, #tpu.memory_space<semaphore_mem>> -> memref<!tpu.dma_semaphore, #tpu.memory_space<semaphore_mem>>
      tpu.enqueue_indirect_dma source(%dma_start3A_475 : memref<128x128xf32, #tpu.memory_space<vmem>>) target(%dma_start3A_481 : memref<10240x128xf32, #tpu.memory_space<vmem_shared>>) offsets(%dma_start3A_478 : memref<128xi32, #tpu.memory_space<vmem>>) semaphore(%dma_start3A_483 : memref<!tpu.dma_semaphore, #tpu.memory_space<semaphore_mem>>) {add = true}
      %dma_wait3A_484 = arith.constant 0 : i32
      %dma_wait3A_485 = arith.constant 0 : i32
      %dma_wait3A_486 = arith.constant 0 : i32
      %dma_wait3A_487 = arith.constant 0 : i32
      %dma_wait3A_488 = arith.constant 0 : i32
      %dma_wait3A_489 = arith.constant 0 : i32
      %dma_wait3A_490 = tpu.memref_slice %arg9[%dma_wait3A_484, %dma_wait3A_488, %dma_wait3A_489] : memref<2x128x128xf32, #tpu.memory_space<vmem>> -> memref<1x128x128xf32, #tpu.memory_space<vmem>>
      %dma_wait3A_491 = tpu.memref_squeeze %dma_wait3A_490 : memref<1x128x128xf32, #tpu.memory_space<vmem>> -> memref<128x128xf32, #tpu.memory_space<vmem>>
      %dma_wait3A_492 = arith.constant 0 : i32
      %dma_wait3A_493 = tpu.memref_slice %arg8[%dma_wait3A_485, %dma_wait3A_486, %dma_wait3A_492] : memref<2x16x128xi32, #tpu.memory_space<vmem>> -> memref<1x1x128xi32, #tpu.memory_space<vmem>>
      %dma_wait3A_494 = tpu.memref_squeeze %dma_wait3A_493 : memref<1x1x128xi32, #tpu.memory_space<vmem>> -> memref<128xi32, #tpu.memory_space<vmem>>
      %dma_wait3A_495 = arith.constant 0 : i32
      %dma_wait3A_496 = arith.constant 0 : i32
      %dma_wait3A_497 = tpu.memref_slice %arg10[%dma_wait3A_495, %dma_wait3A_496] : memref<10240x128xf32, #tpu.memory_space<vmem_shared>> -> memref<10240x128xf32, #tpu.memory_space<vmem_shared>>
      %dma_wait3A_498 = tpu.memref_slice %arg13[%dma_wait3A_487] : memref<2x!tpu.dma_semaphore, #tpu.memory_space<semaphore_mem>> -> memref<1x!tpu.dma_semaphore, #tpu.memory_space<semaphore_mem>>
      %dma_wait3A_499 = tpu.memref_squeeze %dma_wait3A_498 : memref<1x!tpu.dma_semaphore, #tpu.memory_space<semaphore_mem>> -> memref<!tpu.dma_semaphore, #tpu.memory_space<semaphore_mem>>
      tpu.wait_indirect_dma semaphore(%dma_wait3A_499 : memref<!tpu.dma_semaphore, #tpu.memory_space<semaphore_mem>>) src(%dma_wait3A_491 : memref<128x128xf32, #tpu.memory_space<vmem>>) dst(%dma_wait3A_497 : memref<10240x128xf32, #tpu.memory_space<vmem_shared>>)
    }
    %scan3A_213 = arith.constant 16 : i32
    %dma_wait3A_214 = arith.constant 0 : i32
    %dma_wait3A_215 = arith.constant 0 : i32
    %dma_wait3A_216 = arith.constant 0 : i32
    %dma_wait3A_217 = arith.constant 0 : i32
    %dma_wait3A_218 = tpu.memref_slice %arg7[%dma_wait3A_214, %dma_wait3A_216, %dma_wait3A_217] : memref<2x16x128xi32, #tpu.memory_space<vmem>> -> memref<1x16x128xi32, #tpu.memory_space<vmem>>
    %dma_wait3A_219 = tpu.memref_squeeze %dma_wait3A_218 : memref<1x16x128xi32, #tpu.memory_space<vmem>> -> memref<16x128xi32, #tpu.memory_space<vmem>>
    %dma_wait3A_220 = arith.constant 0 : i32
    %dma_wait3A_221 = arith.constant 0 : i32
    %dma_wait3A_222 = tpu.memref_slice %arg2[%add3A, %dma_wait3A_220, %dma_wait3A_221] : memref<32x80x128xi32, #tpu.memory_space<hbm>> -> memref<1x16x128xi32, #tpu.memory_space<hbm>>
    %dma_wait3A_223 = tpu.memref_squeeze %dma_wait3A_222 : memref<1x16x128xi32, #tpu.memory_space<hbm>> -> memref<16x128xi32, #tpu.memory_space<hbm>>
    %dma_wait3A_224 = tpu.memref_slice %arg11[%dma_wait3A_215] : memref<2x!tpu.dma_semaphore, #tpu.memory_space<semaphore_mem>> -> memref<1x!tpu.dma_semaphore, #tpu.memory_space<semaphore_mem>>
    %dma_wait3A_225 = tpu.memref_squeeze %dma_wait3A_224 : memref<1x!tpu.dma_semaphore, #tpu.memory_space<semaphore_mem>> -> memref<!tpu.dma_semaphore, #tpu.memory_space<semaphore_mem>>
    %dma_wait3A_226 = arith.constant 0 : i32
    %dma_wait3A_227 = arith.constant 0 : i32
    %dma_wait3A_228 = tpu.memref_slice %arg7[%dma_wait3A_214, %dma_wait3A_226, %dma_wait3A_227] : memref<2x16x128xi32, #tpu.memory_space<vmem>> -> memref<1x16x128xi32, #tpu.memory_space<vmem>>
    %dma_wait3A_229 = tpu.memref_squeeze %dma_wait3A_228 : memref<1x16x128xi32, #tpu.memory_space<vmem>> -> memref<16x128xi32, #tpu.memory_space<vmem>>
    %dma_wait3A_230 = arith.constant 0 : i32
    %dma_wait3A_231 = arith.constant 0 : i32
    %dma_wait3A_232 = tpu.memref_slice %arg2[%add3A, %dma_wait3A_230, %dma_wait3A_231] : memref<32x80x128xi32, #tpu.memory_space<hbm>> -> memref<1x16x128xi32, #tpu.memory_space<hbm>>
    %dma_wait3A_233 = tpu.memref_squeeze %dma_wait3A_232 : memref<1x16x128xi32, #tpu.memory_space<hbm>> -> memref<16x128xi32, #tpu.memory_space<hbm>>
    tpu.wait_dma2 semaphore(%dma_wait3A_225 : memref<!tpu.dma_semaphore, #tpu.memory_space<semaphore_mem>>) src(%dma_wait3A_233 : memref<16x128xi32, #tpu.memory_space<hbm>>) dst(%dma_wait3A_229 : memref<16x128xi32, #tpu.memory_space<vmem>>)
    %dma_wait3A_234 = arith.constant 0 : i32
    %dma_wait3A_235 = arith.constant 0 : i32
    %dma_wait3A_236 = arith.constant 0 : i32
    %dma_wait3A_237 = arith.constant 0 : i32
    %dma_wait3A_238 = tpu.memref_slice %arg8[%dma_wait3A_234, %dma_wait3A_236, %dma_wait3A_237] : memref<2x16x128xi32, #tpu.memory_space<vmem>> -> memref<1x16x128xi32, #tpu.memory_space<vmem>>
    %dma_wait3A_239 = tpu.memref_squeeze %dma_wait3A_238 : memref<1x16x128xi32, #tpu.memory_space<vmem>> -> memref<16x128xi32, #tpu.memory_space<vmem>>
    %dma_wait3A_240 = arith.constant 0 : i32
    %dma_wait3A_241 = arith.constant 0 : i32
    %dma_wait3A_242 = tpu.memref_slice %arg3[%add3A, %dma_wait3A_240, %dma_wait3A_241] : memref<32x80x128xi32, #tpu.memory_space<hbm>> -> memref<1x16x128xi32, #tpu.memory_space<hbm>>
    %dma_wait3A_243 = tpu.memref_squeeze %dma_wait3A_242 : memref<1x16x128xi32, #tpu.memory_space<hbm>> -> memref<16x128xi32, #tpu.memory_space<hbm>>
    %dma_wait3A_244 = tpu.memref_slice %arg11[%dma_wait3A_235] : memref<2x!tpu.dma_semaphore, #tpu.memory_space<semaphore_mem>> -> memref<1x!tpu.dma_semaphore, #tpu.memory_space<semaphore_mem>>
    %dma_wait3A_245 = tpu.memref_squeeze %dma_wait3A_244 : memref<1x!tpu.dma_semaphore, #tpu.memory_space<semaphore_mem>> -> memref<!tpu.dma_semaphore, #tpu.memory_space<semaphore_mem>>
    %dma_wait3A_246 = arith.constant 0 : i32
    %dma_wait3A_247 = arith.constant 0 : i32
    %dma_wait3A_248 = tpu.memref_slice %arg8[%dma_wait3A_234, %dma_wait3A_246, %dma_wait3A_247] : memref<2x16x128xi32, #tpu.memory_space<vmem>> -> memref<1x16x128xi32, #tpu.memory_space<vmem>>
    %dma_wait3A_249 = tpu.memref_squeeze %dma_wait3A_248 : memref<1x16x128xi32, #tpu.memory_space<vmem>> -> memref<16x128xi32, #tpu.memory_space<vmem>>
    %dma_wait3A_250 = arith.constant 0 : i32
    %dma_wait3A_251 = arith.constant 0 : i32
    %dma_wait3A_252 = tpu.memref_slice %arg3[%add3A, %dma_wait3A_250, %dma_wait3A_251] : memref<32x80x128xi32, #tpu.memory_space<hbm>> -> memref<1x16x128xi32, #tpu.memory_space<hbm>>
    %dma_wait3A_253 = tpu.memref_squeeze %dma_wait3A_252 : memref<1x16x128xi32, #tpu.memory_space<hbm>> -> memref<16x128xi32, #tpu.memory_space<hbm>>
    tpu.wait_dma2 semaphore(%dma_wait3A_245 : memref<!tpu.dma_semaphore, #tpu.memory_space<semaphore_mem>>) src(%dma_wait3A_253 : memref<16x128xi32, #tpu.memory_space<hbm>>) dst(%dma_wait3A_249 : memref<16x128xi32, #tpu.memory_space<vmem>>)
    %dma_start3A_254 = arith.constant 1 : i32
    %dma_start3A_255 = arith.constant 1 : i32
    %dma_start3A_256 = arith.constant 0 : i32
    %dma_start3A_257 = arith.constant 0 : i32
    %dma_start3A_258 = tpu.memref_slice %arg7[%dma_start3A_254, %dma_start3A_256, %dma_start3A_257] : memref<2x16x128xi32, #tpu.memory_space<vmem>> -> memref<1x16x128xi32, #tpu.memory_space<vmem>>
    %dma_start3A_259 = tpu.memref_squeeze %dma_start3A_258 : memref<1x16x128xi32, #tpu.memory_space<vmem>> -> memref<16x128xi32, #tpu.memory_space<vmem>>
    %dma_start3A_260 = arith.constant 48 : i32
    %dma_start3A_261 = arith.constant 0 : i32
    %dma_start3A_262 = tpu.memref_slice %arg2[%add3A, %dma_start3A_260, %dma_start3A_261] : memref<32x80x128xi32, #tpu.memory_space<hbm>> -> memref<1x16x128xi32, #tpu.memory_space<hbm>>
    %dma_start3A_263 = tpu.memref_squeeze %dma_start3A_262 : memref<1x16x128xi32, #tpu.memory_space<hbm>> -> memref<16x128xi32, #tpu.memory_space<hbm>>
    %dma_start3A_264 = tpu.memref_slice %arg11[%dma_start3A_255] : memref<2x!tpu.dma_semaphore, #tpu.memory_space<semaphore_mem>> -> memref<1x!tpu.dma_semaphore, #tpu.memory_space<semaphore_mem>>
    %dma_start3A_265 = tpu.memref_squeeze %dma_start3A_264 : memref<1x!tpu.dma_semaphore, #tpu.memory_space<semaphore_mem>> -> memref<!tpu.dma_semaphore, #tpu.memory_space<semaphore_mem>>
    %dma_start3A_266 = arith.constant 0 : i32
    %dma_start3A_267 = arith.constant 0 : i32
    %dma_start3A_268 = tpu.memref_slice %arg7[%dma_start3A_254, %dma_start3A_266, %dma_start3A_267] : memref<2x16x128xi32, #tpu.memory_space<vmem>> -> memref<1x16x128xi32, #tpu.memory_space<vmem>>
    %dma_start3A_269 = tpu.memref_squeeze %dma_start3A_268 : memref<1x16x128xi32, #tpu.memory_space<vmem>> -> memref<16x128xi32, #tpu.memory_space<vmem>>
    %dma_start3A_270 = arith.constant 48 : i32
    %dma_start3A_271 = arith.constant 0 : i32
    %dma_start3A_272 = tpu.memref_slice %arg2[%add3A, %dma_start3A_270, %dma_start3A_271] : memref<32x80x128xi32, #tpu.memory_space<hbm>> -> memref<1x16x128xi32, #tpu.memory_space<hbm>>
    %dma_start3A_273 = tpu.memref_squeeze %dma_start3A_272 : memref<1x16x128xi32, #tpu.memory_space<hbm>> -> memref<16x128xi32, #tpu.memory_space<hbm>>
    tpu.enqueue_dma source(%dma_start3A_273 : memref<16x128xi32, #tpu.memory_space<hbm>>) target(%dma_start3A_269 : memref<16x128xi32, #tpu.memory_space<vmem>>) target_semaphore(%dma_start3A_265 : memref<!tpu.dma_semaphore, #tpu.memory_space<semaphore_mem>>)
    %dma_start3A_274 = arith.constant 1 : i32
    %dma_start3A_275 = arith.constant 1 : i32
    %dma_start3A_276 = arith.constant 0 : i32
    %dma_start3A_277 = arith.constant 0 : i32
    %dma_start3A_278 = tpu.memref_slice %arg8[%dma_start3A_274, %dma_start3A_276, %dma_start3A_277] : memref<2x16x128xi32, #tpu.memory_space<vmem>> -> memref<1x16x128xi32, #tpu.memory_space<vmem>>
    %dma_start3A_279 = tpu.memref_squeeze %dma_start3A_278 : memref<1x16x128xi32, #tpu.memory_space<vmem>> -> memref<16x128xi32, #tpu.memory_space<vmem>>
    %dma_start3A_280 = arith.constant 48 : i32
    %dma_start3A_281 = arith.constant 0 : i32
    %dma_start3A_282 = tpu.memref_slice %arg3[%add3A, %dma_start3A_280, %dma_start3A_281] : memref<32x80x128xi32, #tpu.memory_space<hbm>> -> memref<1x16x128xi32, #tpu.memory_space<hbm>>
    %dma_start3A_283 = tpu.memref_squeeze %dma_start3A_282 : memref<1x16x128xi32, #tpu.memory_space<hbm>> -> memref<16x128xi32, #tpu.memory_space<hbm>>
    %dma_start3A_284 = tpu.memref_slice %arg11[%dma_start3A_275] : memref<2x!tpu.dma_semaphore, #tpu.memory_space<semaphore_mem>> -> memref<1x!tpu.dma_semaphore, #tpu.memory_space<semaphore_mem>>
    %dma_start3A_285 = tpu.memref_squeeze %dma_start3A_284 : memref<1x!tpu.dma_semaphore, #tpu.memory_space<semaphore_mem>> -> memref<!tpu.dma_semaphore, #tpu.memory_space<semaphore_mem>>
    %dma_start3A_286 = arith.constant 0 : i32
    %dma_start3A_287 = arith.constant 0 : i32
    %dma_start3A_288 = tpu.memref_slice %arg8[%dma_start3A_274, %dma_start3A_286, %dma_start3A_287] : memref<2x16x128xi32, #tpu.memory_space<vmem>> -> memref<1x16x128xi32, #tpu.memory_space<vmem>>
    %dma_start3A_289 = tpu.memref_squeeze %dma_start3A_288 : memref<1x16x128xi32, #tpu.memory_space<vmem>> -> memref<16x128xi32, #tpu.memory_space<vmem>>
    %dma_start3A_290 = arith.constant 48 : i32
    %dma_start3A_291 = arith.constant 0 : i32
    %dma_start3A_292 = tpu.memref_slice %arg3[%add3A, %dma_start3A_290, %dma_start3A_291] : memref<32x80x128xi32, #tpu.memory_space<hbm>> -> memref<1x16x128xi32, #tpu.memory_space<hbm>>
    %dma_start3A_293 = tpu.memref_squeeze %dma_start3A_292 : memref<1x16x128xi32, #tpu.memory_space<hbm>> -> memref<16x128xi32, #tpu.memory_space<hbm>>
    tpu.enqueue_dma source(%dma_start3A_293 : memref<16x128xi32, #tpu.memory_space<hbm>>) target(%dma_start3A_289 : memref<16x128xi32, #tpu.memory_space<vmem>>) target_semaphore(%dma_start3A_285 : memref<!tpu.dma_semaphore, #tpu.memory_space<semaphore_mem>>)
    %scan3A_294 = arith.constant 0 : i32
    %scan3A_295 = arith.constant 0 : i32
    %scan3A_296 = arith.constant 16 : i32
    %scan3A_297 = arith.addi %scan3A_295, %scan3A_296 : i32
    %scan3A_298 = arith.constant 1 : i32
    scf.for %scan3A_437 = %scan3A_295 to %scan3A_297 step %scan3A_298  : i32 {
      %dma_start3A_438 = arith.constant 0 : i32
      %dma_start3A_439 = arith.constant 0 : i32
      %dma_start3A_440 = arith.constant 0 : i32
      %dma_start3A_441 = arith.constant 0 : i32
      %dma_start3A_442 = arith.constant 0 : i32
      %dma_start3A_443 = tpu.memref_slice %arg9[%dma_start3A_439, %dma_start3A_441, %dma_start3A_442] : memref<2x128x128xf32, #tpu.memory_space<vmem>> -> memref<1x128x128xf32, #tpu.memory_space<vmem>>
      %dma_start3A_444 = tpu.memref_squeeze %dma_start3A_443 : memref<1x128x128xf32, #tpu.memory_space<vmem>> -> memref<128x128xf32, #tpu.memory_space<vmem>>
      %dma_start3A_445 = arith.constant 0 : i32
      %dma_start3A_446 = tpu.memref_slice %arg7[%dma_start3A_438, %scan3A_437, %dma_start3A_445] : memref<2x16x128xi32, #tpu.memory_space<vmem>> -> memref<1x1x128xi32, #tpu.memory_space<vmem>>
      %dma_start3A_447 = tpu.memref_squeeze %dma_start3A_446 : memref<1x1x128xi32, #tpu.memory_space<vmem>> -> memref<128xi32, #tpu.memory_space<vmem>>
      %dma_start3A_448 = arith.constant 0 : i32
      %dma_start3A_449 = arith.constant 0 : i32
      %dma_start3A_450 = tpu.memref_slice %arg4[%dma_start3A_448, %dma_start3A_449] : memref<10000x128xf32, #tpu.memory_space<hbm>> -> memref<10000x128xf32, #tpu.memory_space<hbm>>
      %dma_start3A_451 = tpu.memref_slice %arg12[%dma_start3A_440] : memref<2x!tpu.dma_semaphore, #tpu.memory_space<semaphore_mem>> -> memref<1x!tpu.dma_semaphore, #tpu.memory_space<semaphore_mem>>
      %dma_start3A_452 = tpu.memref_squeeze %dma_start3A_451 : memref<1x!tpu.dma_semaphore, #tpu.memory_space<semaphore_mem>> -> memref<!tpu.dma_semaphore, #tpu.memory_space<semaphore_mem>>
      tpu.enqueue_indirect_dma source(%dma_start3A_450 : memref<10000x128xf32, #tpu.memory_space<hbm>>) target(%dma_start3A_444 : memref<128x128xf32, #tpu.memory_space<vmem>>) offsets(%dma_start3A_447 : memref<128xi32, #tpu.memory_space<vmem>>) semaphore(%dma_start3A_452 : memref<!tpu.dma_semaphore, #tpu.memory_space<semaphore_mem>>)
      %dma_wait3A_453 = arith.constant 0 : i32
      %dma_wait3A_454 = arith.constant 0 : i32
      %dma_wait3A_455 = arith.constant 0 : i32
      %dma_wait3A_456 = arith.constant 0 : i32
      %dma_wait3A_457 = arith.constant 0 : i32
      %dma_wait3A_458 = arith.constant 0 : i32
      %dma_wait3A_459 = tpu.memref_slice %arg9[%dma_wait3A_455, %dma_wait3A_457, %dma_wait3A_458] : memref<2x128x128xf32, #tpu.memory_space<vmem>> -> memref<1x128x128xf32, #tpu.memory_space<vmem>>
      %dma_wait3A_460 = tpu.memref_squeeze %dma_wait3A_459 : memref<1x128x128xf32, #tpu.memory_space<vmem>> -> memref<128x128xf32, #tpu.memory_space<vmem>>
      %dma_wait3A_461 = arith.constant 0 : i32
      %dma_wait3A_462 = tpu.memref_slice %arg7[%dma_wait3A_453, %dma_wait3A_454, %dma_wait3A_461] : memref<2x16x128xi32, #tpu.memory_space<vmem>> -> memref<1x1x128xi32, #tpu.memory_space<vmem>>
      %dma_wait3A_463 = tpu.memref_squeeze %dma_wait3A_462 : memref<1x1x128xi32, #tpu.memory_space<vmem>> -> memref<128xi32, #tpu.memory_space<vmem>>
      %dma_wait3A_464 = arith.constant 0 : i32
      %dma_wait3A_465 = arith.constant 0 : i32
      %dma_wait3A_466 = tpu.memref_slice %arg4[%dma_wait3A_464, %dma_wait3A_465] : memref<10000x128xf32, #tpu.memory_space<hbm>> -> memref<10000x128xf32, #tpu.memory_space<hbm>>
      %dma_wait3A_467 = tpu.memref_slice %arg12[%dma_wait3A_456] : memref<2x!tpu.dma_semaphore, #tpu.memory_space<semaphore_mem>> -> memref<1x!tpu.dma_semaphore, #tpu.memory_space<semaphore_mem>>
      %dma_wait3A_468 = tpu.memref_squeeze %dma_wait3A_467 : memref<1x!tpu.dma_semaphore, #tpu.memory_space<semaphore_mem>> -> memref<!tpu.dma_semaphore, #tpu.memory_space<semaphore_mem>>
      tpu.wait_indirect_dma semaphore(%dma_wait3A_468 : memref<!tpu.dma_semaphore, #tpu.memory_space<semaphore_mem>>) src(%dma_wait3A_466 : memref<10000x128xf32, #tpu.memory_space<hbm>>) dst(%dma_wait3A_460 : memref<128x128xf32, #tpu.memory_space<vmem>>)
      %dma_start3A_469 = arith.constant 0 : i32
      %dma_start3A_470 = arith.constant 0 : i32
      %dma_start3A_471 = arith.constant 0 : i32
      %dma_start3A_472 = arith.constant 0 : i32
      %dma_start3A_473 = arith.constant 0 : i32
      %dma_start3A_474 = tpu.memref_slice %arg9[%dma_start3A_469, %dma_start3A_472, %dma_start3A_473] : memref<2x128x128xf32, #tpu.memory_space<vmem>> -> memref<1x128x128xf32, #tpu.memory_space<vmem>>
      %dma_start3A_475 = tpu.memref_squeeze %dma_start3A_474 : memref<1x128x128xf32, #tpu.memory_space<vmem>> -> memref<128x128xf32, #tpu.memory_space<vmem>>
      %dma_start3A_476 = arith.constant 0 : i32
      %dma_start3A_477 = tpu.memref_slice %arg8[%dma_start3A_470, %scan3A_437, %dma_start3A_476] : memref<2x16x128xi32, #tpu.memory_space<vmem>> -> memref<1x1x128xi32, #tpu.memory_space<vmem>>
      %dma_start3A_478 = tpu.memref_squeeze %dma_start3A_477 : memref<1x1x128xi32, #tpu.memory_space<vmem>> -> memref<128xi32, #tpu.memory_space<vmem>>
      %dma_start3A_479 = arith.constant 0 : i32
      %dma_start3A_480 = arith.constant 0 : i32
      %dma_start3A_481 = tpu.memref_slice %arg10[%dma_start3A_479, %dma_start3A_480] : memref<10240x128xf32, #tpu.memory_space<vmem_shared>> -> memref<10240x128xf32, #tpu.memory_space<vmem_shared>>
      %dma_start3A_482 = tpu.memref_slice %arg13[%dma_start3A_471] : memref<2x!tpu.dma_semaphore, #tpu.memory_space<semaphore_mem>> -> memref<1x!tpu.dma_semaphore, #tpu.memory_space<semaphore_mem>>
      %dma_start3A_483 = tpu.memref_squeeze %dma_start3A_482 : memref<1x!tpu.dma_semaphore, #tpu.memory_space<semaphore_mem>> -> memref<!tpu.dma_semaphore, #tpu.memory_space<semaphore_mem>>
      tpu.enqueue_indirect_dma source(%dma_start3A_475 : memref<128x128xf32, #tpu.memory_space<vmem>>) target(%dma_start3A_481 : memref<10240x128xf32, #tpu.memory_space<vmem_shared>>) offsets(%dma_start3A_478 : memref<128xi32, #tpu.memory_space<vmem>>) semaphore(%dma_start3A_483 : memref<!tpu.dma_semaphore, #tpu.memory_space<semaphore_mem>>) {add = true}
      %dma_wait3A_484 = arith.constant 0 : i32
      %dma_wait3A_485 = arith.constant 0 : i32
      %dma_wait3A_486 = arith.constant 0 : i32
      %dma_wait3A_487 = arith.constant 0 : i32
      %dma_wait3A_488 = arith.constant 0 : i32
      %dma_wait3A_489 = arith.constant 0 : i32
      %dma_wait3A_490 = tpu.memref_slice %arg9[%dma_wait3A_484, %dma_wait3A_488, %dma_wait3A_489] : memref<2x128x128xf32, #tpu.memory_space<vmem>> -> memref<1x128x128xf32, #tpu.memory_space<vmem>>
      %dma_wait3A_491 = tpu.memref_squeeze %dma_wait3A_490 : memref<1x128x128xf32, #tpu.memory_space<vmem>> -> memref<128x128xf32, #tpu.memory_space<vmem>>
      %dma_wait3A_492 = arith.constant 0 : i32
      %dma_wait3A_493 = tpu.memref_slice %arg8[%dma_wait3A_485, %dma_wait3A_486, %dma_wait3A_492] : memref<2x16x128xi32, #tpu.memory_space<vmem>> -> memref<1x1x128xi32, #tpu.memory_space<vmem>>
      %dma_wait3A_494 = tpu.memref_squeeze %dma_wait3A_493 : memref<1x1x128xi32, #tpu.memory_space<vmem>> -> memref<128xi32, #tpu.memory_space<vmem>>
      %dma_wait3A_495 = arith.constant 0 : i32
      %dma_wait3A_496 = arith.constant 0 : i32
      %dma_wait3A_497 = tpu.memref_slice %arg10[%dma_wait3A_495, %dma_wait3A_496] : memref<10240x128xf32, #tpu.memory_space<vmem_shared>> -> memref<10240x128xf32, #tpu.memory_space<vmem_shared>>
      %dma_wait3A_498 = tpu.memref_slice %arg13[%dma_wait3A_487] : memref<2x!tpu.dma_semaphore, #tpu.memory_space<semaphore_mem>> -> memref<1x!tpu.dma_semaphore, #tpu.memory_space<semaphore_mem>>
      %dma_wait3A_499 = tpu.memref_squeeze %dma_wait3A_498 : memref<1x!tpu.dma_semaphore, #tpu.memory_space<semaphore_mem>> -> memref<!tpu.dma_semaphore, #tpu.memory_space<semaphore_mem>>
      tpu.wait_indirect_dma semaphore(%dma_wait3A_499 : memref<!tpu.dma_semaphore, #tpu.memory_space<semaphore_mem>>) src(%dma_wait3A_491 : memref<128x128xf32, #tpu.memory_space<vmem>>) dst(%dma_wait3A_497 : memref<10240x128xf32, #tpu.memory_space<vmem_shared>>)
    }
    %scan3A_299 = arith.constant 16 : i32
    %dma_wait3A_300 = arith.constant 1 : i32
    %dma_wait3A_301 = arith.constant 1 : i32
    %dma_wait3A_302 = arith.constant 0 : i32
    %dma_wait3A_303 = arith.constant 0 : i32
    %dma_wait3A_304 = tpu.memref_slice %arg7[%dma_wait3A_300, %dma_wait3A_302, %dma_wait3A_303] : memref<2x16x128xi32, #tpu.memory_space<vmem>> -> memref<1x16x128xi32, #tpu.memory_space<vmem>>
    %dma_wait3A_305 = tpu.memref_squeeze %dma_wait3A_304 : memref<1x16x128xi32, #tpu.memory_space<vmem>> -> memref<16x128xi32, #tpu.memory_space<vmem>>
    %dma_wait3A_306 = arith.constant 0 : i32
    %dma_wait3A_307 = arith.constant 0 : i32
    %dma_wait3A_308 = tpu.memref_slice %arg2[%add3A, %dma_wait3A_306, %dma_wait3A_307] : memref<32x80x128xi32, #tpu.memory_space<hbm>> -> memref<1x16x128xi32, #tpu.memory_space<hbm>>
    %dma_wait3A_309 = tpu.memref_squeeze %dma_wait3A_308 : memref<1x16x128xi32, #tpu.memory_space<hbm>> -> memref<16x128xi32, #tpu.memory_space<hbm>>
    %dma_wait3A_310 = tpu.memref_slice %arg11[%dma_wait3A_301] : memref<2x!tpu.dma_semaphore, #tpu.memory_space<semaphore_mem>> -> memref<1x!tpu.dma_semaphore, #tpu.memory_space<semaphore_mem>>
    %dma_wait3A_311 = tpu.memref_squeeze %dma_wait3A_310 : memref<1x!tpu.dma_semaphore, #tpu.memory_space<semaphore_mem>> -> memref<!tpu.dma_semaphore, #tpu.memory_space<semaphore_mem>>
    %dma_wait3A_312 = arith.constant 0 : i32
    %dma_wait3A_313 = arith.constant 0 : i32
    %dma_wait3A_314 = tpu.memref_slice %arg7[%dma_wait3A_300, %dma_wait3A_312, %dma_wait3A_313] : memref<2x16x128xi32, #tpu.memory_space<vmem>> -> memref<1x16x128xi32, #tpu.memory_space<vmem>>
    %dma_wait3A_315 = tpu.memref_squeeze %dma_wait3A_314 : memref<1x16x128xi32, #tpu.memory_space<vmem>> -> memref<16x128xi32, #tpu.memory_space<vmem>>
    %dma_wait3A_316 = arith.constant 0 : i32
    %dma_wait3A_317 = arith.constant 0 : i32
    %dma_wait3A_318 = tpu.memref_slice %arg2[%add3A, %dma_wait3A_316, %dma_wait3A_317] : memref<32x80x128xi32, #tpu.memory_space<hbm>> -> memref<1x16x128xi32, #tpu.memory_space<hbm>>
    %dma_wait3A_319 = tpu.memref_squeeze %dma_wait3A_318 : memref<1x16x128xi32, #tpu.memory_space<hbm>> -> memref<16x128xi32, #tpu.memory_space<hbm>>
    tpu.wait_dma2 semaphore(%dma_wait3A_311 : memref<!tpu.dma_semaphore, #tpu.memory_space<semaphore_mem>>) src(%dma_wait3A_319 : memref<16x128xi32, #tpu.memory_space<hbm>>) dst(%dma_wait3A_315 : memref<16x128xi32, #tpu.memory_space<vmem>>)
    %dma_wait3A_320 = arith.constant 1 : i32
    %dma_wait3A_321 = arith.constant 1 : i32
    %dma_wait3A_322 = arith.constant 0 : i32
    %dma_wait3A_323 = arith.constant 0 : i32
    %dma_wait3A_324 = tpu.memref_slice %arg8[%dma_wait3A_320, %dma_wait3A_322, %dma_wait3A_323] : memref<2x16x128xi32, #tpu.memory_space<vmem>> -> memref<1x16x128xi32, #tpu.memory_space<vmem>>
    %dma_wait3A_325 = tpu.memref_squeeze %dma_wait3A_324 : memref<1x16x128xi32, #tpu.memory_space<vmem>> -> memref<16x128xi32, #tpu.memory_space<vmem>>
    %dma_wait3A_326 = arith.constant 0 : i32
    %dma_wait3A_327 = arith.constant 0 : i32
    %dma_wait3A_328 = tpu.memref_slice %arg3[%add3A, %dma_wait3A_326, %dma_wait3A_327] : memref<32x80x128xi32, #tpu.memory_space<hbm>> -> memref<1x16x128xi32, #tpu.memory_space<hbm>>
    %dma_wait3A_329 = tpu.memref_squeeze %dma_wait3A_328 : memref<1x16x128xi32, #tpu.memory_space<hbm>> -> memref<16x128xi32, #tpu.memory_space<hbm>>
    %dma_wait3A_330 = tpu.memref_slice %arg11[%dma_wait3A_321] : memref<2x!tpu.dma_semaphore, #tpu.memory_space<semaphore_mem>> -> memref<1x!tpu.dma_semaphore, #tpu.memory_space<semaphore_mem>>
    %dma_wait3A_331 = tpu.memref_squeeze %dma_wait3A_330 : memref<1x!tpu.dma_semaphore, #tpu.memory_space<semaphore_mem>> -> memref<!tpu.dma_semaphore, #tpu.memory_space<semaphore_mem>>
    %dma_wait3A_332 = arith.constant 0 : i32
    %dma_wait3A_333 = arith.constant 0 : i32
    %dma_wait3A_334 = tpu.memref_slice %arg8[%dma_wait3A_320, %dma_wait3A_332, %dma_wait3A_333] : memref<2x16x128xi32, #tpu.memory_space<vmem>> -> memref<1x16x128xi32, #tpu.memory_space<vmem>>
    %dma_wait3A_335 = tpu.memref_squeeze %dma_wait3A_334 : memref<1x16x128xi32, #tpu.memory_space<vmem>> -> memref<16x128xi32, #tpu.memory_space<vmem>>
    %dma_wait3A_336 = arith.constant 0 : i32
    %dma_wait3A_337 = arith.constant 0 : i32
    %dma_wait3A_338 = tpu.memref_slice %arg3[%add3A, %dma_wait3A_336, %dma_wait3A_337] : memref<32x80x128xi32, #tpu.memory_space<hbm>> -> memref<1x16x128xi32, #tpu.memory_space<hbm>>
    %dma_wait3A_339 = tpu.memref_squeeze %dma_wait3A_338 : memref<1x16x128xi32, #tpu.memory_space<hbm>> -> memref<16x128xi32, #tpu.memory_space<hbm>>
    tpu.wait_dma2 semaphore(%dma_wait3A_331 : memref<!tpu.dma_semaphore, #tpu.memory_space<semaphore_mem>>) src(%dma_wait3A_339 : memref<16x128xi32, #tpu.memory_space<hbm>>) dst(%dma_wait3A_335 : memref<16x128xi32, #tpu.memory_space<vmem>>)
    %dma_start3A_340 = arith.constant 0 : i32
    %dma_start3A_341 = arith.constant 0 : i32
    %dma_start3A_342 = arith.constant 0 : i32
    %dma_start3A_343 = arith.constant 0 : i32
    %dma_start3A_344 = tpu.memref_slice %arg7[%dma_start3A_340, %dma_start3A_342, %dma_start3A_343] : memref<2x16x128xi32, #tpu.memory_space<vmem>> -> memref<1x16x128xi32, #tpu.memory_space<vmem>>
    %dma_start3A_345 = tpu.memref_squeeze %dma_start3A_344 : memref<1x16x128xi32, #tpu.memory_space<vmem>> -> memref<16x128xi32, #tpu.memory_space<vmem>>
    %dma_start3A_346 = arith.constant 64 : i32
    %dma_start3A_347 = arith.constant 0 : i32
    %dma_start3A_348 = tpu.memref_slice %arg2[%add3A, %dma_start3A_346, %dma_start3A_347] : memref<32x80x128xi32, #tpu.memory_space<hbm>> -> memref<1x16x128xi32, #tpu.memory_space<hbm>>
    %dma_start3A_349 = tpu.memref_squeeze %dma_start3A_348 : memref<1x16x128xi32, #tpu.memory_space<hbm>> -> memref<16x128xi32, #tpu.memory_space<hbm>>
    %dma_start3A_350 = tpu.memref_slice %arg11[%dma_start3A_341] : memref<2x!tpu.dma_semaphore, #tpu.memory_space<semaphore_mem>> -> memref<1x!tpu.dma_semaphore, #tpu.memory_space<semaphore_mem>>
    %dma_start3A_351 = tpu.memref_squeeze %dma_start3A_350 : memref<1x!tpu.dma_semaphore, #tpu.memory_space<semaphore_mem>> -> memref<!tpu.dma_semaphore, #tpu.memory_space<semaphore_mem>>
    %dma_start3A_352 = arith.constant 0 : i32
    %dma_start3A_353 = arith.constant 0 : i32
    %dma_start3A_354 = tpu.memref_slice %arg7[%dma_start3A_340, %dma_start3A_352, %dma_start3A_353] : memref<2x16x128xi32, #tpu.memory_space<vmem>> -> memref<1x16x128xi32, #tpu.memory_space<vmem>>
    %dma_start3A_355 = tpu.memref_squeeze %dma_start3A_354 : memref<1x16x128xi32, #tpu.memory_space<vmem>> -> memref<16x128xi32, #tpu.memory_space<vmem>>
    %dma_start3A_356 = arith.constant 64 : i32
    %dma_start3A_357 = arith.constant 0 : i32
    %dma_start3A_358 = tpu.memref_slice %arg2[%add3A, %dma_start3A_356, %dma_start3A_357] : memref<32x80x128xi32, #tpu.memory_space<hbm>> -> memref<1x16x128xi32, #tpu.memory_space<hbm>>
    %dma_start3A_359 = tpu.memref_squeeze %dma_start3A_358 : memref<1x16x128xi32, #tpu.memory_space<hbm>> -> memref<16x128xi32, #tpu.memory_space<hbm>>
    tpu.enqueue_dma source(%dma_start3A_359 : memref<16x128xi32, #tpu.memory_space<hbm>>) target(%dma_start3A_355 : memref<16x128xi32, #tpu.memory_space<vmem>>) target_semaphore(%dma_start3A_351 : memref<!tpu.dma_semaphore, #tpu.memory_space<semaphore_mem>>)
    %dma_start3A_360 = arith.constant 0 : i32
    %dma_start3A_361 = arith.constant 0 : i32
    %dma_start3A_362 = arith.constant 0 : i32
    %dma_start3A_363 = arith.constant 0 : i32
    %dma_start3A_364 = tpu.memref_slice %arg8[%dma_start3A_360, %dma_start3A_362, %dma_start3A_363] : memref<2x16x128xi32, #tpu.memory_space<vmem>> -> memref<1x16x128xi32, #tpu.memory_space<vmem>>
    %dma_start3A_365 = tpu.memref_squeeze %dma_start3A_364 : memref<1x16x128xi32, #tpu.memory_space<vmem>> -> memref<16x128xi32, #tpu.memory_space<vmem>>
    %dma_start3A_366 = arith.constant 64 : i32
    %dma_start3A_367 = arith.constant 0 : i32
    %dma_start3A_368 = tpu.memref_slice %arg3[%add3A, %dma_start3A_366, %dma_start3A_367] : memref<32x80x128xi32, #tpu.memory_space<hbm>> -> memref<1x16x128xi32, #tpu.memory_space<hbm>>
    %dma_start3A_369 = tpu.memref_squeeze %dma_start3A_368 : memref<1x16x128xi32, #tpu.memory_space<hbm>> -> memref<16x128xi32, #tpu.memory_space<hbm>>
    %dma_start3A_370 = tpu.memref_slice %arg11[%dma_start3A_361] : memref<2x!tpu.dma_semaphore, #tpu.memory_space<semaphore_mem>> -> memref<1x!tpu.dma_semaphore, #tpu.memory_space<semaphore_mem>>
    %dma_start3A_371 = tpu.memref_squeeze %dma_start3A_370 : memref<1x!tpu.dma_semaphore, #tpu.memory_space<semaphore_mem>> -> memref<!tpu.dma_semaphore, #tpu.memory_space<semaphore_mem>>
    %dma_start3A_372 = arith.constant 0 : i32
    %dma_start3A_373 = arith.constant 0 : i32
    %dma_start3A_374 = tpu.memref_slice %arg8[%dma_start3A_360, %dma_start3A_372, %dma_start3A_373] : memref<2x16x128xi32, #tpu.memory_space<vmem>> -> memref<1x16x128xi32, #tpu.memory_space<vmem>>
    %dma_start3A_375 = tpu.memref_squeeze %dma_start3A_374 : memref<1x16x128xi32, #tpu.memory_space<vmem>> -> memref<16x128xi32, #tpu.memory_space<vmem>>
    %dma_start3A_376 = arith.constant 64 : i32
    %dma_start3A_377 = arith.constant 0 : i32
    %dma_start3A_378 = tpu.memref_slice %arg3[%add3A, %dma_start3A_376, %dma_start3A_377] : memref<32x80x128xi32, #tpu.memory_space<hbm>> -> memref<1x16x128xi32, #tpu.memory_space<hbm>>
    %dma_start3A_379 = tpu.memref_squeeze %dma_start3A_378 : memref<1x16x128xi32, #tpu.memory_space<hbm>> -> memref<16x128xi32, #tpu.memory_space<hbm>>
    tpu.enqueue_dma source(%dma_start3A_379 : memref<16x128xi32, #tpu.memory_space<hbm>>) target(%dma_start3A_375 : memref<16x128xi32, #tpu.memory_space<vmem>>) target_semaphore(%dma_start3A_371 : memref<!tpu.dma_semaphore, #tpu.memory_space<semaphore_mem>>)
    %scan3A_380 = arith.constant 0 : i32
    %scan3A_381 = arith.constant 0 : i32
    %scan3A_382 = arith.constant 16 : i32
    %scan3A_383 = arith.addi %scan3A_381, %scan3A_382 : i32
    %scan3A_384 = arith.constant 1 : i32
    scf.for %scan3A_437 = %scan3A_381 to %scan3A_383 step %scan3A_384  : i32 {
      %dma_start3A_438 = arith.constant 1 : i32
      %dma_start3A_439 = arith.constant 0 : i32
      %dma_start3A_440 = arith.constant 0 : i32
      %dma_start3A_441 = arith.constant 0 : i32
      %dma_start3A_442 = arith.constant 0 : i32
      %dma_start3A_443 = tpu.memref_slice %arg9[%dma_start3A_439, %dma_start3A_441, %dma_start3A_442] : memref<2x128x128xf32, #tpu.memory_space<vmem>> -> memref<1x128x128xf32, #tpu.memory_space<vmem>>
      %dma_start3A_444 = tpu.memref_squeeze %dma_start3A_443 : memref<1x128x128xf32, #tpu.memory_space<vmem>> -> memref<128x128xf32, #tpu.memory_space<vmem>>
      %dma_start3A_445 = arith.constant 0 : i32
      %dma_start3A_446 = tpu.memref_slice %arg7[%dma_start3A_438, %scan3A_437, %dma_start3A_445] : memref<2x16x128xi32, #tpu.memory_space<vmem>> -> memref<1x1x128xi32, #tpu.memory_space<vmem>>
      %dma_start3A_447 = tpu.memref_squeeze %dma_start3A_446 : memref<1x1x128xi32, #tpu.memory_space<vmem>> -> memref<128xi32, #tpu.memory_space<vmem>>
      %dma_start3A_448 = arith.constant 0 : i32
      %dma_start3A_449 = arith.constant 0 : i32
      %dma_start3A_450 = tpu.memref_slice %arg4[%dma_start3A_448, %dma_start3A_449] : memref<10000x128xf32, #tpu.memory_space<hbm>> -> memref<10000x128xf32, #tpu.memory_space<hbm>>
      %dma_start3A_451 = tpu.memref_slice %arg12[%dma_start3A_440] : memref<2x!tpu.dma_semaphore, #tpu.memory_space<semaphore_mem>> -> memref<1x!tpu.dma_semaphore, #tpu.memory_space<semaphore_mem>>
      %dma_start3A_452 = tpu.memref_squeeze %dma_start3A_451 : memref<1x!tpu.dma_semaphore, #tpu.memory_space<semaphore_mem>> -> memref<!tpu.dma_semaphore, #tpu.memory_space<semaphore_mem>>
      tpu.enqueue_indirect_dma source(%dma_start3A_450 : memref<10000x128xf32, #tpu.memory_space<hbm>>) target(%dma_start3A_444 : memref<128x128xf32, #tpu.memory_space<vmem>>) offsets(%dma_start3A_447 : memref<128xi32, #tpu.memory_space<vmem>>) semaphore(%dma_start3A_452 : memref<!tpu.dma_semaphore, #tpu.memory_space<semaphore_mem>>)
      %dma_wait3A_453 = arith.constant 0 : i32
      %dma_wait3A_454 = arith.constant 0 : i32
      %dma_wait3A_455 = arith.constant 0 : i32
      %dma_wait3A_456 = arith.constant 0 : i32
      %dma_wait3A_457 = arith.constant 0 : i32
      %dma_wait3A_458 = arith.constant 0 : i32
      %dma_wait3A_459 = tpu.memref_slice %arg9[%dma_wait3A_455, %dma_wait3A_457, %dma_wait3A_458] : memref<2x128x128xf32, #tpu.memory_space<vmem>> -> memref<1x128x128xf32, #tpu.memory_space<vmem>>
      %dma_wait3A_460 = tpu.memref_squeeze %dma_wait3A_459 : memref<1x128x128xf32, #tpu.memory_space<vmem>> -> memref<128x128xf32, #tpu.memory_space<vmem>>
      %dma_wait3A_461 = arith.constant 0 : i32
      %dma_wait3A_462 = tpu.memref_slice %arg7[%dma_wait3A_453, %dma_wait3A_454, %dma_wait3A_461] : memref<2x16x128xi32, #tpu.memory_space<vmem>> -> memref<1x1x128xi32, #tpu.memory_space<vmem>>
      %dma_wait3A_463 = tpu.memref_squeeze %dma_wait3A_462 : memref<1x1x128xi32, #tpu.memory_space<vmem>> -> memref<128xi32, #tpu.memory_space<vmem>>
      %dma_wait3A_464 = arith.constant 0 : i32
      %dma_wait3A_465 = arith.constant 0 : i32
      %dma_wait3A_466 = tpu.memref_slice %arg4[%dma_wait3A_464, %dma_wait3A_465] : memref<10000x128xf32, #tpu.memory_space<hbm>> -> memref<10000x128xf32, #tpu.memory_space<hbm>>
      %dma_wait3A_467 = tpu.memref_slice %arg12[%dma_wait3A_456] : memref<2x!tpu.dma_semaphore, #tpu.memory_space<semaphore_mem>> -> memref<1x!tpu.dma_semaphore, #tpu.memory_space<semaphore_mem>>
      %dma_wait3A_468 = tpu.memref_squeeze %dma_wait3A_467 : memref<1x!tpu.dma_semaphore, #tpu.memory_space<semaphore_mem>> -> memref<!tpu.dma_semaphore, #tpu.memory_space<semaphore_mem>>
      tpu.wait_indirect_dma semaphore(%dma_wait3A_468 : memref<!tpu.dma_semaphore, #tpu.memory_space<semaphore_mem>>) src(%dma_wait3A_466 : memref<10000x128xf32, #tpu.memory_space<hbm>>) dst(%dma_wait3A_460 : memref<128x128xf32, #tpu.memory_space<vmem>>)
      %dma_start3A_469 = arith.constant 0 : i32
      %dma_start3A_470 = arith.constant 1 : i32
      %dma_start3A_471 = arith.constant 0 : i32
      %dma_start3A_472 = arith.constant 0 : i32
      %dma_start3A_473 = arith.constant 0 : i32
      %dma_start3A_474 = tpu.memref_slice %arg9[%dma_start3A_469, %dma_start3A_472, %dma_start3A_473] : memref<2x128x128xf32, #tpu.memory_space<vmem>> -> memref<1x128x128xf32, #tpu.memory_space<vmem>>
      %dma_start3A_475 = tpu.memref_squeeze %dma_start3A_474 : memref<1x128x128xf32, #tpu.memory_space<vmem>> -> memref<128x128xf32, #tpu.memory_space<vmem>>
      %dma_start3A_476 = arith.constant 0 : i32
      %dma_start3A_477 = tpu.memref_slice %arg8[%dma_start3A_470, %scan3A_437, %dma_start3A_476] : memref<2x16x128xi32, #tpu.memory_space<vmem>> -> memref<1x1x128xi32, #tpu.memory_space<vmem>>
      %dma_start3A_478 = tpu.memref_squeeze %dma_start3A_477 : memref<1x1x128xi32, #tpu.memory_space<vmem>> -> memref<128xi32, #tpu.memory_space<vmem>>
      %dma_start3A_479 = arith.constant 0 : i32
      %dma_start3A_480 = arith.constant 0 : i32
      %dma_start3A_481 = tpu.memref_slice %arg10[%dma_start3A_479, %dma_start3A_480] : memref<10240x128xf32, #tpu.memory_space<vmem_shared>> -> memref<10240x128xf32, #tpu.memory_space<vmem_shared>>
      %dma_start3A_482 = tpu.memref_slice %arg13[%dma_start3A_471] : memref<2x!tpu.dma_semaphore, #tpu.memory_space<semaphore_mem>> -> memref<1x!tpu.dma_semaphore, #tpu.memory_space<semaphore_mem>>
      %dma_start3A_483 = tpu.memref_squeeze %dma_start3A_482 : memref<1x!tpu.dma_semaphore, #tpu.memory_space<semaphore_mem>> -> memref<!tpu.dma_semaphore, #tpu.memory_space<semaphore_mem>>
      tpu.enqueue_indirect_dma source(%dma_start3A_475 : memref<128x128xf32, #tpu.memory_space<vmem>>) target(%dma_start3A_481 : memref<10240x128xf32, #tpu.memory_space<vmem_shared>>) offsets(%dma_start3A_478 : memref<128xi32, #tpu.memory_space<vmem>>) semaphore(%dma_start3A_483 : memref<!tpu.dma_semaphore, #tpu.memory_space<semaphore_mem>>) {add = true}
      %dma_wait3A_484 = arith.constant 0 : i32
      %dma_wait3A_485 = arith.constant 0 : i32
      %dma_wait3A_486 = arith.constant 0 : i32
      %dma_wait3A_487 = arith.constant 0 : i32
      %dma_wait3A_488 = arith.constant 0 : i32
      %dma_wait3A_489 = arith.constant 0 : i32
      %dma_wait3A_490 = tpu.memref_slice %arg9[%dma_wait3A_484, %dma_wait3A_488, %dma_wait3A_489] : memref<2x128x128xf32, #tpu.memory_space<vmem>> -> memref<1x128x128xf32, #tpu.memory_space<vmem>>
      %dma_wait3A_491 = tpu.memref_squeeze %dma_wait3A_490 : memref<1x128x128xf32, #tpu.memory_space<vmem>> -> memref<128x128xf32, #tpu.memory_space<vmem>>
      %dma_wait3A_492 = arith.constant 0 : i32
      %dma_wait3A_493 = tpu.memref_slice %arg8[%dma_wait3A_485, %dma_wait3A_486, %dma_wait3A_492] : memref<2x16x128xi32, #tpu.memory_space<vmem>> -> memref<1x1x128xi32, #tpu.memory_space<vmem>>
      %dma_wait3A_494 = tpu.memref_squeeze %dma_wait3A_493 : memref<1x1x128xi32, #tpu.memory_space<vmem>> -> memref<128xi32, #tpu.memory_space<vmem>>
      %dma_wait3A_495 = arith.constant 0 : i32
      %dma_wait3A_496 = arith.constant 0 : i32
      %dma_wait3A_497 = tpu.memref_slice %arg10[%dma_wait3A_495, %dma_wait3A_496] : memref<10240x128xf32, #tpu.memory_space<vmem_shared>> -> memref<10240x128xf32, #tpu.memory_space<vmem_shared>>
      %dma_wait3A_498 = tpu.memref_slice %arg13[%dma_wait3A_487] : memref<2x!tpu.dma_semaphore, #tpu.memory_space<semaphore_mem>> -> memref<1x!tpu.dma_semaphore, #tpu.memory_space<semaphore_mem>>
      %dma_wait3A_499 = tpu.memref_squeeze %dma_wait3A_498 : memref<1x!tpu.dma_semaphore, #tpu.memory_space<semaphore_mem>> -> memref<!tpu.dma_semaphore, #tpu.memory_space<semaphore_mem>>
      tpu.wait_indirect_dma semaphore(%dma_wait3A_499 : memref<!tpu.dma_semaphore, #tpu.memory_space<semaphore_mem>>) src(%dma_wait3A_491 : memref<128x128xf32, #tpu.memory_space<vmem>>) dst(%dma_wait3A_497 : memref<10240x128xf32, #tpu.memory_space<vmem_shared>>)
    }
    %scan3A_385 = arith.constant 16 : i32
    %dma_wait3A_386 = arith.constant 0 : i32
    %dma_wait3A_387 = arith.constant 0 : i32
    %dma_wait3A_388 = arith.constant 0 : i32
    %dma_wait3A_389 = arith.constant 0 : i32
    %dma_wait3A_390 = tpu.memref_slice %arg7[%dma_wait3A_386, %dma_wait3A_388, %dma_wait3A_389] : memref<2x16x128xi32, #tpu.memory_space<vmem>> -> memref<1x16x128xi32, #tpu.memory_space<vmem>>
    %dma_wait3A_391 = tpu.memref_squeeze %dma_wait3A_390 : memref<1x16x128xi32, #tpu.memory_space<vmem>> -> memref<16x128xi32, #tpu.memory_space<vmem>>
    %dma_wait3A_392 = arith.constant 0 : i32
    %dma_wait3A_393 = arith.constant 0 : i32
    %dma_wait3A_394 = tpu.memref_slice %arg2[%add3A, %dma_wait3A_392, %dma_wait3A_393] : memref<32x80x128xi32, #tpu.memory_space<hbm>> -> memref<1x16x128xi32, #tpu.memory_space<hbm>>
    %dma_wait3A_395 = tpu.memref_squeeze %dma_wait3A_394 : memref<1x16x128xi32, #tpu.memory_space<hbm>> -> memref<16x128xi32, #tpu.memory_space<hbm>>
    %dma_wait3A_396 = tpu.memref_slice %arg11[%dma_wait3A_387] : memref<2x!tpu.dma_semaphore, #tpu.memory_space<semaphore_mem>> -> memref<1x!tpu.dma_semaphore, #tpu.memory_space<semaphore_mem>>
    %dma_wait3A_397 = tpu.memref_squeeze %dma_wait3A_396 : memref<1x!tpu.dma_semaphore, #tpu.memory_space<semaphore_mem>> -> memref<!tpu.dma_semaphore, #tpu.memory_space<semaphore_mem>>
    %dma_wait3A_398 = arith.constant 0 : i32
    %dma_wait3A_399 = arith.constant 0 : i32
    %dma_wait3A_400 = tpu.memref_slice %arg7[%dma_wait3A_386, %dma_wait3A_398, %dma_wait3A_399] : memref<2x16x128xi32, #tpu.memory_space<vmem>> -> memref<1x16x128xi32, #tpu.memory_space<vmem>>
    %dma_wait3A_401 = tpu.memref_squeeze %dma_wait3A_400 : memref<1x16x128xi32, #tpu.memory_space<vmem>> -> memref<16x128xi32, #tpu.memory_space<vmem>>
    %dma_wait3A_402 = arith.constant 0 : i32
    %dma_wait3A_403 = arith.constant 0 : i32
    %dma_wait3A_404 = tpu.memref_slice %arg2[%add3A, %dma_wait3A_402, %dma_wait3A_403] : memref<32x80x128xi32, #tpu.memory_space<hbm>> -> memref<1x16x128xi32, #tpu.memory_space<hbm>>
    %dma_wait3A_405 = tpu.memref_squeeze %dma_wait3A_404 : memref<1x16x128xi32, #tpu.memory_space<hbm>> -> memref<16x128xi32, #tpu.memory_space<hbm>>
    tpu.wait_dma2 semaphore(%dma_wait3A_397 : memref<!tpu.dma_semaphore, #tpu.memory_space<semaphore_mem>>) src(%dma_wait3A_405 : memref<16x128xi32, #tpu.memory_space<hbm>>) dst(%dma_wait3A_401 : memref<16x128xi32, #tpu.memory_space<vmem>>)
    %dma_wait3A_406 = arith.constant 0 : i32
    %dma_wait3A_407 = arith.constant 0 : i32
    %dma_wait3A_408 = arith.constant 0 : i32
    %dma_wait3A_409 = arith.constant 0 : i32
    %dma_wait3A_410 = tpu.memref_slice %arg8[%dma_wait3A_406, %dma_wait3A_408, %dma_wait3A_409] : memref<2x16x128xi32, #tpu.memory_space<vmem>> -> memref<1x16x128xi32, #tpu.memory_space<vmem>>
    %dma_wait3A_411 = tpu.memref_squeeze %dma_wait3A_410 : memref<1x16x128xi32, #tpu.memory_space<vmem>> -> memref<16x128xi32, #tpu.memory_space<vmem>>
    %dma_wait3A_412 = arith.constant 0 : i32
    %dma_wait3A_413 = arith.constant 0 : i32
    %dma_wait3A_414 = tpu.memref_slice %arg3[%add3A, %dma_wait3A_412, %dma_wait3A_413] : memref<32x80x128xi32, #tpu.memory_space<hbm>> -> memref<1x16x128xi32, #tpu.memory_space<hbm>>
    %dma_wait3A_415 = tpu.memref_squeeze %dma_wait3A_414 : memref<1x16x128xi32, #tpu.memory_space<hbm>> -> memref<16x128xi32, #tpu.memory_space<hbm>>
    %dma_wait3A_416 = tpu.memref_slice %arg11[%dma_wait3A_407] : memref<2x!tpu.dma_semaphore, #tpu.memory_space<semaphore_mem>> -> memref<1x!tpu.dma_semaphore, #tpu.memory_space<semaphore_mem>>
    %dma_wait3A_417 = tpu.memref_squeeze %dma_wait3A_416 : memref<1x!tpu.dma_semaphore, #tpu.memory_space<semaphore_mem>> -> memref<!tpu.dma_semaphore, #tpu.memory_space<semaphore_mem>>
    %dma_wait3A_418 = arith.constant 0 : i32
    %dma_wait3A_419 = arith.constant 0 : i32
    %dma_wait3A_420 = tpu.memref_slice %arg8[%dma_wait3A_406, %dma_wait3A_418, %dma_wait3A_419] : memref<2x16x128xi32, #tpu.memory_space<vmem>> -> memref<1x16x128xi32, #tpu.memory_space<vmem>>
    %dma_wait3A_421 = tpu.memref_squeeze %dma_wait3A_420 : memref<1x16x128xi32, #tpu.memory_space<vmem>> -> memref<16x128xi32, #tpu.memory_space<vmem>>
    %dma_wait3A_422 = arith.constant 0 : i32
    %dma_wait3A_423 = arith.constant 0 : i32
    %dma_wait3A_424 = tpu.memref_slice %arg3[%add3A, %dma_wait3A_422, %dma_wait3A_423] : memref<32x80x128xi32, #tpu.memory_space<hbm>> -> memref<1x16x128xi32, #tpu.memory_space<hbm>>
    %dma_wait3A_425 = tpu.memref_squeeze %dma_wait3A_424 : memref<1x16x128xi32, #tpu.memory_space<hbm>> -> memref<16x128xi32, #tpu.memory_space<hbm>>
    tpu.wait_dma2 semaphore(%dma_wait3A_417 : memref<!tpu.dma_semaphore, #tpu.memory_space<semaphore_mem>>) src(%dma_wait3A_425 : memref<16x128xi32, #tpu.memory_space<hbm>>) dst(%dma_wait3A_421 : memref<16x128xi32, #tpu.memory_space<vmem>>)
    %scan3A_426 = arith.constant 0 : i32
    %scan3A_427 = arith.constant 0 : i32
    %scan3A_428 = arith.constant 16 : i32
    %scan3A_429 = arith.addi %scan3A_427, %scan3A_428 : i32
    %scan3A_430 = arith.constant 1 : i32
    scf.for %scan3A_437 = %scan3A_427 to %scan3A_429 step %scan3A_430  : i32 {
      %dma_start3A_438 = arith.constant 0 : i32
      %dma_start3A_439 = arith.constant 0 : i32
      %dma_start3A_440 = arith.constant 0 : i32
      %dma_start3A_441 = arith.constant 0 : i32
      %dma_start3A_442 = arith.constant 0 : i32
      %dma_start3A_443 = tpu.memref_slice %arg9[%dma_start3A_439, %dma_start3A_441, %dma_start3A_442] : memref<2x128x128xf32, #tpu.memory_space<vmem>> -> memref<1x128x128xf32, #tpu.memory_space<vmem>>
      %dma_start3A_444 = tpu.memref_squeeze %dma_start3A_443 : memref<1x128x128xf32, #tpu.memory_space<vmem>> -> memref<128x128xf32, #tpu.memory_space<vmem>>
      %dma_start3A_445 = arith.constant 0 : i32
      %dma_start3A_446 = tpu.memref_slice %arg7[%dma_start3A_438, %scan3A_437, %dma_start3A_445] : memref<2x16x128xi32, #tpu.memory_space<vmem>> -> memref<1x1x128xi32, #tpu.memory_space<vmem>>
      %dma_start3A_447 = tpu.memref_squeeze %dma_start3A_446 : memref<1x1x128xi32, #tpu.memory_space<vmem>> -> memref<128xi32, #tpu.memory_space<vmem>>
      %dma_start3A_448 = arith.constant 0 : i32
      %dma_start3A_449 = arith.constant 0 : i32
      %dma_start3A_450 = tpu.memref_slice %arg4[%dma_start3A_448, %dma_start3A_449] : memref<10000x128xf32, #tpu.memory_space<hbm>> -> memref<10000x128xf32, #tpu.memory_space<hbm>>
      %dma_start3A_451 = tpu.memref_slice %arg12[%dma_start3A_440] : memref<2x!tpu.dma_semaphore, #tpu.memory_space<semaphore_mem>> -> memref<1x!tpu.dma_semaphore, #tpu.memory_space<semaphore_mem>>
      %dma_start3A_452 = tpu.memref_squeeze %dma_start3A_451 : memref<1x!tpu.dma_semaphore, #tpu.memory_space<semaphore_mem>> -> memref<!tpu.dma_semaphore, #tpu.memory_space<semaphore_mem>>
      tpu.enqueue_indirect_dma source(%dma_start3A_450 : memref<10000x128xf32, #tpu.memory_space<hbm>>) target(%dma_start3A_444 : memref<128x128xf32, #tpu.memory_space<vmem>>) offsets(%dma_start3A_447 : memref<128xi32, #tpu.memory_space<vmem>>) semaphore(%dma_start3A_452 : memref<!tpu.dma_semaphore, #tpu.memory_space<semaphore_mem>>)
      %dma_wait3A_453 = arith.constant 0 : i32
      %dma_wait3A_454 = arith.constant 0 : i32
      %dma_wait3A_455 = arith.constant 0 : i32
      %dma_wait3A_456 = arith.constant 0 : i32
      %dma_wait3A_457 = arith.constant 0 : i32
      %dma_wait3A_458 = arith.constant 0 : i32
      %dma_wait3A_459 = tpu.memref_slice %arg9[%dma_wait3A_455, %dma_wait3A_457, %dma_wait3A_458] : memref<2x128x128xf32, #tpu.memory_space<vmem>> -> memref<1x128x128xf32, #tpu.memory_space<vmem>>
      %dma_wait3A_460 = tpu.memref_squeeze %dma_wait3A_459 : memref<1x128x128xf32, #tpu.memory_space<vmem>> -> memref<128x128xf32, #tpu.memory_space<vmem>>
      %dma_wait3A_461 = arith.constant 0 : i32
      %dma_wait3A_462 = tpu.memref_slice %arg7[%dma_wait3A_453, %dma_wait3A_454, %dma_wait3A_461] : memref<2x16x128xi32, #tpu.memory_space<vmem>> -> memref<1x1x128xi32, #tpu.memory_space<vmem>>
      %dma_wait3A_463 = tpu.memref_squeeze %dma_wait3A_462 : memref<1x1x128xi32, #tpu.memory_space<vmem>> -> memref<128xi32, #tpu.memory_space<vmem>>
      %dma_wait3A_464 = arith.constant 0 : i32
      %dma_wait3A_465 = arith.constant 0 : i32
      %dma_wait3A_466 = tpu.memref_slice %arg4[%dma_wait3A_464, %dma_wait3A_465] : memref<10000x128xf32, #tpu.memory_space<hbm>> -> memref<10000x128xf32, #tpu.memory_space<hbm>>
      %dma_wait3A_467 = tpu.memref_slice %arg12[%dma_wait3A_456] : memref<2x!tpu.dma_semaphore, #tpu.memory_space<semaphore_mem>> -> memref<1x!tpu.dma_semaphore, #tpu.memory_space<semaphore_mem>>
      %dma_wait3A_468 = tpu.memref_squeeze %dma_wait3A_467 : memref<1x!tpu.dma_semaphore, #tpu.memory_space<semaphore_mem>> -> memref<!tpu.dma_semaphore, #tpu.memory_space<semaphore_mem>>
      tpu.wait_indirect_dma semaphore(%dma_wait3A_468 : memref<!tpu.dma_semaphore, #tpu.memory_space<semaphore_mem>>) src(%dma_wait3A_466 : memref<10000x128xf32, #tpu.memory_space<hbm>>) dst(%dma_wait3A_460 : memref<128x128xf32, #tpu.memory_space<vmem>>)
      %dma_start3A_469 = arith.constant 0 : i32
      %dma_start3A_470 = arith.constant 0 : i32
      %dma_start3A_471 = arith.constant 0 : i32
      %dma_start3A_472 = arith.constant 0 : i32
      %dma_start3A_473 = arith.constant 0 : i32
      %dma_start3A_474 = tpu.memref_slice %arg9[%dma_start3A_469, %dma_start3A_472, %dma_start3A_473] : memref<2x128x128xf32, #tpu.memory_space<vmem>> -> memref<1x128x128xf32, #tpu.memory_space<vmem>>
      %dma_start3A_475 = tpu.memref_squeeze %dma_start3A_474 : memref<1x128x128xf32, #tpu.memory_space<vmem>> -> memref<128x128xf32, #tpu.memory_space<vmem>>
      %dma_start3A_476 = arith.constant 0 : i32
      %dma_start3A_477 = tpu.memref_slice %arg8[%dma_start3A_470, %scan3A_437, %dma_start3A_476] : memref<2x16x128xi32, #tpu.memory_space<vmem>> -> memref<1x1x128xi32, #tpu.memory_space<vmem>>
      %dma_start3A_478 = tpu.memref_squeeze %dma_start3A_477 : memref<1x1x128xi32, #tpu.memory_space<vmem>> -> memref<128xi32, #tpu.memory_space<vmem>>
      %dma_start3A_479 = arith.constant 0 : i32
      %dma_start3A_480 = arith.constant 0 : i32
      %dma_start3A_481 = tpu.memref_slice %arg10[%dma_start3A_479, %dma_start3A_480] : memref<10240x128xf32, #tpu.memory_space<vmem_shared>> -> memref<10240x128xf32, #tpu.memory_space<vmem_shared>>
      %dma_start3A_482 = tpu.memref_slice %arg13[%dma_start3A_471] : memref<2x!tpu.dma_semaphore, #tpu.memory_space<semaphore_mem>> -> memref<1x!tpu.dma_semaphore, #tpu.memory_space<semaphore_mem>>
      %dma_start3A_483 = tpu.memref_squeeze %dma_start3A_482 : memref<1x!tpu.dma_semaphore, #tpu.memory_space<semaphore_mem>> -> memref<!tpu.dma_semaphore, #tpu.memory_space<semaphore_mem>>
      tpu.enqueue_indirect_dma source(%dma_start3A_475 : memref<128x128xf32, #tpu.memory_space<vmem>>) target(%dma_start3A_481 : memref<10240x128xf32, #tpu.memory_space<vmem_shared>>) offsets(%dma_start3A_478 : memref<128xi32, #tpu.memory_space<vmem>>) semaphore(%dma_start3A_483 : memref<!tpu.dma_semaphore, #tpu.memory_space<semaphore_mem>>) {add = true}
      %dma_wait3A_484 = arith.constant 0 : i32
      %dma_wait3A_485 = arith.constant 0 : i32
      %dma_wait3A_486 = arith.constant 0 : i32
      %dma_wait3A_487 = arith.constant 0 : i32
      %dma_wait3A_488 = arith.constant 0 : i32
      %dma_wait3A_489 = arith.constant 0 : i32
      %dma_wait3A_490 = tpu.memref_slice %arg9[%dma_wait3A_484, %dma_wait3A_488, %dma_wait3A_489] : memref<2x128x128xf32, #tpu.memory_space<vmem>> -> memref<1x128x128xf32, #tpu.memory_space<vmem>>
      %dma_wait3A_491 = tpu.memref_squeeze %dma_wait3A_490 : memref<1x128x128xf32, #tpu.memory_space<vmem>> -> memref<128x128xf32, #tpu.memory_space<vmem>>
      %dma_wait3A_492 = arith.constant 0 : i32
      %dma_wait3A_493 = tpu.memref_slice %arg8[%dma_wait3A_485, %dma_wait3A_486, %dma_wait3A_492] : memref<2x16x128xi32, #tpu.memory_space<vmem>> -> memref<1x1x128xi32, #tpu.memory_space<vmem>>
      %dma_wait3A_494 = tpu.memref_squeeze %dma_wait3A_493 : memref<1x1x128xi32, #tpu.memory_space<vmem>> -> memref<128xi32, #tpu.memory_space<vmem>>
      %dma_wait3A_495 = arith.constant 0 : i32
      %dma_wait3A_496 = arith.constant 0 : i32
      %dma_wait3A_497 = tpu.memref_slice %arg10[%dma_wait3A_495, %dma_wait3A_496] : memref<10240x128xf32, #tpu.memory_space<vmem_shared>> -> memref<10240x128xf32, #tpu.memory_space<vmem_shared>>
      %dma_wait3A_498 = tpu.memref_slice %arg13[%dma_wait3A_487] : memref<2x!tpu.dma_semaphore, #tpu.memory_space<semaphore_mem>> -> memref<1x!tpu.dma_semaphore, #tpu.memory_space<semaphore_mem>>
      %dma_wait3A_499 = tpu.memref_squeeze %dma_wait3A_498 : memref<1x!tpu.dma_semaphore, #tpu.memory_space<semaphore_mem>> -> memref<!tpu.dma_semaphore, #tpu.memory_space<semaphore_mem>>
      tpu.wait_indirect_dma semaphore(%dma_wait3A_499 : memref<!tpu.dma_semaphore, #tpu.memory_space<semaphore_mem>>) src(%dma_wait3A_491 : memref<128x128xf32, #tpu.memory_space<vmem>>) dst(%dma_wait3A_497 : memref<10240x128xf32, #tpu.memory_space<vmem_shared>>)
    }
    %scan3A_431 = arith.constant 16 : i32
    %barrier3A_432 = arith.constant 0 : index
    tpu.barrier barrier_id(%barrier3A_432)
    %mul3A_433 = arith.constant 640 : i32
    %mul3A_434 = arith.muli %arg1, %mul3A_433 : i32
    %mul3A_435 = arith.constant 640 : i32
    %mul3A_436 = arith.muli %arg1, %mul3A_435 : i32
    "tpu.region"() ({
      %run_scoped3A = tpu.sem_alloc : memref<!tpu.dma_semaphore, #tpu.memory_space<semaphore_mem>>
      %dma_start3A_437 = arith.constant 0 : i32
      %dma_start3A_438 = tpu.memref_slice %arg6[%arg0, %mul3A_436, %dma_start3A_437] : memref<2x10240x128xf32, #tpu.memory_space<hbm>> -> memref<1x640x128xf32, #tpu.memory_space<hbm>>
      %dma_start3A_439 = tpu.memref_squeeze %dma_start3A_438 : memref<1x640x128xf32, #tpu.memory_space<hbm>> -> memref<640x128xf32, #tpu.memory_space<hbm>>
      %dma_start3A_440 = arith.constant 0 : i32
      %dma_start3A_441 = tpu.memref_slice %arg10[%mul3A_434, %dma_start3A_440] : memref<10240x128xf32, #tpu.memory_space<vmem_shared>> -> memref<640x128xf32, #tpu.memory_space<vmem_shared>>
      tpu.enqueue_dma source(%dma_start3A_441 : memref<640x128xf32, #tpu.memory_space<vmem_shared>>) target(%dma_start3A_439 : memref<640x128xf32, #tpu.memory_space<hbm>>) target_semaphore(%run_scoped3A : memref<!tpu.dma_semaphore, #tpu.memory_space<semaphore_mem>>)
      %dma_wait3A_442 = arith.constant 0 : i32
      %dma_wait3A_443 = tpu.memref_slice %arg6[%arg0, %mul3A_436, %dma_wait3A_442] : memref<2x10240x128xf32, #tpu.memory_space<hbm>> -> memref<1x640x128xf32, #tpu.memory_space<hbm>>
      %dma_wait3A_444 = tpu.memref_squeeze %dma_wait3A_443 : memref<1x640x128xf32, #tpu.memory_space<hbm>> -> memref<640x128xf32, #tpu.memory_space<hbm>>
      %dma_wait3A_445 = arith.constant 0 : i32
      %dma_wait3A_446 = tpu.memref_slice %arg10[%mul3A_434, %dma_wait3A_445] : memref<10240x128xf32, #tpu.memory_space<vmem_shared>> -> memref<640x128xf32, #tpu.memory_space<vmem_shared>>
      tpu.wait_dma2 semaphore(%run_scoped3A : memref<!tpu.dma_semaphore, #tpu.memory_space<semaphore_mem>>) src(%dma_wait3A_446 : memref<640x128xf32, #tpu.memory_space<vmem_shared>>) dst(%dma_wait3A_444 : memref<640x128xf32, #tpu.memory_space<hbm>>)
      tpu.yield
    }) : () -> ()
    return
  }
}

#map = affine_map<(d0, d1) -> (0, 0, 0)>
#map1 = affine_map<(d0, d1) -> (0, 0)>
#map2 = affine_map<(d0, d1) -> (0)>
module attributes {stable_mosaic.version = 14 : i64} {
  func.func @_seg_sum_body(%arg0: i32, %arg1: i32, %arg2: memref<32x80x128xi32, #tpu.memory_space<hbm>>, %arg3: memref<32x80x128xi32, #tpu.memory_space<hbm>>, %arg4: memref<10000x128xf32, #tpu.memory_space<hbm>>, %arg5: memref<10240x128xf32, #tpu.memory_space<hbm>>, %arg6: memref<10240xf32, #tpu.memory_space<hbm>>, %arg7: memref<128xf32, #tpu.memory_space<hbm>>, %arg8: memref<2x10240x128xf32, #tpu.memory_space<hbm>>, %arg9: memref<2x10240xf32, #tpu.memory_space<hbm>>, %arg10: memref<2x16x128xi32, #tpu.memory_space<vmem>>, %arg11: memref<2x16x128xi32, #tpu.memory_space<vmem>>, %arg12: memref<2x128x128xf32, #tpu.memory_space<vmem>>, %arg13: memref<128xf32, #tpu.memory_space<vmem>>, %arg14: memref<10240x128xf32, #tpu.memory_space<vmem_shared>>, %arg15: memref<10240xf32, #tpu.memory_space<vmem_shared>>, %arg16: memref<2x!tpu.dma_semaphore, #tpu.memory_space<semaphore_mem>>, %arg17: memref<2x!tpu.dma_semaphore, #tpu.memory_space<semaphore_mem>>, %arg18: memref<2x!tpu.dma_semaphore, #tpu.memory_space<semaphore_mem>>) attributes {dimension_semantics = [#tpu.dimension_semantics<core_parallel>, #tpu.dimension_semantics<subcore_parallel>], iteration_bounds = array<i64: 2, 16>, scalar_prefetch = 0 : i64, scratch_operands = 9 : i64, tpu.core_type = #tpu.core_type<sc_vector_subcore>, window_params = [{transform_indices = #map}, {transform_indices = #map}, {transform_indices = #map1}, {transform_indices = #map1}, {transform_indices = #map2}, {transform_indices = #map2}, {transform_indices = #map}, {transform_indices = #map1}]} {
    %mul3A = arith.constant 16 : i32
    %mul3A_0 = arith.muli %arg0, %mul3A : i32
    %add3A = arith.addi %mul3A_0, %arg1 : i32
    %mul3A_1 = arith.constant 640 : i32
    %mul3A_2 = arith.muli %arg1, %mul3A_1 : i32
    %mul3A_3 = arith.constant 640 : i32
    %mul3A_4 = arith.muli %arg1, %mul3A_3 : i32
    "tpu.region"() ({
      %run_scoped3A = tpu.sem_alloc : memref<!tpu.dma_semaphore, #tpu.memory_space<semaphore_mem>>
      %dma_start3A_445 = arith.constant 0 : i32
      %dma_start3A_446 = tpu.memref_slice %arg14[%mul3A_4, %dma_start3A_445] : memref<10240x128xf32, #tpu.memory_space<vmem_shared>> -> memref<640x128xf32, #tpu.memory_space<vmem_shared>>
      %dma_start3A_447 = arith.constant 0 : i32
      %dma_start3A_448 = tpu.memref_slice %arg5[%mul3A_2, %dma_start3A_447] : memref<10240x128xf32, #tpu.memory_space<hbm>> -> memref<640x128xf32, #tpu.memory_space<hbm>>
      tpu.enqueue_dma source(%dma_start3A_448 : memref<640x128xf32, #tpu.memory_space<hbm>>) target(%dma_start3A_446 : memref<640x128xf32, #tpu.memory_space<vmem_shared>>) target_semaphore(%run_scoped3A : memref<!tpu.dma_semaphore, #tpu.memory_space<semaphore_mem>>)
      %dma_wait3A_449 = arith.constant 0 : i32
      %dma_wait3A_450 = tpu.memref_slice %arg14[%mul3A_4, %dma_wait3A_449] : memref<10240x128xf32, #tpu.memory_space<vmem_shared>> -> memref<640x128xf32, #tpu.memory_space<vmem_shared>>
      %dma_wait3A_451 = arith.constant 0 : i32
      %dma_wait3A_452 = tpu.memref_slice %arg5[%mul3A_2, %dma_wait3A_451] : memref<10240x128xf32, #tpu.memory_space<hbm>> -> memref<640x128xf32, #tpu.memory_space<hbm>>
      tpu.wait_dma2 semaphore(%run_scoped3A : memref<!tpu.dma_semaphore, #tpu.memory_space<semaphore_mem>>) src(%dma_wait3A_452 : memref<640x128xf32, #tpu.memory_space<hbm>>) dst(%dma_wait3A_450 : memref<640x128xf32, #tpu.memory_space<vmem_shared>>)
      tpu.yield
    }) : () -> ()
    %mul3A_5 = arith.constant 640 : i32
    %mul3A_6 = arith.muli %arg1, %mul3A_5 : i32
    %mul3A_7 = arith.constant 640 : i32
    %mul3A_8 = arith.muli %arg1, %mul3A_7 : i32
    "tpu.region"() ({
      %run_scoped3A = tpu.sem_alloc : memref<!tpu.dma_semaphore, #tpu.memory_space<semaphore_mem>>
      %dma_start3A_445 = tpu.memref_slice %arg15[%mul3A_8] : memref<10240xf32, #tpu.memory_space<vmem_shared>> -> memref<640xf32, #tpu.memory_space<vmem_shared>>
      %dma_start3A_446 = tpu.memref_slice %arg6[%mul3A_6] : memref<10240xf32, #tpu.memory_space<hbm>> -> memref<640xf32, #tpu.memory_space<hbm>>
      tpu.enqueue_dma source(%dma_start3A_446 : memref<640xf32, #tpu.memory_space<hbm>>) target(%dma_start3A_445 : memref<640xf32, #tpu.memory_space<vmem_shared>>) target_semaphore(%run_scoped3A : memref<!tpu.dma_semaphore, #tpu.memory_space<semaphore_mem>>)
      %dma_wait3A_447 = tpu.memref_slice %arg15[%mul3A_8] : memref<10240xf32, #tpu.memory_space<vmem_shared>> -> memref<640xf32, #tpu.memory_space<vmem_shared>>
      %dma_wait3A_448 = tpu.memref_slice %arg6[%mul3A_6] : memref<10240xf32, #tpu.memory_space<hbm>> -> memref<640xf32, #tpu.memory_space<hbm>>
      tpu.wait_dma2 semaphore(%run_scoped3A : memref<!tpu.dma_semaphore, #tpu.memory_space<semaphore_mem>>) src(%dma_wait3A_448 : memref<640xf32, #tpu.memory_space<hbm>>) dst(%dma_wait3A_447 : memref<640xf32, #tpu.memory_space<vmem_shared>>)
      tpu.yield
    }) : () -> ()
    "tpu.region"() ({
      %run_scoped3A = tpu.sem_alloc : memref<!tpu.dma_semaphore, #tpu.memory_space<semaphore_mem>>
      tpu.enqueue_dma source(%arg7 : memref<128xf32, #tpu.memory_space<hbm>>) target(%arg13 : memref<128xf32, #tpu.memory_space<vmem>>) target_semaphore(%run_scoped3A : memref<!tpu.dma_semaphore, #tpu.memory_space<semaphore_mem>>)
      tpu.wait_dma2 semaphore(%run_scoped3A : memref<!tpu.dma_semaphore, #tpu.memory_space<semaphore_mem>>) src(%arg7 : memref<128xf32, #tpu.memory_space<hbm>>) dst(%arg13 : memref<128xf32, #tpu.memory_space<vmem>>)
      tpu.yield
    }) : () -> ()
    %dma_start3A = arith.constant 0 : i32
    %dma_start3A_9 = arith.constant 0 : i32
    %dma_start3A_10 = arith.constant 0 : i32
    %dma_start3A_11 = arith.constant 0 : i32
    %dma_start3A_12 = tpu.memref_slice %arg10[%dma_start3A, %dma_start3A_10, %dma_start3A_11] : memref<2x16x128xi32, #tpu.memory_space<vmem>> -> memref<1x16x128xi32, #tpu.memory_space<vmem>>
    %dma_start3A_13 = tpu.memref_squeeze %dma_start3A_12 : memref<1x16x128xi32, #tpu.memory_space<vmem>> -> memref<16x128xi32, #tpu.memory_space<vmem>>
    %dma_start3A_14 = arith.constant 0 : i32
    %dma_start3A_15 = arith.constant 0 : i32
    %dma_start3A_16 = tpu.memref_slice %arg2[%add3A, %dma_start3A_14, %dma_start3A_15] : memref<32x80x128xi32, #tpu.memory_space<hbm>> -> memref<1x16x128xi32, #tpu.memory_space<hbm>>
    %dma_start3A_17 = tpu.memref_squeeze %dma_start3A_16 : memref<1x16x128xi32, #tpu.memory_space<hbm>> -> memref<16x128xi32, #tpu.memory_space<hbm>>
    %dma_start3A_18 = tpu.memref_slice %arg16[%dma_start3A_9] : memref<2x!tpu.dma_semaphore, #tpu.memory_space<semaphore_mem>> -> memref<1x!tpu.dma_semaphore, #tpu.memory_space<semaphore_mem>>
    %dma_start3A_19 = tpu.memref_squeeze %dma_start3A_18 : memref<1x!tpu.dma_semaphore, #tpu.memory_space<semaphore_mem>> -> memref<!tpu.dma_semaphore, #tpu.memory_space<semaphore_mem>>
    %dma_start3A_20 = arith.constant 0 : i32
    %dma_start3A_21 = arith.constant 0 : i32
    %dma_start3A_22 = tpu.memref_slice %arg10[%dma_start3A, %dma_start3A_20, %dma_start3A_21] : memref<2x16x128xi32, #tpu.memory_space<vmem>> -> memref<1x16x128xi32, #tpu.memory_space<vmem>>
    %dma_start3A_23 = tpu.memref_squeeze %dma_start3A_22 : memref<1x16x128xi32, #tpu.memory_space<vmem>> -> memref<16x128xi32, #tpu.memory_space<vmem>>
    %dma_start3A_24 = arith.constant 0 : i32
    %dma_start3A_25 = arith.constant 0 : i32
    %dma_start3A_26 = tpu.memref_slice %arg2[%add3A, %dma_start3A_24, %dma_start3A_25] : memref<32x80x128xi32, #tpu.memory_space<hbm>> -> memref<1x16x128xi32, #tpu.memory_space<hbm>>
    %dma_start3A_27 = tpu.memref_squeeze %dma_start3A_26 : memref<1x16x128xi32, #tpu.memory_space<hbm>> -> memref<16x128xi32, #tpu.memory_space<hbm>>
    tpu.enqueue_dma source(%dma_start3A_27 : memref<16x128xi32, #tpu.memory_space<hbm>>) target(%dma_start3A_23 : memref<16x128xi32, #tpu.memory_space<vmem>>) target_semaphore(%dma_start3A_19 : memref<!tpu.dma_semaphore, #tpu.memory_space<semaphore_mem>>)
    %dma_start3A_28 = arith.constant 0 : i32
    %dma_start3A_29 = arith.constant 0 : i32
    %dma_start3A_30 = arith.constant 0 : i32
    %dma_start3A_31 = arith.constant 0 : i32
    %dma_start3A_32 = tpu.memref_slice %arg11[%dma_start3A_28, %dma_start3A_30, %dma_start3A_31] : memref<2x16x128xi32, #tpu.memory_space<vmem>> -> memref<1x16x128xi32, #tpu.memory_space<vmem>>
    %dma_start3A_33 = tpu.memref_squeeze %dma_start3A_32 : memref<1x16x128xi32, #tpu.memory_space<vmem>> -> memref<16x128xi32, #tpu.memory_space<vmem>>
    %dma_start3A_34 = arith.constant 0 : i32
    %dma_start3A_35 = arith.constant 0 : i32
    %dma_start3A_36 = tpu.memref_slice %arg3[%add3A, %dma_start3A_34, %dma_start3A_35] : memref<32x80x128xi32, #tpu.memory_space<hbm>> -> memref<1x16x128xi32, #tpu.memory_space<hbm>>
    %dma_start3A_37 = tpu.memref_squeeze %dma_start3A_36 : memref<1x16x128xi32, #tpu.memory_space<hbm>> -> memref<16x128xi32, #tpu.memory_space<hbm>>
    %dma_start3A_38 = tpu.memref_slice %arg16[%dma_start3A_29] : memref<2x!tpu.dma_semaphore, #tpu.memory_space<semaphore_mem>> -> memref<1x!tpu.dma_semaphore, #tpu.memory_space<semaphore_mem>>
    %dma_start3A_39 = tpu.memref_squeeze %dma_start3A_38 : memref<1x!tpu.dma_semaphore, #tpu.memory_space<semaphore_mem>> -> memref<!tpu.dma_semaphore, #tpu.memory_space<semaphore_mem>>
    %dma_start3A_40 = arith.constant 0 : i32
    %dma_start3A_41 = arith.constant 0 : i32
    %dma_start3A_42 = tpu.memref_slice %arg11[%dma_start3A_28, %dma_start3A_40, %dma_start3A_41] : memref<2x16x128xi32, #tpu.memory_space<vmem>> -> memref<1x16x128xi32, #tpu.memory_space<vmem>>
    %dma_start3A_43 = tpu.memref_squeeze %dma_start3A_42 : memref<1x16x128xi32, #tpu.memory_space<vmem>> -> memref<16x128xi32, #tpu.memory_space<vmem>>
    %dma_start3A_44 = arith.constant 0 : i32
    %dma_start3A_45 = arith.constant 0 : i32
    %dma_start3A_46 = tpu.memref_slice %arg3[%add3A, %dma_start3A_44, %dma_start3A_45] : memref<32x80x128xi32, #tpu.memory_space<hbm>> -> memref<1x16x128xi32, #tpu.memory_space<hbm>>
    %dma_start3A_47 = tpu.memref_squeeze %dma_start3A_46 : memref<1x16x128xi32, #tpu.memory_space<hbm>> -> memref<16x128xi32, #tpu.memory_space<hbm>>
    tpu.enqueue_dma source(%dma_start3A_47 : memref<16x128xi32, #tpu.memory_space<hbm>>) target(%dma_start3A_43 : memref<16x128xi32, #tpu.memory_space<vmem>>) target_semaphore(%dma_start3A_39 : memref<!tpu.dma_semaphore, #tpu.memory_space<semaphore_mem>>)
    %barrier3A = arith.constant 0 : index
    tpu.barrier barrier_id(%barrier3A)
    %dma_wait3A = arith.constant 0 : i32
    %dma_wait3A_48 = arith.constant 0 : i32
    %dma_wait3A_49 = arith.constant 0 : i32
    %dma_wait3A_50 = arith.constant 0 : i32
    %dma_wait3A_51 = tpu.memref_slice %arg10[%dma_wait3A, %dma_wait3A_49, %dma_wait3A_50] : memref<2x16x128xi32, #tpu.memory_space<vmem>> -> memref<1x16x128xi32, #tpu.memory_space<vmem>>
    %dma_wait3A_52 = tpu.memref_squeeze %dma_wait3A_51 : memref<1x16x128xi32, #tpu.memory_space<vmem>> -> memref<16x128xi32, #tpu.memory_space<vmem>>
    %dma_wait3A_53 = arith.constant 0 : i32
    %dma_wait3A_54 = arith.constant 0 : i32
    %dma_wait3A_55 = tpu.memref_slice %arg2[%add3A, %dma_wait3A_53, %dma_wait3A_54] : memref<32x80x128xi32, #tpu.memory_space<hbm>> -> memref<1x16x128xi32, #tpu.memory_space<hbm>>
    %dma_wait3A_56 = tpu.memref_squeeze %dma_wait3A_55 : memref<1x16x128xi32, #tpu.memory_space<hbm>> -> memref<16x128xi32, #tpu.memory_space<hbm>>
    %dma_wait3A_57 = tpu.memref_slice %arg16[%dma_wait3A_48] : memref<2x!tpu.dma_semaphore, #tpu.memory_space<semaphore_mem>> -> memref<1x!tpu.dma_semaphore, #tpu.memory_space<semaphore_mem>>
    %dma_wait3A_58 = tpu.memref_squeeze %dma_wait3A_57 : memref<1x!tpu.dma_semaphore, #tpu.memory_space<semaphore_mem>> -> memref<!tpu.dma_semaphore, #tpu.memory_space<semaphore_mem>>
    %dma_wait3A_59 = arith.constant 0 : i32
    %dma_wait3A_60 = arith.constant 0 : i32
    %dma_wait3A_61 = tpu.memref_slice %arg10[%dma_wait3A, %dma_wait3A_59, %dma_wait3A_60] : memref<2x16x128xi32, #tpu.memory_space<vmem>> -> memref<1x16x128xi32, #tpu.memory_space<vmem>>
    %dma_wait3A_62 = tpu.memref_squeeze %dma_wait3A_61 : memref<1x16x128xi32, #tpu.memory_space<vmem>> -> memref<16x128xi32, #tpu.memory_space<vmem>>
    %dma_wait3A_63 = arith.constant 0 : i32
    %dma_wait3A_64 = arith.constant 0 : i32
    %dma_wait3A_65 = tpu.memref_slice %arg2[%add3A, %dma_wait3A_63, %dma_wait3A_64] : memref<32x80x128xi32, #tpu.memory_space<hbm>> -> memref<1x16x128xi32, #tpu.memory_space<hbm>>
    %dma_wait3A_66 = tpu.memref_squeeze %dma_wait3A_65 : memref<1x16x128xi32, #tpu.memory_space<hbm>> -> memref<16x128xi32, #tpu.memory_space<hbm>>
    tpu.wait_dma2 semaphore(%dma_wait3A_58 : memref<!tpu.dma_semaphore, #tpu.memory_space<semaphore_mem>>) src(%dma_wait3A_66 : memref<16x128xi32, #tpu.memory_space<hbm>>) dst(%dma_wait3A_62 : memref<16x128xi32, #tpu.memory_space<vmem>>)
    %dma_wait3A_67 = arith.constant 0 : i32
    %dma_wait3A_68 = arith.constant 0 : i32
    %dma_wait3A_69 = arith.constant 0 : i32
    %dma_wait3A_70 = arith.constant 0 : i32
    %dma_wait3A_71 = tpu.memref_slice %arg11[%dma_wait3A_67, %dma_wait3A_69, %dma_wait3A_70] : memref<2x16x128xi32, #tpu.memory_space<vmem>> -> memref<1x16x128xi32, #tpu.memory_space<vmem>>
    %dma_wait3A_72 = tpu.memref_squeeze %dma_wait3A_71 : memref<1x16x128xi32, #tpu.memory_space<vmem>> -> memref<16x128xi32, #tpu.memory_space<vmem>>
    %dma_wait3A_73 = arith.constant 0 : i32
    %dma_wait3A_74 = arith.constant 0 : i32
    %dma_wait3A_75 = tpu.memref_slice %arg3[%add3A, %dma_wait3A_73, %dma_wait3A_74] : memref<32x80x128xi32, #tpu.memory_space<hbm>> -> memref<1x16x128xi32, #tpu.memory_space<hbm>>
    %dma_wait3A_76 = tpu.memref_squeeze %dma_wait3A_75 : memref<1x16x128xi32, #tpu.memory_space<hbm>> -> memref<16x128xi32, #tpu.memory_space<hbm>>
    %dma_wait3A_77 = tpu.memref_slice %arg16[%dma_wait3A_68] : memref<2x!tpu.dma_semaphore, #tpu.memory_space<semaphore_mem>> -> memref<1x!tpu.dma_semaphore, #tpu.memory_space<semaphore_mem>>
    %dma_wait3A_78 = tpu.memref_squeeze %dma_wait3A_77 : memref<1x!tpu.dma_semaphore, #tpu.memory_space<semaphore_mem>> -> memref<!tpu.dma_semaphore, #tpu.memory_space<semaphore_mem>>
    %dma_wait3A_79 = arith.constant 0 : i32
    %dma_wait3A_80 = arith.constant 0 : i32
    %dma_wait3A_81 = tpu.memref_slice %arg11[%dma_wait3A_67, %dma_wait3A_79, %dma_wait3A_80] : memref<2x16x128xi32, #tpu.memory_space<vmem>> -> memref<1x16x128xi32, #tpu.memory_space<vmem>>
    %dma_wait3A_82 = tpu.memref_squeeze %dma_wait3A_81 : memref<1x16x128xi32, #tpu.memory_space<vmem>> -> memref<16x128xi32, #tpu.memory_space<vmem>>
    %dma_wait3A_83 = arith.constant 0 : i32
    %dma_wait3A_84 = arith.constant 0 : i32
    %dma_wait3A_85 = tpu.memref_slice %arg3[%add3A, %dma_wait3A_83, %dma_wait3A_84] : memref<32x80x128xi32, #tpu.memory_space<hbm>> -> memref<1x16x128xi32, #tpu.memory_space<hbm>>
    %dma_wait3A_86 = tpu.memref_squeeze %dma_wait3A_85 : memref<1x16x128xi32, #tpu.memory_space<hbm>> -> memref<16x128xi32, #tpu.memory_space<hbm>>
    tpu.wait_dma2 semaphore(%dma_wait3A_78 : memref<!tpu.dma_semaphore, #tpu.memory_space<semaphore_mem>>) src(%dma_wait3A_86 : memref<16x128xi32, #tpu.memory_space<hbm>>) dst(%dma_wait3A_82 : memref<16x128xi32, #tpu.memory_space<vmem>>)
    %dma_start3A_87 = arith.constant 1 : i32
    %dma_start3A_88 = arith.constant 1 : i32
    %dma_start3A_89 = arith.constant 0 : i32
    %dma_start3A_90 = arith.constant 0 : i32
    %dma_start3A_91 = tpu.memref_slice %arg10[%dma_start3A_87, %dma_start3A_89, %dma_start3A_90] : memref<2x16x128xi32, #tpu.memory_space<vmem>> -> memref<1x16x128xi32, #tpu.memory_space<vmem>>
    %dma_start3A_92 = tpu.memref_squeeze %dma_start3A_91 : memref<1x16x128xi32, #tpu.memory_space<vmem>> -> memref<16x128xi32, #tpu.memory_space<vmem>>
    %dma_start3A_93 = arith.constant 16 : i32
    %dma_start3A_94 = arith.constant 0 : i32
    %dma_start3A_95 = tpu.memref_slice %arg2[%add3A, %dma_start3A_93, %dma_start3A_94] : memref<32x80x128xi32, #tpu.memory_space<hbm>> -> memref<1x16x128xi32, #tpu.memory_space<hbm>>
    %dma_start3A_96 = tpu.memref_squeeze %dma_start3A_95 : memref<1x16x128xi32, #tpu.memory_space<hbm>> -> memref<16x128xi32, #tpu.memory_space<hbm>>
    %dma_start3A_97 = tpu.memref_slice %arg16[%dma_start3A_88] : memref<2x!tpu.dma_semaphore, #tpu.memory_space<semaphore_mem>> -> memref<1x!tpu.dma_semaphore, #tpu.memory_space<semaphore_mem>>
    %dma_start3A_98 = tpu.memref_squeeze %dma_start3A_97 : memref<1x!tpu.dma_semaphore, #tpu.memory_space<semaphore_mem>> -> memref<!tpu.dma_semaphore, #tpu.memory_space<semaphore_mem>>
    %dma_start3A_99 = arith.constant 0 : i32
    %dma_start3A_100 = arith.constant 0 : i32
    %dma_start3A_101 = tpu.memref_slice %arg10[%dma_start3A_87, %dma_start3A_99, %dma_start3A_100] : memref<2x16x128xi32, #tpu.memory_space<vmem>> -> memref<1x16x128xi32, #tpu.memory_space<vmem>>
    %dma_start3A_102 = tpu.memref_squeeze %dma_start3A_101 : memref<1x16x128xi32, #tpu.memory_space<vmem>> -> memref<16x128xi32, #tpu.memory_space<vmem>>
    %dma_start3A_103 = arith.constant 16 : i32
    %dma_start3A_104 = arith.constant 0 : i32
    %dma_start3A_105 = tpu.memref_slice %arg2[%add3A, %dma_start3A_103, %dma_start3A_104] : memref<32x80x128xi32, #tpu.memory_space<hbm>> -> memref<1x16x128xi32, #tpu.memory_space<hbm>>
    %dma_start3A_106 = tpu.memref_squeeze %dma_start3A_105 : memref<1x16x128xi32, #tpu.memory_space<hbm>> -> memref<16x128xi32, #tpu.memory_space<hbm>>
    tpu.enqueue_dma source(%dma_start3A_106 : memref<16x128xi32, #tpu.memory_space<hbm>>) target(%dma_start3A_102 : memref<16x128xi32, #tpu.memory_space<vmem>>) target_semaphore(%dma_start3A_98 : memref<!tpu.dma_semaphore, #tpu.memory_space<semaphore_mem>>)
    %dma_start3A_107 = arith.constant 1 : i32
    %dma_start3A_108 = arith.constant 1 : i32
    %dma_start3A_109 = arith.constant 0 : i32
    %dma_start3A_110 = arith.constant 0 : i32
    %dma_start3A_111 = tpu.memref_slice %arg11[%dma_start3A_107, %dma_start3A_109, %dma_start3A_110] : memref<2x16x128xi32, #tpu.memory_space<vmem>> -> memref<1x16x128xi32, #tpu.memory_space<vmem>>
    %dma_start3A_112 = tpu.memref_squeeze %dma_start3A_111 : memref<1x16x128xi32, #tpu.memory_space<vmem>> -> memref<16x128xi32, #tpu.memory_space<vmem>>
    %dma_start3A_113 = arith.constant 16 : i32
    %dma_start3A_114 = arith.constant 0 : i32
    %dma_start3A_115 = tpu.memref_slice %arg3[%add3A, %dma_start3A_113, %dma_start3A_114] : memref<32x80x128xi32, #tpu.memory_space<hbm>> -> memref<1x16x128xi32, #tpu.memory_space<hbm>>
    %dma_start3A_116 = tpu.memref_squeeze %dma_start3A_115 : memref<1x16x128xi32, #tpu.memory_space<hbm>> -> memref<16x128xi32, #tpu.memory_space<hbm>>
    %dma_start3A_117 = tpu.memref_slice %arg16[%dma_start3A_108] : memref<2x!tpu.dma_semaphore, #tpu.memory_space<semaphore_mem>> -> memref<1x!tpu.dma_semaphore, #tpu.memory_space<semaphore_mem>>
    %dma_start3A_118 = tpu.memref_squeeze %dma_start3A_117 : memref<1x!tpu.dma_semaphore, #tpu.memory_space<semaphore_mem>> -> memref<!tpu.dma_semaphore, #tpu.memory_space<semaphore_mem>>
    %dma_start3A_119 = arith.constant 0 : i32
    %dma_start3A_120 = arith.constant 0 : i32
    %dma_start3A_121 = tpu.memref_slice %arg11[%dma_start3A_107, %dma_start3A_119, %dma_start3A_120] : memref<2x16x128xi32, #tpu.memory_space<vmem>> -> memref<1x16x128xi32, #tpu.memory_space<vmem>>
    %dma_start3A_122 = tpu.memref_squeeze %dma_start3A_121 : memref<1x16x128xi32, #tpu.memory_space<vmem>> -> memref<16x128xi32, #tpu.memory_space<vmem>>
    %dma_start3A_123 = arith.constant 16 : i32
    %dma_start3A_124 = arith.constant 0 : i32
    %dma_start3A_125 = tpu.memref_slice %arg3[%add3A, %dma_start3A_123, %dma_start3A_124] : memref<32x80x128xi32, #tpu.memory_space<hbm>> -> memref<1x16x128xi32, #tpu.memory_space<hbm>>
    %dma_start3A_126 = tpu.memref_squeeze %dma_start3A_125 : memref<1x16x128xi32, #tpu.memory_space<hbm>> -> memref<16x128xi32, #tpu.memory_space<hbm>>
    tpu.enqueue_dma source(%dma_start3A_126 : memref<16x128xi32, #tpu.memory_space<hbm>>) target(%dma_start3A_122 : memref<16x128xi32, #tpu.memory_space<vmem>>) target_semaphore(%dma_start3A_118 : memref<!tpu.dma_semaphore, #tpu.memory_space<semaphore_mem>>)
    %scan3A = arith.constant 0 : i32
    %scan3A_127 = arith.constant 0 : i32
    %scan3A_128 = arith.constant 16 : i32
    %scan3A_129 = arith.addi %scan3A_127, %scan3A_128 : i32
    %scan3A_130 = arith.constant 1 : i32
    scf.for %scan3A_445 = %scan3A_127 to %scan3A_129 step %scan3A_130  : i32 {
      %dma_start3A_446 = arith.constant 0 : i32
      %dma_start3A_447 = arith.constant 0 : i32
      %dma_start3A_448 = arith.constant 0 : i32
      %dma_start3A_449 = arith.constant 0 : i32
      %dma_start3A_450 = arith.constant 0 : i32
      %dma_start3A_451 = tpu.memref_slice %arg12[%dma_start3A_447, %dma_start3A_449, %dma_start3A_450] : memref<2x128x128xf32, #tpu.memory_space<vmem>> -> memref<1x128x128xf32, #tpu.memory_space<vmem>>
      %dma_start3A_452 = tpu.memref_squeeze %dma_start3A_451 : memref<1x128x128xf32, #tpu.memory_space<vmem>> -> memref<128x128xf32, #tpu.memory_space<vmem>>
      %dma_start3A_453 = arith.constant 0 : i32
      %dma_start3A_454 = tpu.memref_slice %arg10[%dma_start3A_446, %scan3A_445, %dma_start3A_453] : memref<2x16x128xi32, #tpu.memory_space<vmem>> -> memref<1x1x128xi32, #tpu.memory_space<vmem>>
      %dma_start3A_455 = tpu.memref_squeeze %dma_start3A_454 : memref<1x1x128xi32, #tpu.memory_space<vmem>> -> memref<128xi32, #tpu.memory_space<vmem>>
      %dma_start3A_456 = arith.constant 0 : i32
      %dma_start3A_457 = arith.constant 0 : i32
      %dma_start3A_458 = tpu.memref_slice %arg4[%dma_start3A_456, %dma_start3A_457] : memref<10000x128xf32, #tpu.memory_space<hbm>> -> memref<10000x128xf32, #tpu.memory_space<hbm>>
      %dma_start3A_459 = tpu.memref_slice %arg17[%dma_start3A_448] : memref<2x!tpu.dma_semaphore, #tpu.memory_space<semaphore_mem>> -> memref<1x!tpu.dma_semaphore, #tpu.memory_space<semaphore_mem>>
      %dma_start3A_460 = tpu.memref_squeeze %dma_start3A_459 : memref<1x!tpu.dma_semaphore, #tpu.memory_space<semaphore_mem>> -> memref<!tpu.dma_semaphore, #tpu.memory_space<semaphore_mem>>
      tpu.enqueue_indirect_dma source(%dma_start3A_458 : memref<10000x128xf32, #tpu.memory_space<hbm>>) target(%dma_start3A_452 : memref<128x128xf32, #tpu.memory_space<vmem>>) offsets(%dma_start3A_455 : memref<128xi32, #tpu.memory_space<vmem>>) semaphore(%dma_start3A_460 : memref<!tpu.dma_semaphore, #tpu.memory_space<semaphore_mem>>)
      %dma_wait3A_461 = arith.constant 0 : i32
      %dma_wait3A_462 = arith.constant 0 : i32
      %dma_wait3A_463 = arith.constant 0 : i32
      %dma_wait3A_464 = arith.constant 0 : i32
      %dma_wait3A_465 = arith.constant 0 : i32
      %dma_wait3A_466 = arith.constant 0 : i32
      %dma_wait3A_467 = tpu.memref_slice %arg12[%dma_wait3A_463, %dma_wait3A_465, %dma_wait3A_466] : memref<2x128x128xf32, #tpu.memory_space<vmem>> -> memref<1x128x128xf32, #tpu.memory_space<vmem>>
      %dma_wait3A_468 = tpu.memref_squeeze %dma_wait3A_467 : memref<1x128x128xf32, #tpu.memory_space<vmem>> -> memref<128x128xf32, #tpu.memory_space<vmem>>
      %dma_wait3A_469 = arith.constant 0 : i32
      %dma_wait3A_470 = tpu.memref_slice %arg10[%dma_wait3A_461, %dma_wait3A_462, %dma_wait3A_469] : memref<2x16x128xi32, #tpu.memory_space<vmem>> -> memref<1x1x128xi32, #tpu.memory_space<vmem>>
      %dma_wait3A_471 = tpu.memref_squeeze %dma_wait3A_470 : memref<1x1x128xi32, #tpu.memory_space<vmem>> -> memref<128xi32, #tpu.memory_space<vmem>>
      %dma_wait3A_472 = arith.constant 0 : i32
      %dma_wait3A_473 = arith.constant 0 : i32
      %dma_wait3A_474 = tpu.memref_slice %arg4[%dma_wait3A_472, %dma_wait3A_473] : memref<10000x128xf32, #tpu.memory_space<hbm>> -> memref<10000x128xf32, #tpu.memory_space<hbm>>
      %dma_wait3A_475 = tpu.memref_slice %arg17[%dma_wait3A_464] : memref<2x!tpu.dma_semaphore, #tpu.memory_space<semaphore_mem>> -> memref<1x!tpu.dma_semaphore, #tpu.memory_space<semaphore_mem>>
      %dma_wait3A_476 = tpu.memref_squeeze %dma_wait3A_475 : memref<1x!tpu.dma_semaphore, #tpu.memory_space<semaphore_mem>> -> memref<!tpu.dma_semaphore, #tpu.memory_space<semaphore_mem>>
      tpu.wait_indirect_dma semaphore(%dma_wait3A_476 : memref<!tpu.dma_semaphore, #tpu.memory_space<semaphore_mem>>) src(%dma_wait3A_474 : memref<10000x128xf32, #tpu.memory_space<hbm>>) dst(%dma_wait3A_468 : memref<128x128xf32, #tpu.memory_space<vmem>>)
      %dma_start3A_477 = arith.constant 0 : i32
      %dma_start3A_478 = arith.constant 0 : i32
      %dma_start3A_479 = arith.constant 0 : i32
      %dma_start3A_480 = arith.constant 0 : i32
      %dma_start3A_481 = arith.constant 0 : i32
      %dma_start3A_482 = tpu.memref_slice %arg12[%dma_start3A_477, %dma_start3A_480, %dma_start3A_481] : memref<2x128x128xf32, #tpu.memory_space<vmem>> -> memref<1x128x128xf32, #tpu.memory_space<vmem>>
      %dma_start3A_483 = tpu.memref_squeeze %dma_start3A_482 : memref<1x128x128xf32, #tpu.memory_space<vmem>> -> memref<128x128xf32, #tpu.memory_space<vmem>>
      %dma_start3A_484 = arith.constant 0 : i32
      %dma_start3A_485 = tpu.memref_slice %arg11[%dma_start3A_478, %scan3A_445, %dma_start3A_484] : memref<2x16x128xi32, #tpu.memory_space<vmem>> -> memref<1x1x128xi32, #tpu.memory_space<vmem>>
      %dma_start3A_486 = tpu.memref_squeeze %dma_start3A_485 : memref<1x1x128xi32, #tpu.memory_space<vmem>> -> memref<128xi32, #tpu.memory_space<vmem>>
      %dma_start3A_487 = arith.constant 0 : i32
      %dma_start3A_488 = arith.constant 0 : i32
      %dma_start3A_489 = tpu.memref_slice %arg14[%dma_start3A_487, %dma_start3A_488] : memref<10240x128xf32, #tpu.memory_space<vmem_shared>> -> memref<10240x128xf32, #tpu.memory_space<vmem_shared>>
      %dma_start3A_490 = tpu.memref_slice %arg18[%dma_start3A_479] : memref<2x!tpu.dma_semaphore, #tpu.memory_space<semaphore_mem>> -> memref<1x!tpu.dma_semaphore, #tpu.memory_space<semaphore_mem>>
      %dma_start3A_491 = tpu.memref_squeeze %dma_start3A_490 : memref<1x!tpu.dma_semaphore, #tpu.memory_space<semaphore_mem>> -> memref<!tpu.dma_semaphore, #tpu.memory_space<semaphore_mem>>
      tpu.enqueue_indirect_dma source(%dma_start3A_483 : memref<128x128xf32, #tpu.memory_space<vmem>>) target(%dma_start3A_489 : memref<10240x128xf32, #tpu.memory_space<vmem_shared>>) offsets(%dma_start3A_486 : memref<128xi32, #tpu.memory_space<vmem>>) semaphore(%dma_start3A_491 : memref<!tpu.dma_semaphore, #tpu.memory_space<semaphore_mem>>) {add = true}
      %dma_wait3A_492 = arith.constant 0 : i32
      %dma_wait3A_493 = arith.constant 0 : i32
      %dma_wait3A_494 = arith.constant 0 : i32
      %dma_wait3A_495 = arith.constant 0 : i32
      %dma_wait3A_496 = arith.constant 0 : i32
      %dma_wait3A_497 = arith.constant 0 : i32
      %dma_wait3A_498 = tpu.memref_slice %arg12[%dma_wait3A_492, %dma_wait3A_496, %dma_wait3A_497] : memref<2x128x128xf32, #tpu.memory_space<vmem>> -> memref<1x128x128xf32, #tpu.memory_space<vmem>>
      %dma_wait3A_499 = tpu.memref_squeeze %dma_wait3A_498 : memref<1x128x128xf32, #tpu.memory_space<vmem>> -> memref<128x128xf32, #tpu.memory_space<vmem>>
      %dma_wait3A_500 = arith.constant 0 : i32
      %dma_wait3A_501 = tpu.memref_slice %arg11[%dma_wait3A_493, %dma_wait3A_494, %dma_wait3A_500] : memref<2x16x128xi32, #tpu.memory_space<vmem>> -> memref<1x1x128xi32, #tpu.memory_space<vmem>>
      %dma_wait3A_502 = tpu.memref_squeeze %dma_wait3A_501 : memref<1x1x128xi32, #tpu.memory_space<vmem>> -> memref<128xi32, #tpu.memory_space<vmem>>
      %dma_wait3A_503 = arith.constant 0 : i32
      %dma_wait3A_504 = arith.constant 0 : i32
      %dma_wait3A_505 = tpu.memref_slice %arg14[%dma_wait3A_503, %dma_wait3A_504] : memref<10240x128xf32, #tpu.memory_space<vmem_shared>> -> memref<10240x128xf32, #tpu.memory_space<vmem_shared>>
      %dma_wait3A_506 = tpu.memref_slice %arg18[%dma_wait3A_495] : memref<2x!tpu.dma_semaphore, #tpu.memory_space<semaphore_mem>> -> memref<1x!tpu.dma_semaphore, #tpu.memory_space<semaphore_mem>>
      %dma_wait3A_507 = tpu.memref_squeeze %dma_wait3A_506 : memref<1x!tpu.dma_semaphore, #tpu.memory_space<semaphore_mem>> -> memref<!tpu.dma_semaphore, #tpu.memory_space<semaphore_mem>>
      tpu.wait_indirect_dma semaphore(%dma_wait3A_507 : memref<!tpu.dma_semaphore, #tpu.memory_space<semaphore_mem>>) src(%dma_wait3A_499 : memref<128x128xf32, #tpu.memory_space<vmem>>) dst(%dma_wait3A_505 : memref<10240x128xf32, #tpu.memory_space<vmem_shared>>)
      %run_scoped3A = arith.constant 0 : i32
      "tpu.region"() ({
        %run_scoped3A_508 = tpu.sem_alloc : memref<!tpu.dma_semaphore, #tpu.memory_space<semaphore_mem>>
        %dma_start3A_509 = arith.constant 0 : i32
        %dma_start3A_510 = tpu.memref_slice %arg11[%run_scoped3A, %scan3A_445, %dma_start3A_509] : memref<2x16x128xi32, #tpu.memory_space<vmem>> -> memref<1x1x128xi32, #tpu.memory_space<vmem>>
        %dma_start3A_511 = tpu.memref_squeeze %dma_start3A_510 : memref<1x1x128xi32, #tpu.memory_space<vmem>> -> memref<128xi32, #tpu.memory_space<vmem>>
        %dma_start3A_512 = arith.constant 0 : i32
        %dma_start3A_513 = tpu.memref_slice %arg15[%dma_start3A_512] : memref<10240xf32, #tpu.memory_space<vmem_shared>> -> memref<10240xf32, #tpu.memory_space<vmem_shared>>
        tpu.enqueue_indirect_dma source(%arg13 : memref<128xf32, #tpu.memory_space<vmem>>) target(%dma_start3A_513 : memref<10240xf32, #tpu.memory_space<vmem_shared>>) offsets(%dma_start3A_511 : memref<128xi32, #tpu.memory_space<vmem>>) semaphore(%run_scoped3A_508 : memref<!tpu.dma_semaphore, #tpu.memory_space<semaphore_mem>>) {add = true}
        %dma_wait3A_514 = arith.constant 0 : i32
        %dma_wait3A_515 = tpu.memref_slice %arg11[%run_scoped3A, %scan3A_445, %dma_wait3A_514] : memref<2x16x128xi32, #tpu.memory_space<vmem>> -> memref<1x1x128xi32, #tpu.memory_space<vmem>>
        %dma_wait3A_516 = tpu.memref_squeeze %dma_wait3A_515 : memref<1x1x128xi32, #tpu.memory_space<vmem>> -> memref<128xi32, #tpu.memory_space<vmem>>
        %dma_wait3A_517 = arith.constant 0 : i32
        %dma_wait3A_518 = tpu.memref_slice %arg15[%dma_wait3A_517] : memref<10240xf32, #tpu.memory_space<vmem_shared>> -> memref<10240xf32, #tpu.memory_space<vmem_shared>>
        tpu.wait_indirect_dma semaphore(%run_scoped3A_508 : memref<!tpu.dma_semaphore, #tpu.memory_space<semaphore_mem>>) src(%arg13 : memref<128xf32, #tpu.memory_space<vmem>>) dst(%dma_wait3A_518 : memref<10240xf32, #tpu.memory_space<vmem_shared>>)
        tpu.yield
      }) : () -> ()
    }
    %scan3A_131 = arith.constant 16 : i32
    %dma_wait3A_132 = arith.constant 1 : i32
    %dma_wait3A_133 = arith.constant 1 : i32
    %dma_wait3A_134 = arith.constant 0 : i32
    %dma_wait3A_135 = arith.constant 0 : i32
    %dma_wait3A_136 = tpu.memref_slice %arg10[%dma_wait3A_132, %dma_wait3A_134, %dma_wait3A_135] : memref<2x16x128xi32, #tpu.memory_space<vmem>> -> memref<1x16x128xi32, #tpu.memory_space<vmem>>
    %dma_wait3A_137 = tpu.memref_squeeze %dma_wait3A_136 : memref<1x16x128xi32, #tpu.memory_space<vmem>> -> memref<16x128xi32, #tpu.memory_space<vmem>>
    %dma_wait3A_138 = arith.constant 0 : i32
    %dma_wait3A_139 = arith.constant 0 : i32
    %dma_wait3A_140 = tpu.memref_slice %arg2[%add3A, %dma_wait3A_138, %dma_wait3A_139] : memref<32x80x128xi32, #tpu.memory_space<hbm>> -> memref<1x16x128xi32, #tpu.memory_space<hbm>>
    %dma_wait3A_141 = tpu.memref_squeeze %dma_wait3A_140 : memref<1x16x128xi32, #tpu.memory_space<hbm>> -> memref<16x128xi32, #tpu.memory_space<hbm>>
    %dma_wait3A_142 = tpu.memref_slice %arg16[%dma_wait3A_133] : memref<2x!tpu.dma_semaphore, #tpu.memory_space<semaphore_mem>> -> memref<1x!tpu.dma_semaphore, #tpu.memory_space<semaphore_mem>>
    %dma_wait3A_143 = tpu.memref_squeeze %dma_wait3A_142 : memref<1x!tpu.dma_semaphore, #tpu.memory_space<semaphore_mem>> -> memref<!tpu.dma_semaphore, #tpu.memory_space<semaphore_mem>>
    %dma_wait3A_144 = arith.constant 0 : i32
    %dma_wait3A_145 = arith.constant 0 : i32
    %dma_wait3A_146 = tpu.memref_slice %arg10[%dma_wait3A_132, %dma_wait3A_144, %dma_wait3A_145] : memref<2x16x128xi32, #tpu.memory_space<vmem>> -> memref<1x16x128xi32, #tpu.memory_space<vmem>>
    %dma_wait3A_147 = tpu.memref_squeeze %dma_wait3A_146 : memref<1x16x128xi32, #tpu.memory_space<vmem>> -> memref<16x128xi32, #tpu.memory_space<vmem>>
    %dma_wait3A_148 = arith.constant 0 : i32
    %dma_wait3A_149 = arith.constant 0 : i32
    %dma_wait3A_150 = tpu.memref_slice %arg2[%add3A, %dma_wait3A_148, %dma_wait3A_149] : memref<32x80x128xi32, #tpu.memory_space<hbm>> -> memref<1x16x128xi32, #tpu.memory_space<hbm>>
    %dma_wait3A_151 = tpu.memref_squeeze %dma_wait3A_150 : memref<1x16x128xi32, #tpu.memory_space<hbm>> -> memref<16x128xi32, #tpu.memory_space<hbm>>
    tpu.wait_dma2 semaphore(%dma_wait3A_143 : memref<!tpu.dma_semaphore, #tpu.memory_space<semaphore_mem>>) src(%dma_wait3A_151 : memref<16x128xi32, #tpu.memory_space<hbm>>) dst(%dma_wait3A_147 : memref<16x128xi32, #tpu.memory_space<vmem>>)
    %dma_wait3A_152 = arith.constant 1 : i32
    %dma_wait3A_153 = arith.constant 1 : i32
    %dma_wait3A_154 = arith.constant 0 : i32
    %dma_wait3A_155 = arith.constant 0 : i32
    %dma_wait3A_156 = tpu.memref_slice %arg11[%dma_wait3A_152, %dma_wait3A_154, %dma_wait3A_155] : memref<2x16x128xi32, #tpu.memory_space<vmem>> -> memref<1x16x128xi32, #tpu.memory_space<vmem>>
    %dma_wait3A_157 = tpu.memref_squeeze %dma_wait3A_156 : memref<1x16x128xi32, #tpu.memory_space<vmem>> -> memref<16x128xi32, #tpu.memory_space<vmem>>
    %dma_wait3A_158 = arith.constant 0 : i32
    %dma_wait3A_159 = arith.constant 0 : i32
    %dma_wait3A_160 = tpu.memref_slice %arg3[%add3A, %dma_wait3A_158, %dma_wait3A_159] : memref<32x80x128xi32, #tpu.memory_space<hbm>> -> memref<1x16x128xi32, #tpu.memory_space<hbm>>
    %dma_wait3A_161 = tpu.memref_squeeze %dma_wait3A_160 : memref<1x16x128xi32, #tpu.memory_space<hbm>> -> memref<16x128xi32, #tpu.memory_space<hbm>>
    %dma_wait3A_162 = tpu.memref_slice %arg16[%dma_wait3A_153] : memref<2x!tpu.dma_semaphore, #tpu.memory_space<semaphore_mem>> -> memref<1x!tpu.dma_semaphore, #tpu.memory_space<semaphore_mem>>
    %dma_wait3A_163 = tpu.memref_squeeze %dma_wait3A_162 : memref<1x!tpu.dma_semaphore, #tpu.memory_space<semaphore_mem>> -> memref<!tpu.dma_semaphore, #tpu.memory_space<semaphore_mem>>
    %dma_wait3A_164 = arith.constant 0 : i32
    %dma_wait3A_165 = arith.constant 0 : i32
    %dma_wait3A_166 = tpu.memref_slice %arg11[%dma_wait3A_152, %dma_wait3A_164, %dma_wait3A_165] : memref<2x16x128xi32, #tpu.memory_space<vmem>> -> memref<1x16x128xi32, #tpu.memory_space<vmem>>
    %dma_wait3A_167 = tpu.memref_squeeze %dma_wait3A_166 : memref<1x16x128xi32, #tpu.memory_space<vmem>> -> memref<16x128xi32, #tpu.memory_space<vmem>>
    %dma_wait3A_168 = arith.constant 0 : i32
    %dma_wait3A_169 = arith.constant 0 : i32
    %dma_wait3A_170 = tpu.memref_slice %arg3[%add3A, %dma_wait3A_168, %dma_wait3A_169] : memref<32x80x128xi32, #tpu.memory_space<hbm>> -> memref<1x16x128xi32, #tpu.memory_space<hbm>>
    %dma_wait3A_171 = tpu.memref_squeeze %dma_wait3A_170 : memref<1x16x128xi32, #tpu.memory_space<hbm>> -> memref<16x128xi32, #tpu.memory_space<hbm>>
    tpu.wait_dma2 semaphore(%dma_wait3A_163 : memref<!tpu.dma_semaphore, #tpu.memory_space<semaphore_mem>>) src(%dma_wait3A_171 : memref<16x128xi32, #tpu.memory_space<hbm>>) dst(%dma_wait3A_167 : memref<16x128xi32, #tpu.memory_space<vmem>>)
    %dma_start3A_172 = arith.constant 0 : i32
    %dma_start3A_173 = arith.constant 0 : i32
    %dma_start3A_174 = arith.constant 0 : i32
    %dma_start3A_175 = arith.constant 0 : i32
    %dma_start3A_176 = tpu.memref_slice %arg10[%dma_start3A_172, %dma_start3A_174, %dma_start3A_175] : memref<2x16x128xi32, #tpu.memory_space<vmem>> -> memref<1x16x128xi32, #tpu.memory_space<vmem>>
    %dma_start3A_177 = tpu.memref_squeeze %dma_start3A_176 : memref<1x16x128xi32, #tpu.memory_space<vmem>> -> memref<16x128xi32, #tpu.memory_space<vmem>>
    %dma_start3A_178 = arith.constant 32 : i32
    %dma_start3A_179 = arith.constant 0 : i32
    %dma_start3A_180 = tpu.memref_slice %arg2[%add3A, %dma_start3A_178, %dma_start3A_179] : memref<32x80x128xi32, #tpu.memory_space<hbm>> -> memref<1x16x128xi32, #tpu.memory_space<hbm>>
    %dma_start3A_181 = tpu.memref_squeeze %dma_start3A_180 : memref<1x16x128xi32, #tpu.memory_space<hbm>> -> memref<16x128xi32, #tpu.memory_space<hbm>>
    %dma_start3A_182 = tpu.memref_slice %arg16[%dma_start3A_173] : memref<2x!tpu.dma_semaphore, #tpu.memory_space<semaphore_mem>> -> memref<1x!tpu.dma_semaphore, #tpu.memory_space<semaphore_mem>>
    %dma_start3A_183 = tpu.memref_squeeze %dma_start3A_182 : memref<1x!tpu.dma_semaphore, #tpu.memory_space<semaphore_mem>> -> memref<!tpu.dma_semaphore, #tpu.memory_space<semaphore_mem>>
    %dma_start3A_184 = arith.constant 0 : i32
    %dma_start3A_185 = arith.constant 0 : i32
    %dma_start3A_186 = tpu.memref_slice %arg10[%dma_start3A_172, %dma_start3A_184, %dma_start3A_185] : memref<2x16x128xi32, #tpu.memory_space<vmem>> -> memref<1x16x128xi32, #tpu.memory_space<vmem>>
    %dma_start3A_187 = tpu.memref_squeeze %dma_start3A_186 : memref<1x16x128xi32, #tpu.memory_space<vmem>> -> memref<16x128xi32, #tpu.memory_space<vmem>>
    %dma_start3A_188 = arith.constant 32 : i32
    %dma_start3A_189 = arith.constant 0 : i32
    %dma_start3A_190 = tpu.memref_slice %arg2[%add3A, %dma_start3A_188, %dma_start3A_189] : memref<32x80x128xi32, #tpu.memory_space<hbm>> -> memref<1x16x128xi32, #tpu.memory_space<hbm>>
    %dma_start3A_191 = tpu.memref_squeeze %dma_start3A_190 : memref<1x16x128xi32, #tpu.memory_space<hbm>> -> memref<16x128xi32, #tpu.memory_space<hbm>>
    tpu.enqueue_dma source(%dma_start3A_191 : memref<16x128xi32, #tpu.memory_space<hbm>>) target(%dma_start3A_187 : memref<16x128xi32, #tpu.memory_space<vmem>>) target_semaphore(%dma_start3A_183 : memref<!tpu.dma_semaphore, #tpu.memory_space<semaphore_mem>>)
    %dma_start3A_192 = arith.constant 0 : i32
    %dma_start3A_193 = arith.constant 0 : i32
    %dma_start3A_194 = arith.constant 0 : i32
    %dma_start3A_195 = arith.constant 0 : i32
    %dma_start3A_196 = tpu.memref_slice %arg11[%dma_start3A_192, %dma_start3A_194, %dma_start3A_195] : memref<2x16x128xi32, #tpu.memory_space<vmem>> -> memref<1x16x128xi32, #tpu.memory_space<vmem>>
    %dma_start3A_197 = tpu.memref_squeeze %dma_start3A_196 : memref<1x16x128xi32, #tpu.memory_space<vmem>> -> memref<16x128xi32, #tpu.memory_space<vmem>>
    %dma_start3A_198 = arith.constant 32 : i32
    %dma_start3A_199 = arith.constant 0 : i32
    %dma_start3A_200 = tpu.memref_slice %arg3[%add3A, %dma_start3A_198, %dma_start3A_199] : memref<32x80x128xi32, #tpu.memory_space<hbm>> -> memref<1x16x128xi32, #tpu.memory_space<hbm>>
    %dma_start3A_201 = tpu.memref_squeeze %dma_start3A_200 : memref<1x16x128xi32, #tpu.memory_space<hbm>> -> memref<16x128xi32, #tpu.memory_space<hbm>>
    %dma_start3A_202 = tpu.memref_slice %arg16[%dma_start3A_193] : memref<2x!tpu.dma_semaphore, #tpu.memory_space<semaphore_mem>> -> memref<1x!tpu.dma_semaphore, #tpu.memory_space<semaphore_mem>>
    %dma_start3A_203 = tpu.memref_squeeze %dma_start3A_202 : memref<1x!tpu.dma_semaphore, #tpu.memory_space<semaphore_mem>> -> memref<!tpu.dma_semaphore, #tpu.memory_space<semaphore_mem>>
    %dma_start3A_204 = arith.constant 0 : i32
    %dma_start3A_205 = arith.constant 0 : i32
    %dma_start3A_206 = tpu.memref_slice %arg11[%dma_start3A_192, %dma_start3A_204, %dma_start3A_205] : memref<2x16x128xi32, #tpu.memory_space<vmem>> -> memref<1x16x128xi32, #tpu.memory_space<vmem>>
    %dma_start3A_207 = tpu.memref_squeeze %dma_start3A_206 : memref<1x16x128xi32, #tpu.memory_space<vmem>> -> memref<16x128xi32, #tpu.memory_space<vmem>>
    %dma_start3A_208 = arith.constant 32 : i32
    %dma_start3A_209 = arith.constant 0 : i32
    %dma_start3A_210 = tpu.memref_slice %arg3[%add3A, %dma_start3A_208, %dma_start3A_209] : memref<32x80x128xi32, #tpu.memory_space<hbm>> -> memref<1x16x128xi32, #tpu.memory_space<hbm>>
    %dma_start3A_211 = tpu.memref_squeeze %dma_start3A_210 : memref<1x16x128xi32, #tpu.memory_space<hbm>> -> memref<16x128xi32, #tpu.memory_space<hbm>>
    tpu.enqueue_dma source(%dma_start3A_211 : memref<16x128xi32, #tpu.memory_space<hbm>>) target(%dma_start3A_207 : memref<16x128xi32, #tpu.memory_space<vmem>>) target_semaphore(%dma_start3A_203 : memref<!tpu.dma_semaphore, #tpu.memory_space<semaphore_mem>>)
    %scan3A_212 = arith.constant 0 : i32
    %scan3A_213 = arith.constant 0 : i32
    %scan3A_214 = arith.constant 16 : i32
    %scan3A_215 = arith.addi %scan3A_213, %scan3A_214 : i32
    %scan3A_216 = arith.constant 1 : i32
    scf.for %scan3A_445 = %scan3A_213 to %scan3A_215 step %scan3A_216  : i32 {
      %dma_start3A_446 = arith.constant 1 : i32
      %dma_start3A_447 = arith.constant 0 : i32
      %dma_start3A_448 = arith.constant 0 : i32
      %dma_start3A_449 = arith.constant 0 : i32
      %dma_start3A_450 = arith.constant 0 : i32
      %dma_start3A_451 = tpu.memref_slice %arg12[%dma_start3A_447, %dma_start3A_449, %dma_start3A_450] : memref<2x128x128xf32, #tpu.memory_space<vmem>> -> memref<1x128x128xf32, #tpu.memory_space<vmem>>
      %dma_start3A_452 = tpu.memref_squeeze %dma_start3A_451 : memref<1x128x128xf32, #tpu.memory_space<vmem>> -> memref<128x128xf32, #tpu.memory_space<vmem>>
      %dma_start3A_453 = arith.constant 0 : i32
      %dma_start3A_454 = tpu.memref_slice %arg10[%dma_start3A_446, %scan3A_445, %dma_start3A_453] : memref<2x16x128xi32, #tpu.memory_space<vmem>> -> memref<1x1x128xi32, #tpu.memory_space<vmem>>
      %dma_start3A_455 = tpu.memref_squeeze %dma_start3A_454 : memref<1x1x128xi32, #tpu.memory_space<vmem>> -> memref<128xi32, #tpu.memory_space<vmem>>
      %dma_start3A_456 = arith.constant 0 : i32
      %dma_start3A_457 = arith.constant 0 : i32
      %dma_start3A_458 = tpu.memref_slice %arg4[%dma_start3A_456, %dma_start3A_457] : memref<10000x128xf32, #tpu.memory_space<hbm>> -> memref<10000x128xf32, #tpu.memory_space<hbm>>
      %dma_start3A_459 = tpu.memref_slice %arg17[%dma_start3A_448] : memref<2x!tpu.dma_semaphore, #tpu.memory_space<semaphore_mem>> -> memref<1x!tpu.dma_semaphore, #tpu.memory_space<semaphore_mem>>
      %dma_start3A_460 = tpu.memref_squeeze %dma_start3A_459 : memref<1x!tpu.dma_semaphore, #tpu.memory_space<semaphore_mem>> -> memref<!tpu.dma_semaphore, #tpu.memory_space<semaphore_mem>>
      tpu.enqueue_indirect_dma source(%dma_start3A_458 : memref<10000x128xf32, #tpu.memory_space<hbm>>) target(%dma_start3A_452 : memref<128x128xf32, #tpu.memory_space<vmem>>) offsets(%dma_start3A_455 : memref<128xi32, #tpu.memory_space<vmem>>) semaphore(%dma_start3A_460 : memref<!tpu.dma_semaphore, #tpu.memory_space<semaphore_mem>>)
      %dma_wait3A_461 = arith.constant 0 : i32
      %dma_wait3A_462 = arith.constant 0 : i32
      %dma_wait3A_463 = arith.constant 0 : i32
      %dma_wait3A_464 = arith.constant 0 : i32
      %dma_wait3A_465 = arith.constant 0 : i32
      %dma_wait3A_466 = arith.constant 0 : i32
      %dma_wait3A_467 = tpu.memref_slice %arg12[%dma_wait3A_463, %dma_wait3A_465, %dma_wait3A_466] : memref<2x128x128xf32, #tpu.memory_space<vmem>> -> memref<1x128x128xf32, #tpu.memory_space<vmem>>
      %dma_wait3A_468 = tpu.memref_squeeze %dma_wait3A_467 : memref<1x128x128xf32, #tpu.memory_space<vmem>> -> memref<128x128xf32, #tpu.memory_space<vmem>>
      %dma_wait3A_469 = arith.constant 0 : i32
      %dma_wait3A_470 = tpu.memref_slice %arg10[%dma_wait3A_461, %dma_wait3A_462, %dma_wait3A_469] : memref<2x16x128xi32, #tpu.memory_space<vmem>> -> memref<1x1x128xi32, #tpu.memory_space<vmem>>
      %dma_wait3A_471 = tpu.memref_squeeze %dma_wait3A_470 : memref<1x1x128xi32, #tpu.memory_space<vmem>> -> memref<128xi32, #tpu.memory_space<vmem>>
      %dma_wait3A_472 = arith.constant 0 : i32
      %dma_wait3A_473 = arith.constant 0 : i32
      %dma_wait3A_474 = tpu.memref_slice %arg4[%dma_wait3A_472, %dma_wait3A_473] : memref<10000x128xf32, #tpu.memory_space<hbm>> -> memref<10000x128xf32, #tpu.memory_space<hbm>>
      %dma_wait3A_475 = tpu.memref_slice %arg17[%dma_wait3A_464] : memref<2x!tpu.dma_semaphore, #tpu.memory_space<semaphore_mem>> -> memref<1x!tpu.dma_semaphore, #tpu.memory_space<semaphore_mem>>
      %dma_wait3A_476 = tpu.memref_squeeze %dma_wait3A_475 : memref<1x!tpu.dma_semaphore, #tpu.memory_space<semaphore_mem>> -> memref<!tpu.dma_semaphore, #tpu.memory_space<semaphore_mem>>
      tpu.wait_indirect_dma semaphore(%dma_wait3A_476 : memref<!tpu.dma_semaphore, #tpu.memory_space<semaphore_mem>>) src(%dma_wait3A_474 : memref<10000x128xf32, #tpu.memory_space<hbm>>) dst(%dma_wait3A_468 : memref<128x128xf32, #tpu.memory_space<vmem>>)
      %dma_start3A_477 = arith.constant 0 : i32
      %dma_start3A_478 = arith.constant 1 : i32
      %dma_start3A_479 = arith.constant 0 : i32
      %dma_start3A_480 = arith.constant 0 : i32
      %dma_start3A_481 = arith.constant 0 : i32
      %dma_start3A_482 = tpu.memref_slice %arg12[%dma_start3A_477, %dma_start3A_480, %dma_start3A_481] : memref<2x128x128xf32, #tpu.memory_space<vmem>> -> memref<1x128x128xf32, #tpu.memory_space<vmem>>
      %dma_start3A_483 = tpu.memref_squeeze %dma_start3A_482 : memref<1x128x128xf32, #tpu.memory_space<vmem>> -> memref<128x128xf32, #tpu.memory_space<vmem>>
      %dma_start3A_484 = arith.constant 0 : i32
      %dma_start3A_485 = tpu.memref_slice %arg11[%dma_start3A_478, %scan3A_445, %dma_start3A_484] : memref<2x16x128xi32, #tpu.memory_space<vmem>> -> memref<1x1x128xi32, #tpu.memory_space<vmem>>
      %dma_start3A_486 = tpu.memref_squeeze %dma_start3A_485 : memref<1x1x128xi32, #tpu.memory_space<vmem>> -> memref<128xi32, #tpu.memory_space<vmem>>
      %dma_start3A_487 = arith.constant 0 : i32
      %dma_start3A_488 = arith.constant 0 : i32
      %dma_start3A_489 = tpu.memref_slice %arg14[%dma_start3A_487, %dma_start3A_488] : memref<10240x128xf32, #tpu.memory_space<vmem_shared>> -> memref<10240x128xf32, #tpu.memory_space<vmem_shared>>
      %dma_start3A_490 = tpu.memref_slice %arg18[%dma_start3A_479] : memref<2x!tpu.dma_semaphore, #tpu.memory_space<semaphore_mem>> -> memref<1x!tpu.dma_semaphore, #tpu.memory_space<semaphore_mem>>
      %dma_start3A_491 = tpu.memref_squeeze %dma_start3A_490 : memref<1x!tpu.dma_semaphore, #tpu.memory_space<semaphore_mem>> -> memref<!tpu.dma_semaphore, #tpu.memory_space<semaphore_mem>>
      tpu.enqueue_indirect_dma source(%dma_start3A_483 : memref<128x128xf32, #tpu.memory_space<vmem>>) target(%dma_start3A_489 : memref<10240x128xf32, #tpu.memory_space<vmem_shared>>) offsets(%dma_start3A_486 : memref<128xi32, #tpu.memory_space<vmem>>) semaphore(%dma_start3A_491 : memref<!tpu.dma_semaphore, #tpu.memory_space<semaphore_mem>>) {add = true}
      %dma_wait3A_492 = arith.constant 0 : i32
      %dma_wait3A_493 = arith.constant 0 : i32
      %dma_wait3A_494 = arith.constant 0 : i32
      %dma_wait3A_495 = arith.constant 0 : i32
      %dma_wait3A_496 = arith.constant 0 : i32
      %dma_wait3A_497 = arith.constant 0 : i32
      %dma_wait3A_498 = tpu.memref_slice %arg12[%dma_wait3A_492, %dma_wait3A_496, %dma_wait3A_497] : memref<2x128x128xf32, #tpu.memory_space<vmem>> -> memref<1x128x128xf32, #tpu.memory_space<vmem>>
      %dma_wait3A_499 = tpu.memref_squeeze %dma_wait3A_498 : memref<1x128x128xf32, #tpu.memory_space<vmem>> -> memref<128x128xf32, #tpu.memory_space<vmem>>
      %dma_wait3A_500 = arith.constant 0 : i32
      %dma_wait3A_501 = tpu.memref_slice %arg11[%dma_wait3A_493, %dma_wait3A_494, %dma_wait3A_500] : memref<2x16x128xi32, #tpu.memory_space<vmem>> -> memref<1x1x128xi32, #tpu.memory_space<vmem>>
      %dma_wait3A_502 = tpu.memref_squeeze %dma_wait3A_501 : memref<1x1x128xi32, #tpu.memory_space<vmem>> -> memref<128xi32, #tpu.memory_space<vmem>>
      %dma_wait3A_503 = arith.constant 0 : i32
      %dma_wait3A_504 = arith.constant 0 : i32
      %dma_wait3A_505 = tpu.memref_slice %arg14[%dma_wait3A_503, %dma_wait3A_504] : memref<10240x128xf32, #tpu.memory_space<vmem_shared>> -> memref<10240x128xf32, #tpu.memory_space<vmem_shared>>
      %dma_wait3A_506 = tpu.memref_slice %arg18[%dma_wait3A_495] : memref<2x!tpu.dma_semaphore, #tpu.memory_space<semaphore_mem>> -> memref<1x!tpu.dma_semaphore, #tpu.memory_space<semaphore_mem>>
      %dma_wait3A_507 = tpu.memref_squeeze %dma_wait3A_506 : memref<1x!tpu.dma_semaphore, #tpu.memory_space<semaphore_mem>> -> memref<!tpu.dma_semaphore, #tpu.memory_space<semaphore_mem>>
      tpu.wait_indirect_dma semaphore(%dma_wait3A_507 : memref<!tpu.dma_semaphore, #tpu.memory_space<semaphore_mem>>) src(%dma_wait3A_499 : memref<128x128xf32, #tpu.memory_space<vmem>>) dst(%dma_wait3A_505 : memref<10240x128xf32, #tpu.memory_space<vmem_shared>>)
      %run_scoped3A = arith.constant 1 : i32
      "tpu.region"() ({
        %run_scoped3A_508 = tpu.sem_alloc : memref<!tpu.dma_semaphore, #tpu.memory_space<semaphore_mem>>
        %dma_start3A_509 = arith.constant 0 : i32
        %dma_start3A_510 = tpu.memref_slice %arg11[%run_scoped3A, %scan3A_445, %dma_start3A_509] : memref<2x16x128xi32, #tpu.memory_space<vmem>> -> memref<1x1x128xi32, #tpu.memory_space<vmem>>
        %dma_start3A_511 = tpu.memref_squeeze %dma_start3A_510 : memref<1x1x128xi32, #tpu.memory_space<vmem>> -> memref<128xi32, #tpu.memory_space<vmem>>
        %dma_start3A_512 = arith.constant 0 : i32
        %dma_start3A_513 = tpu.memref_slice %arg15[%dma_start3A_512] : memref<10240xf32, #tpu.memory_space<vmem_shared>> -> memref<10240xf32, #tpu.memory_space<vmem_shared>>
        tpu.enqueue_indirect_dma source(%arg13 : memref<128xf32, #tpu.memory_space<vmem>>) target(%dma_start3A_513 : memref<10240xf32, #tpu.memory_space<vmem_shared>>) offsets(%dma_start3A_511 : memref<128xi32, #tpu.memory_space<vmem>>) semaphore(%run_scoped3A_508 : memref<!tpu.dma_semaphore, #tpu.memory_space<semaphore_mem>>) {add = true}
        %dma_wait3A_514 = arith.constant 0 : i32
        %dma_wait3A_515 = tpu.memref_slice %arg11[%run_scoped3A, %scan3A_445, %dma_wait3A_514] : memref<2x16x128xi32, #tpu.memory_space<vmem>> -> memref<1x1x128xi32, #tpu.memory_space<vmem>>
        %dma_wait3A_516 = tpu.memref_squeeze %dma_wait3A_515 : memref<1x1x128xi32, #tpu.memory_space<vmem>> -> memref<128xi32, #tpu.memory_space<vmem>>
        %dma_wait3A_517 = arith.constant 0 : i32
        %dma_wait3A_518 = tpu.memref_slice %arg15[%dma_wait3A_517] : memref<10240xf32, #tpu.memory_space<vmem_shared>> -> memref<10240xf32, #tpu.memory_space<vmem_shared>>
        tpu.wait_indirect_dma semaphore(%run_scoped3A_508 : memref<!tpu.dma_semaphore, #tpu.memory_space<semaphore_mem>>) src(%arg13 : memref<128xf32, #tpu.memory_space<vmem>>) dst(%dma_wait3A_518 : memref<10240xf32, #tpu.memory_space<vmem_shared>>)
        tpu.yield
      }) : () -> ()
    }
    %scan3A_217 = arith.constant 16 : i32
    %dma_wait3A_218 = arith.constant 0 : i32
    %dma_wait3A_219 = arith.constant 0 : i32
    %dma_wait3A_220 = arith.constant 0 : i32
    %dma_wait3A_221 = arith.constant 0 : i32
    %dma_wait3A_222 = tpu.memref_slice %arg10[%dma_wait3A_218, %dma_wait3A_220, %dma_wait3A_221] : memref<2x16x128xi32, #tpu.memory_space<vmem>> -> memref<1x16x128xi32, #tpu.memory_space<vmem>>
    %dma_wait3A_223 = tpu.memref_squeeze %dma_wait3A_222 : memref<1x16x128xi32, #tpu.memory_space<vmem>> -> memref<16x128xi32, #tpu.memory_space<vmem>>
    %dma_wait3A_224 = arith.constant 0 : i32
    %dma_wait3A_225 = arith.constant 0 : i32
    %dma_wait3A_226 = tpu.memref_slice %arg2[%add3A, %dma_wait3A_224, %dma_wait3A_225] : memref<32x80x128xi32, #tpu.memory_space<hbm>> -> memref<1x16x128xi32, #tpu.memory_space<hbm>>
    %dma_wait3A_227 = tpu.memref_squeeze %dma_wait3A_226 : memref<1x16x128xi32, #tpu.memory_space<hbm>> -> memref<16x128xi32, #tpu.memory_space<hbm>>
    %dma_wait3A_228 = tpu.memref_slice %arg16[%dma_wait3A_219] : memref<2x!tpu.dma_semaphore, #tpu.memory_space<semaphore_mem>> -> memref<1x!tpu.dma_semaphore, #tpu.memory_space<semaphore_mem>>
    %dma_wait3A_229 = tpu.memref_squeeze %dma_wait3A_228 : memref<1x!tpu.dma_semaphore, #tpu.memory_space<semaphore_mem>> -> memref<!tpu.dma_semaphore, #tpu.memory_space<semaphore_mem>>
    %dma_wait3A_230 = arith.constant 0 : i32
    %dma_wait3A_231 = arith.constant 0 : i32
    %dma_wait3A_232 = tpu.memref_slice %arg10[%dma_wait3A_218, %dma_wait3A_230, %dma_wait3A_231] : memref<2x16x128xi32, #tpu.memory_space<vmem>> -> memref<1x16x128xi32, #tpu.memory_space<vmem>>
    %dma_wait3A_233 = tpu.memref_squeeze %dma_wait3A_232 : memref<1x16x128xi32, #tpu.memory_space<vmem>> -> memref<16x128xi32, #tpu.memory_space<vmem>>
    %dma_wait3A_234 = arith.constant 0 : i32
    %dma_wait3A_235 = arith.constant 0 : i32
    %dma_wait3A_236 = tpu.memref_slice %arg2[%add3A, %dma_wait3A_234, %dma_wait3A_235] : memref<32x80x128xi32, #tpu.memory_space<hbm>> -> memref<1x16x128xi32, #tpu.memory_space<hbm>>
    %dma_wait3A_237 = tpu.memref_squeeze %dma_wait3A_236 : memref<1x16x128xi32, #tpu.memory_space<hbm>> -> memref<16x128xi32, #tpu.memory_space<hbm>>
    tpu.wait_dma2 semaphore(%dma_wait3A_229 : memref<!tpu.dma_semaphore, #tpu.memory_space<semaphore_mem>>) src(%dma_wait3A_237 : memref<16x128xi32, #tpu.memory_space<hbm>>) dst(%dma_wait3A_233 : memref<16x128xi32, #tpu.memory_space<vmem>>)
    %dma_wait3A_238 = arith.constant 0 : i32
    %dma_wait3A_239 = arith.constant 0 : i32
    %dma_wait3A_240 = arith.constant 0 : i32
    %dma_wait3A_241 = arith.constant 0 : i32
    %dma_wait3A_242 = tpu.memref_slice %arg11[%dma_wait3A_238, %dma_wait3A_240, %dma_wait3A_241] : memref<2x16x128xi32, #tpu.memory_space<vmem>> -> memref<1x16x128xi32, #tpu.memory_space<vmem>>
    %dma_wait3A_243 = tpu.memref_squeeze %dma_wait3A_242 : memref<1x16x128xi32, #tpu.memory_space<vmem>> -> memref<16x128xi32, #tpu.memory_space<vmem>>
    %dma_wait3A_244 = arith.constant 0 : i32
    %dma_wait3A_245 = arith.constant 0 : i32
    %dma_wait3A_246 = tpu.memref_slice %arg3[%add3A, %dma_wait3A_244, %dma_wait3A_245] : memref<32x80x128xi32, #tpu.memory_space<hbm>> -> memref<1x16x128xi32, #tpu.memory_space<hbm>>
    %dma_wait3A_247 = tpu.memref_squeeze %dma_wait3A_246 : memref<1x16x128xi32, #tpu.memory_space<hbm>> -> memref<16x128xi32, #tpu.memory_space<hbm>>
    %dma_wait3A_248 = tpu.memref_slice %arg16[%dma_wait3A_239] : memref<2x!tpu.dma_semaphore, #tpu.memory_space<semaphore_mem>> -> memref<1x!tpu.dma_semaphore, #tpu.memory_space<semaphore_mem>>
    %dma_wait3A_249 = tpu.memref_squeeze %dma_wait3A_248 : memref<1x!tpu.dma_semaphore, #tpu.memory_space<semaphore_mem>> -> memref<!tpu.dma_semaphore, #tpu.memory_space<semaphore_mem>>
    %dma_wait3A_250 = arith.constant 0 : i32
    %dma_wait3A_251 = arith.constant 0 : i32
    %dma_wait3A_252 = tpu.memref_slice %arg11[%dma_wait3A_238, %dma_wait3A_250, %dma_wait3A_251] : memref<2x16x128xi32, #tpu.memory_space<vmem>> -> memref<1x16x128xi32, #tpu.memory_space<vmem>>
    %dma_wait3A_253 = tpu.memref_squeeze %dma_wait3A_252 : memref<1x16x128xi32, #tpu.memory_space<vmem>> -> memref<16x128xi32, #tpu.memory_space<vmem>>
    %dma_wait3A_254 = arith.constant 0 : i32
    %dma_wait3A_255 = arith.constant 0 : i32
    %dma_wait3A_256 = tpu.memref_slice %arg3[%add3A, %dma_wait3A_254, %dma_wait3A_255] : memref<32x80x128xi32, #tpu.memory_space<hbm>> -> memref<1x16x128xi32, #tpu.memory_space<hbm>>
    %dma_wait3A_257 = tpu.memref_squeeze %dma_wait3A_256 : memref<1x16x128xi32, #tpu.memory_space<hbm>> -> memref<16x128xi32, #tpu.memory_space<hbm>>
    tpu.wait_dma2 semaphore(%dma_wait3A_249 : memref<!tpu.dma_semaphore, #tpu.memory_space<semaphore_mem>>) src(%dma_wait3A_257 : memref<16x128xi32, #tpu.memory_space<hbm>>) dst(%dma_wait3A_253 : memref<16x128xi32, #tpu.memory_space<vmem>>)
    %dma_start3A_258 = arith.constant 1 : i32
    %dma_start3A_259 = arith.constant 1 : i32
    %dma_start3A_260 = arith.constant 0 : i32
    %dma_start3A_261 = arith.constant 0 : i32
    %dma_start3A_262 = tpu.memref_slice %arg10[%dma_start3A_258, %dma_start3A_260, %dma_start3A_261] : memref<2x16x128xi32, #tpu.memory_space<vmem>> -> memref<1x16x128xi32, #tpu.memory_space<vmem>>
    %dma_start3A_263 = tpu.memref_squeeze %dma_start3A_262 : memref<1x16x128xi32, #tpu.memory_space<vmem>> -> memref<16x128xi32, #tpu.memory_space<vmem>>
    %dma_start3A_264 = arith.constant 48 : i32
    %dma_start3A_265 = arith.constant 0 : i32
    %dma_start3A_266 = tpu.memref_slice %arg2[%add3A, %dma_start3A_264, %dma_start3A_265] : memref<32x80x128xi32, #tpu.memory_space<hbm>> -> memref<1x16x128xi32, #tpu.memory_space<hbm>>
    %dma_start3A_267 = tpu.memref_squeeze %dma_start3A_266 : memref<1x16x128xi32, #tpu.memory_space<hbm>> -> memref<16x128xi32, #tpu.memory_space<hbm>>
    %dma_start3A_268 = tpu.memref_slice %arg16[%dma_start3A_259] : memref<2x!tpu.dma_semaphore, #tpu.memory_space<semaphore_mem>> -> memref<1x!tpu.dma_semaphore, #tpu.memory_space<semaphore_mem>>
    %dma_start3A_269 = tpu.memref_squeeze %dma_start3A_268 : memref<1x!tpu.dma_semaphore, #tpu.memory_space<semaphore_mem>> -> memref<!tpu.dma_semaphore, #tpu.memory_space<semaphore_mem>>
    %dma_start3A_270 = arith.constant 0 : i32
    %dma_start3A_271 = arith.constant 0 : i32
    %dma_start3A_272 = tpu.memref_slice %arg10[%dma_start3A_258, %dma_start3A_270, %dma_start3A_271] : memref<2x16x128xi32, #tpu.memory_space<vmem>> -> memref<1x16x128xi32, #tpu.memory_space<vmem>>
    %dma_start3A_273 = tpu.memref_squeeze %dma_start3A_272 : memref<1x16x128xi32, #tpu.memory_space<vmem>> -> memref<16x128xi32, #tpu.memory_space<vmem>>
    %dma_start3A_274 = arith.constant 48 : i32
    %dma_start3A_275 = arith.constant 0 : i32
    %dma_start3A_276 = tpu.memref_slice %arg2[%add3A, %dma_start3A_274, %dma_start3A_275] : memref<32x80x128xi32, #tpu.memory_space<hbm>> -> memref<1x16x128xi32, #tpu.memory_space<hbm>>
    %dma_start3A_277 = tpu.memref_squeeze %dma_start3A_276 : memref<1x16x128xi32, #tpu.memory_space<hbm>> -> memref<16x128xi32, #tpu.memory_space<hbm>>
    tpu.enqueue_dma source(%dma_start3A_277 : memref<16x128xi32, #tpu.memory_space<hbm>>) target(%dma_start3A_273 : memref<16x128xi32, #tpu.memory_space<vmem>>) target_semaphore(%dma_start3A_269 : memref<!tpu.dma_semaphore, #tpu.memory_space<semaphore_mem>>)
    %dma_start3A_278 = arith.constant 1 : i32
    %dma_start3A_279 = arith.constant 1 : i32
    %dma_start3A_280 = arith.constant 0 : i32
    %dma_start3A_281 = arith.constant 0 : i32
    %dma_start3A_282 = tpu.memref_slice %arg11[%dma_start3A_278, %dma_start3A_280, %dma_start3A_281] : memref<2x16x128xi32, #tpu.memory_space<vmem>> -> memref<1x16x128xi32, #tpu.memory_space<vmem>>
    %dma_start3A_283 = tpu.memref_squeeze %dma_start3A_282 : memref<1x16x128xi32, #tpu.memory_space<vmem>> -> memref<16x128xi32, #tpu.memory_space<vmem>>
    %dma_start3A_284 = arith.constant 48 : i32
    %dma_start3A_285 = arith.constant 0 : i32
    %dma_start3A_286 = tpu.memref_slice %arg3[%add3A, %dma_start3A_284, %dma_start3A_285] : memref<32x80x128xi32, #tpu.memory_space<hbm>> -> memref<1x16x128xi32, #tpu.memory_space<hbm>>
    %dma_start3A_287 = tpu.memref_squeeze %dma_start3A_286 : memref<1x16x128xi32, #tpu.memory_space<hbm>> -> memref<16x128xi32, #tpu.memory_space<hbm>>
    %dma_start3A_288 = tpu.memref_slice %arg16[%dma_start3A_279] : memref<2x!tpu.dma_semaphore, #tpu.memory_space<semaphore_mem>> -> memref<1x!tpu.dma_semaphore, #tpu.memory_space<semaphore_mem>>
    %dma_start3A_289 = tpu.memref_squeeze %dma_start3A_288 : memref<1x!tpu.dma_semaphore, #tpu.memory_space<semaphore_mem>> -> memref<!tpu.dma_semaphore, #tpu.memory_space<semaphore_mem>>
    %dma_start3A_290 = arith.constant 0 : i32
    %dma_start3A_291 = arith.constant 0 : i32
    %dma_start3A_292 = tpu.memref_slice %arg11[%dma_start3A_278, %dma_start3A_290, %dma_start3A_291] : memref<2x16x128xi32, #tpu.memory_space<vmem>> -> memref<1x16x128xi32, #tpu.memory_space<vmem>>
    %dma_start3A_293 = tpu.memref_squeeze %dma_start3A_292 : memref<1x16x128xi32, #tpu.memory_space<vmem>> -> memref<16x128xi32, #tpu.memory_space<vmem>>
    %dma_start3A_294 = arith.constant 48 : i32
    %dma_start3A_295 = arith.constant 0 : i32
    %dma_start3A_296 = tpu.memref_slice %arg3[%add3A, %dma_start3A_294, %dma_start3A_295] : memref<32x80x128xi32, #tpu.memory_space<hbm>> -> memref<1x16x128xi32, #tpu.memory_space<hbm>>
    %dma_start3A_297 = tpu.memref_squeeze %dma_start3A_296 : memref<1x16x128xi32, #tpu.memory_space<hbm>> -> memref<16x128xi32, #tpu.memory_space<hbm>>
    tpu.enqueue_dma source(%dma_start3A_297 : memref<16x128xi32, #tpu.memory_space<hbm>>) target(%dma_start3A_293 : memref<16x128xi32, #tpu.memory_space<vmem>>) target_semaphore(%dma_start3A_289 : memref<!tpu.dma_semaphore, #tpu.memory_space<semaphore_mem>>)
    %scan3A_298 = arith.constant 0 : i32
    %scan3A_299 = arith.constant 0 : i32
    %scan3A_300 = arith.constant 16 : i32
    %scan3A_301 = arith.addi %scan3A_299, %scan3A_300 : i32
    %scan3A_302 = arith.constant 1 : i32
    scf.for %scan3A_445 = %scan3A_299 to %scan3A_301 step %scan3A_302  : i32 {
      %dma_start3A_446 = arith.constant 0 : i32
      %dma_start3A_447 = arith.constant 0 : i32
      %dma_start3A_448 = arith.constant 0 : i32
      %dma_start3A_449 = arith.constant 0 : i32
      %dma_start3A_450 = arith.constant 0 : i32
      %dma_start3A_451 = tpu.memref_slice %arg12[%dma_start3A_447, %dma_start3A_449, %dma_start3A_450] : memref<2x128x128xf32, #tpu.memory_space<vmem>> -> memref<1x128x128xf32, #tpu.memory_space<vmem>>
      %dma_start3A_452 = tpu.memref_squeeze %dma_start3A_451 : memref<1x128x128xf32, #tpu.memory_space<vmem>> -> memref<128x128xf32, #tpu.memory_space<vmem>>
      %dma_start3A_453 = arith.constant 0 : i32
      %dma_start3A_454 = tpu.memref_slice %arg10[%dma_start3A_446, %scan3A_445, %dma_start3A_453] : memref<2x16x128xi32, #tpu.memory_space<vmem>> -> memref<1x1x128xi32, #tpu.memory_space<vmem>>
      %dma_start3A_455 = tpu.memref_squeeze %dma_start3A_454 : memref<1x1x128xi32, #tpu.memory_space<vmem>> -> memref<128xi32, #tpu.memory_space<vmem>>
      %dma_start3A_456 = arith.constant 0 : i32
      %dma_start3A_457 = arith.constant 0 : i32
      %dma_start3A_458 = tpu.memref_slice %arg4[%dma_start3A_456, %dma_start3A_457] : memref<10000x128xf32, #tpu.memory_space<hbm>> -> memref<10000x128xf32, #tpu.memory_space<hbm>>
      %dma_start3A_459 = tpu.memref_slice %arg17[%dma_start3A_448] : memref<2x!tpu.dma_semaphore, #tpu.memory_space<semaphore_mem>> -> memref<1x!tpu.dma_semaphore, #tpu.memory_space<semaphore_mem>>
      %dma_start3A_460 = tpu.memref_squeeze %dma_start3A_459 : memref<1x!tpu.dma_semaphore, #tpu.memory_space<semaphore_mem>> -> memref<!tpu.dma_semaphore, #tpu.memory_space<semaphore_mem>>
      tpu.enqueue_indirect_dma source(%dma_start3A_458 : memref<10000x128xf32, #tpu.memory_space<hbm>>) target(%dma_start3A_452 : memref<128x128xf32, #tpu.memory_space<vmem>>) offsets(%dma_start3A_455 : memref<128xi32, #tpu.memory_space<vmem>>) semaphore(%dma_start3A_460 : memref<!tpu.dma_semaphore, #tpu.memory_space<semaphore_mem>>)
      %dma_wait3A_461 = arith.constant 0 : i32
      %dma_wait3A_462 = arith.constant 0 : i32
      %dma_wait3A_463 = arith.constant 0 : i32
      %dma_wait3A_464 = arith.constant 0 : i32
      %dma_wait3A_465 = arith.constant 0 : i32
      %dma_wait3A_466 = arith.constant 0 : i32
      %dma_wait3A_467 = tpu.memref_slice %arg12[%dma_wait3A_463, %dma_wait3A_465, %dma_wait3A_466] : memref<2x128x128xf32, #tpu.memory_space<vmem>> -> memref<1x128x128xf32, #tpu.memory_space<vmem>>
      %dma_wait3A_468 = tpu.memref_squeeze %dma_wait3A_467 : memref<1x128x128xf32, #tpu.memory_space<vmem>> -> memref<128x128xf32, #tpu.memory_space<vmem>>
      %dma_wait3A_469 = arith.constant 0 : i32
      %dma_wait3A_470 = tpu.memref_slice %arg10[%dma_wait3A_461, %dma_wait3A_462, %dma_wait3A_469] : memref<2x16x128xi32, #tpu.memory_space<vmem>> -> memref<1x1x128xi32, #tpu.memory_space<vmem>>
      %dma_wait3A_471 = tpu.memref_squeeze %dma_wait3A_470 : memref<1x1x128xi32, #tpu.memory_space<vmem>> -> memref<128xi32, #tpu.memory_space<vmem>>
      %dma_wait3A_472 = arith.constant 0 : i32
      %dma_wait3A_473 = arith.constant 0 : i32
      %dma_wait3A_474 = tpu.memref_slice %arg4[%dma_wait3A_472, %dma_wait3A_473] : memref<10000x128xf32, #tpu.memory_space<hbm>> -> memref<10000x128xf32, #tpu.memory_space<hbm>>
      %dma_wait3A_475 = tpu.memref_slice %arg17[%dma_wait3A_464] : memref<2x!tpu.dma_semaphore, #tpu.memory_space<semaphore_mem>> -> memref<1x!tpu.dma_semaphore, #tpu.memory_space<semaphore_mem>>
      %dma_wait3A_476 = tpu.memref_squeeze %dma_wait3A_475 : memref<1x!tpu.dma_semaphore, #tpu.memory_space<semaphore_mem>> -> memref<!tpu.dma_semaphore, #tpu.memory_space<semaphore_mem>>
      tpu.wait_indirect_dma semaphore(%dma_wait3A_476 : memref<!tpu.dma_semaphore, #tpu.memory_space<semaphore_mem>>) src(%dma_wait3A_474 : memref<10000x128xf32, #tpu.memory_space<hbm>>) dst(%dma_wait3A_468 : memref<128x128xf32, #tpu.memory_space<vmem>>)
      %dma_start3A_477 = arith.constant 0 : i32
      %dma_start3A_478 = arith.constant 0 : i32
      %dma_start3A_479 = arith.constant 0 : i32
      %dma_start3A_480 = arith.constant 0 : i32
      %dma_start3A_481 = arith.constant 0 : i32
      %dma_start3A_482 = tpu.memref_slice %arg12[%dma_start3A_477, %dma_start3A_480, %dma_start3A_481] : memref<2x128x128xf32, #tpu.memory_space<vmem>> -> memref<1x128x128xf32, #tpu.memory_space<vmem>>
      %dma_start3A_483 = tpu.memref_squeeze %dma_start3A_482 : memref<1x128x128xf32, #tpu.memory_space<vmem>> -> memref<128x128xf32, #tpu.memory_space<vmem>>
      %dma_start3A_484 = arith.constant 0 : i32
      %dma_start3A_485 = tpu.memref_slice %arg11[%dma_start3A_478, %scan3A_445, %dma_start3A_484] : memref<2x16x128xi32, #tpu.memory_space<vmem>> -> memref<1x1x128xi32, #tpu.memory_space<vmem>>
      %dma_start3A_486 = tpu.memref_squeeze %dma_start3A_485 : memref<1x1x128xi32, #tpu.memory_space<vmem>> -> memref<128xi32, #tpu.memory_space<vmem>>
      %dma_start3A_487 = arith.constant 0 : i32
      %dma_start3A_488 = arith.constant 0 : i32
      %dma_start3A_489 = tpu.memref_slice %arg14[%dma_start3A_487, %dma_start3A_488] : memref<10240x128xf32, #tpu.memory_space<vmem_shared>> -> memref<10240x128xf32, #tpu.memory_space<vmem_shared>>
      %dma_start3A_490 = tpu.memref_slice %arg18[%dma_start3A_479] : memref<2x!tpu.dma_semaphore, #tpu.memory_space<semaphore_mem>> -> memref<1x!tpu.dma_semaphore, #tpu.memory_space<semaphore_mem>>
      %dma_start3A_491 = tpu.memref_squeeze %dma_start3A_490 : memref<1x!tpu.dma_semaphore, #tpu.memory_space<semaphore_mem>> -> memref<!tpu.dma_semaphore, #tpu.memory_space<semaphore_mem>>
      tpu.enqueue_indirect_dma source(%dma_start3A_483 : memref<128x128xf32, #tpu.memory_space<vmem>>) target(%dma_start3A_489 : memref<10240x128xf32, #tpu.memory_space<vmem_shared>>) offsets(%dma_start3A_486 : memref<128xi32, #tpu.memory_space<vmem>>) semaphore(%dma_start3A_491 : memref<!tpu.dma_semaphore, #tpu.memory_space<semaphore_mem>>) {add = true}
      %dma_wait3A_492 = arith.constant 0 : i32
      %dma_wait3A_493 = arith.constant 0 : i32
      %dma_wait3A_494 = arith.constant 0 : i32
      %dma_wait3A_495 = arith.constant 0 : i32
      %dma_wait3A_496 = arith.constant 0 : i32
      %dma_wait3A_497 = arith.constant 0 : i32
      %dma_wait3A_498 = tpu.memref_slice %arg12[%dma_wait3A_492, %dma_wait3A_496, %dma_wait3A_497] : memref<2x128x128xf32, #tpu.memory_space<vmem>> -> memref<1x128x128xf32, #tpu.memory_space<vmem>>
      %dma_wait3A_499 = tpu.memref_squeeze %dma_wait3A_498 : memref<1x128x128xf32, #tpu.memory_space<vmem>> -> memref<128x128xf32, #tpu.memory_space<vmem>>
      %dma_wait3A_500 = arith.constant 0 : i32
      %dma_wait3A_501 = tpu.memref_slice %arg11[%dma_wait3A_493, %dma_wait3A_494, %dma_wait3A_500] : memref<2x16x128xi32, #tpu.memory_space<vmem>> -> memref<1x1x128xi32, #tpu.memory_space<vmem>>
      %dma_wait3A_502 = tpu.memref_squeeze %dma_wait3A_501 : memref<1x1x128xi32, #tpu.memory_space<vmem>> -> memref<128xi32, #tpu.memory_space<vmem>>
      %dma_wait3A_503 = arith.constant 0 : i32
      %dma_wait3A_504 = arith.constant 0 : i32
      %dma_wait3A_505 = tpu.memref_slice %arg14[%dma_wait3A_503, %dma_wait3A_504] : memref<10240x128xf32, #tpu.memory_space<vmem_shared>> -> memref<10240x128xf32, #tpu.memory_space<vmem_shared>>
      %dma_wait3A_506 = tpu.memref_slice %arg18[%dma_wait3A_495] : memref<2x!tpu.dma_semaphore, #tpu.memory_space<semaphore_mem>> -> memref<1x!tpu.dma_semaphore, #tpu.memory_space<semaphore_mem>>
      %dma_wait3A_507 = tpu.memref_squeeze %dma_wait3A_506 : memref<1x!tpu.dma_semaphore, #tpu.memory_space<semaphore_mem>> -> memref<!tpu.dma_semaphore, #tpu.memory_space<semaphore_mem>>
      tpu.wait_indirect_dma semaphore(%dma_wait3A_507 : memref<!tpu.dma_semaphore, #tpu.memory_space<semaphore_mem>>) src(%dma_wait3A_499 : memref<128x128xf32, #tpu.memory_space<vmem>>) dst(%dma_wait3A_505 : memref<10240x128xf32, #tpu.memory_space<vmem_shared>>)
      %run_scoped3A = arith.constant 0 : i32
      "tpu.region"() ({
        %run_scoped3A_508 = tpu.sem_alloc : memref<!tpu.dma_semaphore, #tpu.memory_space<semaphore_mem>>
        %dma_start3A_509 = arith.constant 0 : i32
        %dma_start3A_510 = tpu.memref_slice %arg11[%run_scoped3A, %scan3A_445, %dma_start3A_509] : memref<2x16x128xi32, #tpu.memory_space<vmem>> -> memref<1x1x128xi32, #tpu.memory_space<vmem>>
        %dma_start3A_511 = tpu.memref_squeeze %dma_start3A_510 : memref<1x1x128xi32, #tpu.memory_space<vmem>> -> memref<128xi32, #tpu.memory_space<vmem>>
        %dma_start3A_512 = arith.constant 0 : i32
        %dma_start3A_513 = tpu.memref_slice %arg15[%dma_start3A_512] : memref<10240xf32, #tpu.memory_space<vmem_shared>> -> memref<10240xf32, #tpu.memory_space<vmem_shared>>
        tpu.enqueue_indirect_dma source(%arg13 : memref<128xf32, #tpu.memory_space<vmem>>) target(%dma_start3A_513 : memref<10240xf32, #tpu.memory_space<vmem_shared>>) offsets(%dma_start3A_511 : memref<128xi32, #tpu.memory_space<vmem>>) semaphore(%run_scoped3A_508 : memref<!tpu.dma_semaphore, #tpu.memory_space<semaphore_mem>>) {add = true}
        %dma_wait3A_514 = arith.constant 0 : i32
        %dma_wait3A_515 = tpu.memref_slice %arg11[%run_scoped3A, %scan3A_445, %dma_wait3A_514] : memref<2x16x128xi32, #tpu.memory_space<vmem>> -> memref<1x1x128xi32, #tpu.memory_space<vmem>>
        %dma_wait3A_516 = tpu.memref_squeeze %dma_wait3A_515 : memref<1x1x128xi32, #tpu.memory_space<vmem>> -> memref<128xi32, #tpu.memory_space<vmem>>
        %dma_wait3A_517 = arith.constant 0 : i32
        %dma_wait3A_518 = tpu.memref_slice %arg15[%dma_wait3A_517] : memref<10240xf32, #tpu.memory_space<vmem_shared>> -> memref<10240xf32, #tpu.memory_space<vmem_shared>>
        tpu.wait_indirect_dma semaphore(%run_scoped3A_508 : memref<!tpu.dma_semaphore, #tpu.memory_space<semaphore_mem>>) src(%arg13 : memref<128xf32, #tpu.memory_space<vmem>>) dst(%dma_wait3A_518 : memref<10240xf32, #tpu.memory_space<vmem_shared>>)
        tpu.yield
      }) : () -> ()
    }
    %scan3A_303 = arith.constant 16 : i32
    %dma_wait3A_304 = arith.constant 1 : i32
    %dma_wait3A_305 = arith.constant 1 : i32
    %dma_wait3A_306 = arith.constant 0 : i32
    %dma_wait3A_307 = arith.constant 0 : i32
    %dma_wait3A_308 = tpu.memref_slice %arg10[%dma_wait3A_304, %dma_wait3A_306, %dma_wait3A_307] : memref<2x16x128xi32, #tpu.memory_space<vmem>> -> memref<1x16x128xi32, #tpu.memory_space<vmem>>
    %dma_wait3A_309 = tpu.memref_squeeze %dma_wait3A_308 : memref<1x16x128xi32, #tpu.memory_space<vmem>> -> memref<16x128xi32, #tpu.memory_space<vmem>>
    %dma_wait3A_310 = arith.constant 0 : i32
    %dma_wait3A_311 = arith.constant 0 : i32
    %dma_wait3A_312 = tpu.memref_slice %arg2[%add3A, %dma_wait3A_310, %dma_wait3A_311] : memref<32x80x128xi32, #tpu.memory_space<hbm>> -> memref<1x16x128xi32, #tpu.memory_space<hbm>>
    %dma_wait3A_313 = tpu.memref_squeeze %dma_wait3A_312 : memref<1x16x128xi32, #tpu.memory_space<hbm>> -> memref<16x128xi32, #tpu.memory_space<hbm>>
    %dma_wait3A_314 = tpu.memref_slice %arg16[%dma_wait3A_305] : memref<2x!tpu.dma_semaphore, #tpu.memory_space<semaphore_mem>> -> memref<1x!tpu.dma_semaphore, #tpu.memory_space<semaphore_mem>>
    %dma_wait3A_315 = tpu.memref_squeeze %dma_wait3A_314 : memref<1x!tpu.dma_semaphore, #tpu.memory_space<semaphore_mem>> -> memref<!tpu.dma_semaphore, #tpu.memory_space<semaphore_mem>>
    %dma_wait3A_316 = arith.constant 0 : i32
    %dma_wait3A_317 = arith.constant 0 : i32
    %dma_wait3A_318 = tpu.memref_slice %arg10[%dma_wait3A_304, %dma_wait3A_316, %dma_wait3A_317] : memref<2x16x128xi32, #tpu.memory_space<vmem>> -> memref<1x16x128xi32, #tpu.memory_space<vmem>>
    %dma_wait3A_319 = tpu.memref_squeeze %dma_wait3A_318 : memref<1x16x128xi32, #tpu.memory_space<vmem>> -> memref<16x128xi32, #tpu.memory_space<vmem>>
    %dma_wait3A_320 = arith.constant 0 : i32
    %dma_wait3A_321 = arith.constant 0 : i32
    %dma_wait3A_322 = tpu.memref_slice %arg2[%add3A, %dma_wait3A_320, %dma_wait3A_321] : memref<32x80x128xi32, #tpu.memory_space<hbm>> -> memref<1x16x128xi32, #tpu.memory_space<hbm>>
    %dma_wait3A_323 = tpu.memref_squeeze %dma_wait3A_322 : memref<1x16x128xi32, #tpu.memory_space<hbm>> -> memref<16x128xi32, #tpu.memory_space<hbm>>
    tpu.wait_dma2 semaphore(%dma_wait3A_315 : memref<!tpu.dma_semaphore, #tpu.memory_space<semaphore_mem>>) src(%dma_wait3A_323 : memref<16x128xi32, #tpu.memory_space<hbm>>) dst(%dma_wait3A_319 : memref<16x128xi32, #tpu.memory_space<vmem>>)
    %dma_wait3A_324 = arith.constant 1 : i32
    %dma_wait3A_325 = arith.constant 1 : i32
    %dma_wait3A_326 = arith.constant 0 : i32
    %dma_wait3A_327 = arith.constant 0 : i32
    %dma_wait3A_328 = tpu.memref_slice %arg11[%dma_wait3A_324, %dma_wait3A_326, %dma_wait3A_327] : memref<2x16x128xi32, #tpu.memory_space<vmem>> -> memref<1x16x128xi32, #tpu.memory_space<vmem>>
    %dma_wait3A_329 = tpu.memref_squeeze %dma_wait3A_328 : memref<1x16x128xi32, #tpu.memory_space<vmem>> -> memref<16x128xi32, #tpu.memory_space<vmem>>
    %dma_wait3A_330 = arith.constant 0 : i32
    %dma_wait3A_331 = arith.constant 0 : i32
    %dma_wait3A_332 = tpu.memref_slice %arg3[%add3A, %dma_wait3A_330, %dma_wait3A_331] : memref<32x80x128xi32, #tpu.memory_space<hbm>> -> memref<1x16x128xi32, #tpu.memory_space<hbm>>
    %dma_wait3A_333 = tpu.memref_squeeze %dma_wait3A_332 : memref<1x16x128xi32, #tpu.memory_space<hbm>> -> memref<16x128xi32, #tpu.memory_space<hbm>>
    %dma_wait3A_334 = tpu.memref_slice %arg16[%dma_wait3A_325] : memref<2x!tpu.dma_semaphore, #tpu.memory_space<semaphore_mem>> -> memref<1x!tpu.dma_semaphore, #tpu.memory_space<semaphore_mem>>
    %dma_wait3A_335 = tpu.memref_squeeze %dma_wait3A_334 : memref<1x!tpu.dma_semaphore, #tpu.memory_space<semaphore_mem>> -> memref<!tpu.dma_semaphore, #tpu.memory_space<semaphore_mem>>
    %dma_wait3A_336 = arith.constant 0 : i32
    %dma_wait3A_337 = arith.constant 0 : i32
    %dma_wait3A_338 = tpu.memref_slice %arg11[%dma_wait3A_324, %dma_wait3A_336, %dma_wait3A_337] : memref<2x16x128xi32, #tpu.memory_space<vmem>> -> memref<1x16x128xi32, #tpu.memory_space<vmem>>
    %dma_wait3A_339 = tpu.memref_squeeze %dma_wait3A_338 : memref<1x16x128xi32, #tpu.memory_space<vmem>> -> memref<16x128xi32, #tpu.memory_space<vmem>>
    %dma_wait3A_340 = arith.constant 0 : i32
    %dma_wait3A_341 = arith.constant 0 : i32
    %dma_wait3A_342 = tpu.memref_slice %arg3[%add3A, %dma_wait3A_340, %dma_wait3A_341] : memref<32x80x128xi32, #tpu.memory_space<hbm>> -> memref<1x16x128xi32, #tpu.memory_space<hbm>>
    %dma_wait3A_343 = tpu.memref_squeeze %dma_wait3A_342 : memref<1x16x128xi32, #tpu.memory_space<hbm>> -> memref<16x128xi32, #tpu.memory_space<hbm>>
    tpu.wait_dma2 semaphore(%dma_wait3A_335 : memref<!tpu.dma_semaphore, #tpu.memory_space<semaphore_mem>>) src(%dma_wait3A_343 : memref<16x128xi32, #tpu.memory_space<hbm>>) dst(%dma_wait3A_339 : memref<16x128xi32, #tpu.memory_space<vmem>>)
    %dma_start3A_344 = arith.constant 0 : i32
    %dma_start3A_345 = arith.constant 0 : i32
    %dma_start3A_346 = arith.constant 0 : i32
    %dma_start3A_347 = arith.constant 0 : i32
    %dma_start3A_348 = tpu.memref_slice %arg10[%dma_start3A_344, %dma_start3A_346, %dma_start3A_347] : memref<2x16x128xi32, #tpu.memory_space<vmem>> -> memref<1x16x128xi32, #tpu.memory_space<vmem>>
    %dma_start3A_349 = tpu.memref_squeeze %dma_start3A_348 : memref<1x16x128xi32, #tpu.memory_space<vmem>> -> memref<16x128xi32, #tpu.memory_space<vmem>>
    %dma_start3A_350 = arith.constant 64 : i32
    %dma_start3A_351 = arith.constant 0 : i32
    %dma_start3A_352 = tpu.memref_slice %arg2[%add3A, %dma_start3A_350, %dma_start3A_351] : memref<32x80x128xi32, #tpu.memory_space<hbm>> -> memref<1x16x128xi32, #tpu.memory_space<hbm>>
    %dma_start3A_353 = tpu.memref_squeeze %dma_start3A_352 : memref<1x16x128xi32, #tpu.memory_space<hbm>> -> memref<16x128xi32, #tpu.memory_space<hbm>>
    %dma_start3A_354 = tpu.memref_slice %arg16[%dma_start3A_345] : memref<2x!tpu.dma_semaphore, #tpu.memory_space<semaphore_mem>> -> memref<1x!tpu.dma_semaphore, #tpu.memory_space<semaphore_mem>>
    %dma_start3A_355 = tpu.memref_squeeze %dma_start3A_354 : memref<1x!tpu.dma_semaphore, #tpu.memory_space<semaphore_mem>> -> memref<!tpu.dma_semaphore, #tpu.memory_space<semaphore_mem>>
    %dma_start3A_356 = arith.constant 0 : i32
    %dma_start3A_357 = arith.constant 0 : i32
    %dma_start3A_358 = tpu.memref_slice %arg10[%dma_start3A_344, %dma_start3A_356, %dma_start3A_357] : memref<2x16x128xi32, #tpu.memory_space<vmem>> -> memref<1x16x128xi32, #tpu.memory_space<vmem>>
    %dma_start3A_359 = tpu.memref_squeeze %dma_start3A_358 : memref<1x16x128xi32, #tpu.memory_space<vmem>> -> memref<16x128xi32, #tpu.memory_space<vmem>>
    %dma_start3A_360 = arith.constant 64 : i32
    %dma_start3A_361 = arith.constant 0 : i32
    %dma_start3A_362 = tpu.memref_slice %arg2[%add3A, %dma_start3A_360, %dma_start3A_361] : memref<32x80x128xi32, #tpu.memory_space<hbm>> -> memref<1x16x128xi32, #tpu.memory_space<hbm>>
    %dma_start3A_363 = tpu.memref_squeeze %dma_start3A_362 : memref<1x16x128xi32, #tpu.memory_space<hbm>> -> memref<16x128xi32, #tpu.memory_space<hbm>>
    tpu.enqueue_dma source(%dma_start3A_363 : memref<16x128xi32, #tpu.memory_space<hbm>>) target(%dma_start3A_359 : memref<16x128xi32, #tpu.memory_space<vmem>>) target_semaphore(%dma_start3A_355 : memref<!tpu.dma_semaphore, #tpu.memory_space<semaphore_mem>>)
    %dma_start3A_364 = arith.constant 0 : i32
    %dma_start3A_365 = arith.constant 0 : i32
    %dma_start3A_366 = arith.constant 0 : i32
    %dma_start3A_367 = arith.constant 0 : i32
    %dma_start3A_368 = tpu.memref_slice %arg11[%dma_start3A_364, %dma_start3A_366, %dma_start3A_367] : memref<2x16x128xi32, #tpu.memory_space<vmem>> -> memref<1x16x128xi32, #tpu.memory_space<vmem>>
    %dma_start3A_369 = tpu.memref_squeeze %dma_start3A_368 : memref<1x16x128xi32, #tpu.memory_space<vmem>> -> memref<16x128xi32, #tpu.memory_space<vmem>>
    %dma_start3A_370 = arith.constant 64 : i32
    %dma_start3A_371 = arith.constant 0 : i32
    %dma_start3A_372 = tpu.memref_slice %arg3[%add3A, %dma_start3A_370, %dma_start3A_371] : memref<32x80x128xi32, #tpu.memory_space<hbm>> -> memref<1x16x128xi32, #tpu.memory_space<hbm>>
    %dma_start3A_373 = tpu.memref_squeeze %dma_start3A_372 : memref<1x16x128xi32, #tpu.memory_space<hbm>> -> memref<16x128xi32, #tpu.memory_space<hbm>>
    %dma_start3A_374 = tpu.memref_slice %arg16[%dma_start3A_365] : memref<2x!tpu.dma_semaphore, #tpu.memory_space<semaphore_mem>> -> memref<1x!tpu.dma_semaphore, #tpu.memory_space<semaphore_mem>>
    %dma_start3A_375 = tpu.memref_squeeze %dma_start3A_374 : memref<1x!tpu.dma_semaphore, #tpu.memory_space<semaphore_mem>> -> memref<!tpu.dma_semaphore, #tpu.memory_space<semaphore_mem>>
    %dma_start3A_376 = arith.constant 0 : i32
    %dma_start3A_377 = arith.constant 0 : i32
    %dma_start3A_378 = tpu.memref_slice %arg11[%dma_start3A_364, %dma_start3A_376, %dma_start3A_377] : memref<2x16x128xi32, #tpu.memory_space<vmem>> -> memref<1x16x128xi32, #tpu.memory_space<vmem>>
    %dma_start3A_379 = tpu.memref_squeeze %dma_start3A_378 : memref<1x16x128xi32, #tpu.memory_space<vmem>> -> memref<16x128xi32, #tpu.memory_space<vmem>>
    %dma_start3A_380 = arith.constant 64 : i32
    %dma_start3A_381 = arith.constant 0 : i32
    %dma_start3A_382 = tpu.memref_slice %arg3[%add3A, %dma_start3A_380, %dma_start3A_381] : memref<32x80x128xi32, #tpu.memory_space<hbm>> -> memref<1x16x128xi32, #tpu.memory_space<hbm>>
    %dma_start3A_383 = tpu.memref_squeeze %dma_start3A_382 : memref<1x16x128xi32, #tpu.memory_space<hbm>> -> memref<16x128xi32, #tpu.memory_space<hbm>>
    tpu.enqueue_dma source(%dma_start3A_383 : memref<16x128xi32, #tpu.memory_space<hbm>>) target(%dma_start3A_379 : memref<16x128xi32, #tpu.memory_space<vmem>>) target_semaphore(%dma_start3A_375 : memref<!tpu.dma_semaphore, #tpu.memory_space<semaphore_mem>>)
    %scan3A_384 = arith.constant 0 : i32
    %scan3A_385 = arith.constant 0 : i32
    %scan3A_386 = arith.constant 16 : i32
    %scan3A_387 = arith.addi %scan3A_385, %scan3A_386 : i32
    %scan3A_388 = arith.constant 1 : i32
    scf.for %scan3A_445 = %scan3A_385 to %scan3A_387 step %scan3A_388  : i32 {
      %dma_start3A_446 = arith.constant 1 : i32
      %dma_start3A_447 = arith.constant 0 : i32
      %dma_start3A_448 = arith.constant 0 : i32
      %dma_start3A_449 = arith.constant 0 : i32
      %dma_start3A_450 = arith.constant 0 : i32
      %dma_start3A_451 = tpu.memref_slice %arg12[%dma_start3A_447, %dma_start3A_449, %dma_start3A_450] : memref<2x128x128xf32, #tpu.memory_space<vmem>> -> memref<1x128x128xf32, #tpu.memory_space<vmem>>
      %dma_start3A_452 = tpu.memref_squeeze %dma_start3A_451 : memref<1x128x128xf32, #tpu.memory_space<vmem>> -> memref<128x128xf32, #tpu.memory_space<vmem>>
      %dma_start3A_453 = arith.constant 0 : i32
      %dma_start3A_454 = tpu.memref_slice %arg10[%dma_start3A_446, %scan3A_445, %dma_start3A_453] : memref<2x16x128xi32, #tpu.memory_space<vmem>> -> memref<1x1x128xi32, #tpu.memory_space<vmem>>
      %dma_start3A_455 = tpu.memref_squeeze %dma_start3A_454 : memref<1x1x128xi32, #tpu.memory_space<vmem>> -> memref<128xi32, #tpu.memory_space<vmem>>
      %dma_start3A_456 = arith.constant 0 : i32
      %dma_start3A_457 = arith.constant 0 : i32
      %dma_start3A_458 = tpu.memref_slice %arg4[%dma_start3A_456, %dma_start3A_457] : memref<10000x128xf32, #tpu.memory_space<hbm>> -> memref<10000x128xf32, #tpu.memory_space<hbm>>
      %dma_start3A_459 = tpu.memref_slice %arg17[%dma_start3A_448] : memref<2x!tpu.dma_semaphore, #tpu.memory_space<semaphore_mem>> -> memref<1x!tpu.dma_semaphore, #tpu.memory_space<semaphore_mem>>
      %dma_start3A_460 = tpu.memref_squeeze %dma_start3A_459 : memref<1x!tpu.dma_semaphore, #tpu.memory_space<semaphore_mem>> -> memref<!tpu.dma_semaphore, #tpu.memory_space<semaphore_mem>>
      tpu.enqueue_indirect_dma source(%dma_start3A_458 : memref<10000x128xf32, #tpu.memory_space<hbm>>) target(%dma_start3A_452 : memref<128x128xf32, #tpu.memory_space<vmem>>) offsets(%dma_start3A_455 : memref<128xi32, #tpu.memory_space<vmem>>) semaphore(%dma_start3A_460 : memref<!tpu.dma_semaphore, #tpu.memory_space<semaphore_mem>>)
      %dma_wait3A_461 = arith.constant 0 : i32
      %dma_wait3A_462 = arith.constant 0 : i32
      %dma_wait3A_463 = arith.constant 0 : i32
      %dma_wait3A_464 = arith.constant 0 : i32
      %dma_wait3A_465 = arith.constant 0 : i32
      %dma_wait3A_466 = arith.constant 0 : i32
      %dma_wait3A_467 = tpu.memref_slice %arg12[%dma_wait3A_463, %dma_wait3A_465, %dma_wait3A_466] : memref<2x128x128xf32, #tpu.memory_space<vmem>> -> memref<1x128x128xf32, #tpu.memory_space<vmem>>
      %dma_wait3A_468 = tpu.memref_squeeze %dma_wait3A_467 : memref<1x128x128xf32, #tpu.memory_space<vmem>> -> memref<128x128xf32, #tpu.memory_space<vmem>>
      %dma_wait3A_469 = arith.constant 0 : i32
      %dma_wait3A_470 = tpu.memref_slice %arg10[%dma_wait3A_461, %dma_wait3A_462, %dma_wait3A_469] : memref<2x16x128xi32, #tpu.memory_space<vmem>> -> memref<1x1x128xi32, #tpu.memory_space<vmem>>
      %dma_wait3A_471 = tpu.memref_squeeze %dma_wait3A_470 : memref<1x1x128xi32, #tpu.memory_space<vmem>> -> memref<128xi32, #tpu.memory_space<vmem>>
      %dma_wait3A_472 = arith.constant 0 : i32
      %dma_wait3A_473 = arith.constant 0 : i32
      %dma_wait3A_474 = tpu.memref_slice %arg4[%dma_wait3A_472, %dma_wait3A_473] : memref<10000x128xf32, #tpu.memory_space<hbm>> -> memref<10000x128xf32, #tpu.memory_space<hbm>>
      %dma_wait3A_475 = tpu.memref_slice %arg17[%dma_wait3A_464] : memref<2x!tpu.dma_semaphore, #tpu.memory_space<semaphore_mem>> -> memref<1x!tpu.dma_semaphore, #tpu.memory_space<semaphore_mem>>
      %dma_wait3A_476 = tpu.memref_squeeze %dma_wait3A_475 : memref<1x!tpu.dma_semaphore, #tpu.memory_space<semaphore_mem>> -> memref<!tpu.dma_semaphore, #tpu.memory_space<semaphore_mem>>
      tpu.wait_indirect_dma semaphore(%dma_wait3A_476 : memref<!tpu.dma_semaphore, #tpu.memory_space<semaphore_mem>>) src(%dma_wait3A_474 : memref<10000x128xf32, #tpu.memory_space<hbm>>) dst(%dma_wait3A_468 : memref<128x128xf32, #tpu.memory_space<vmem>>)
      %dma_start3A_477 = arith.constant 0 : i32
      %dma_start3A_478 = arith.constant 1 : i32
      %dma_start3A_479 = arith.constant 0 : i32
      %dma_start3A_480 = arith.constant 0 : i32
      %dma_start3A_481 = arith.constant 0 : i32
      %dma_start3A_482 = tpu.memref_slice %arg12[%dma_start3A_477, %dma_start3A_480, %dma_start3A_481] : memref<2x128x128xf32, #tpu.memory_space<vmem>> -> memref<1x128x128xf32, #tpu.memory_space<vmem>>
      %dma_start3A_483 = tpu.memref_squeeze %dma_start3A_482 : memref<1x128x128xf32, #tpu.memory_space<vmem>> -> memref<128x128xf32, #tpu.memory_space<vmem>>
      %dma_start3A_484 = arith.constant 0 : i32
      %dma_start3A_485 = tpu.memref_slice %arg11[%dma_start3A_478, %scan3A_445, %dma_start3A_484] : memref<2x16x128xi32, #tpu.memory_space<vmem>> -> memref<1x1x128xi32, #tpu.memory_space<vmem>>
      %dma_start3A_486 = tpu.memref_squeeze %dma_start3A_485 : memref<1x1x128xi32, #tpu.memory_space<vmem>> -> memref<128xi32, #tpu.memory_space<vmem>>
      %dma_start3A_487 = arith.constant 0 : i32
      %dma_start3A_488 = arith.constant 0 : i32
      %dma_start3A_489 = tpu.memref_slice %arg14[%dma_start3A_487, %dma_start3A_488] : memref<10240x128xf32, #tpu.memory_space<vmem_shared>> -> memref<10240x128xf32, #tpu.memory_space<vmem_shared>>
      %dma_start3A_490 = tpu.memref_slice %arg18[%dma_start3A_479] : memref<2x!tpu.dma_semaphore, #tpu.memory_space<semaphore_mem>> -> memref<1x!tpu.dma_semaphore, #tpu.memory_space<semaphore_mem>>
      %dma_start3A_491 = tpu.memref_squeeze %dma_start3A_490 : memref<1x!tpu.dma_semaphore, #tpu.memory_space<semaphore_mem>> -> memref<!tpu.dma_semaphore, #tpu.memory_space<semaphore_mem>>
      tpu.enqueue_indirect_dma source(%dma_start3A_483 : memref<128x128xf32, #tpu.memory_space<vmem>>) target(%dma_start3A_489 : memref<10240x128xf32, #tpu.memory_space<vmem_shared>>) offsets(%dma_start3A_486 : memref<128xi32, #tpu.memory_space<vmem>>) semaphore(%dma_start3A_491 : memref<!tpu.dma_semaphore, #tpu.memory_space<semaphore_mem>>) {add = true}
      %dma_wait3A_492 = arith.constant 0 : i32
      %dma_wait3A_493 = arith.constant 0 : i32
      %dma_wait3A_494 = arith.constant 0 : i32
      %dma_wait3A_495 = arith.constant 0 : i32
      %dma_wait3A_496 = arith.constant 0 : i32
      %dma_wait3A_497 = arith.constant 0 : i32
      %dma_wait3A_498 = tpu.memref_slice %arg12[%dma_wait3A_492, %dma_wait3A_496, %dma_wait3A_497] : memref<2x128x128xf32, #tpu.memory_space<vmem>> -> memref<1x128x128xf32, #tpu.memory_space<vmem>>
      %dma_wait3A_499 = tpu.memref_squeeze %dma_wait3A_498 : memref<1x128x128xf32, #tpu.memory_space<vmem>> -> memref<128x128xf32, #tpu.memory_space<vmem>>
      %dma_wait3A_500 = arith.constant 0 : i32
      %dma_wait3A_501 = tpu.memref_slice %arg11[%dma_wait3A_493, %dma_wait3A_494, %dma_wait3A_500] : memref<2x16x128xi32, #tpu.memory_space<vmem>> -> memref<1x1x128xi32, #tpu.memory_space<vmem>>
      %dma_wait3A_502 = tpu.memref_squeeze %dma_wait3A_501 : memref<1x1x128xi32, #tpu.memory_space<vmem>> -> memref<128xi32, #tpu.memory_space<vmem>>
      %dma_wait3A_503 = arith.constant 0 : i32
      %dma_wait3A_504 = arith.constant 0 : i32
      %dma_wait3A_505 = tpu.memref_slice %arg14[%dma_wait3A_503, %dma_wait3A_504] : memref<10240x128xf32, #tpu.memory_space<vmem_shared>> -> memref<10240x128xf32, #tpu.memory_space<vmem_shared>>
      %dma_wait3A_506 = tpu.memref_slice %arg18[%dma_wait3A_495] : memref<2x!tpu.dma_semaphore, #tpu.memory_space<semaphore_mem>> -> memref<1x!tpu.dma_semaphore, #tpu.memory_space<semaphore_mem>>
      %dma_wait3A_507 = tpu.memref_squeeze %dma_wait3A_506 : memref<1x!tpu.dma_semaphore, #tpu.memory_space<semaphore_mem>> -> memref<!tpu.dma_semaphore, #tpu.memory_space<semaphore_mem>>
      tpu.wait_indirect_dma semaphore(%dma_wait3A_507 : memref<!tpu.dma_semaphore, #tpu.memory_space<semaphore_mem>>) src(%dma_wait3A_499 : memref<128x128xf32, #tpu.memory_space<vmem>>) dst(%dma_wait3A_505 : memref<10240x128xf32, #tpu.memory_space<vmem_shared>>)
      %run_scoped3A = arith.constant 1 : i32
      "tpu.region"() ({
        %run_scoped3A_508 = tpu.sem_alloc : memref<!tpu.dma_semaphore, #tpu.memory_space<semaphore_mem>>
        %dma_start3A_509 = arith.constant 0 : i32
        %dma_start3A_510 = tpu.memref_slice %arg11[%run_scoped3A, %scan3A_445, %dma_start3A_509] : memref<2x16x128xi32, #tpu.memory_space<vmem>> -> memref<1x1x128xi32, #tpu.memory_space<vmem>>
        %dma_start3A_511 = tpu.memref_squeeze %dma_start3A_510 : memref<1x1x128xi32, #tpu.memory_space<vmem>> -> memref<128xi32, #tpu.memory_space<vmem>>
        %dma_start3A_512 = arith.constant 0 : i32
        %dma_start3A_513 = tpu.memref_slice %arg15[%dma_start3A_512] : memref<10240xf32, #tpu.memory_space<vmem_shared>> -> memref<10240xf32, #tpu.memory_space<vmem_shared>>
        tpu.enqueue_indirect_dma source(%arg13 : memref<128xf32, #tpu.memory_space<vmem>>) target(%dma_start3A_513 : memref<10240xf32, #tpu.memory_space<vmem_shared>>) offsets(%dma_start3A_511 : memref<128xi32, #tpu.memory_space<vmem>>) semaphore(%run_scoped3A_508 : memref<!tpu.dma_semaphore, #tpu.memory_space<semaphore_mem>>) {add = true}
        %dma_wait3A_514 = arith.constant 0 : i32
        %dma_wait3A_515 = tpu.memref_slice %arg11[%run_scoped3A, %scan3A_445, %dma_wait3A_514] : memref<2x16x128xi32, #tpu.memory_space<vmem>> -> memref<1x1x128xi32, #tpu.memory_space<vmem>>
        %dma_wait3A_516 = tpu.memref_squeeze %dma_wait3A_515 : memref<1x1x128xi32, #tpu.memory_space<vmem>> -> memref<128xi32, #tpu.memory_space<vmem>>
        %dma_wait3A_517 = arith.constant 0 : i32
        %dma_wait3A_518 = tpu.memref_slice %arg15[%dma_wait3A_517] : memref<10240xf32, #tpu.memory_space<vmem_shared>> -> memref<10240xf32, #tpu.memory_space<vmem_shared>>
        tpu.wait_indirect_dma semaphore(%run_scoped3A_508 : memref<!tpu.dma_semaphore, #tpu.memory_space<semaphore_mem>>) src(%arg13 : memref<128xf32, #tpu.memory_space<vmem>>) dst(%dma_wait3A_518 : memref<10240xf32, #tpu.memory_space<vmem_shared>>)
        tpu.yield
      }) : () -> ()
    }
    %scan3A_389 = arith.constant 16 : i32
    %dma_wait3A_390 = arith.constant 0 : i32
    %dma_wait3A_391 = arith.constant 0 : i32
    %dma_wait3A_392 = arith.constant 0 : i32
    %dma_wait3A_393 = arith.constant 0 : i32
    %dma_wait3A_394 = tpu.memref_slice %arg10[%dma_wait3A_390, %dma_wait3A_392, %dma_wait3A_393] : memref<2x16x128xi32, #tpu.memory_space<vmem>> -> memref<1x16x128xi32, #tpu.memory_space<vmem>>
    %dma_wait3A_395 = tpu.memref_squeeze %dma_wait3A_394 : memref<1x16x128xi32, #tpu.memory_space<vmem>> -> memref<16x128xi32, #tpu.memory_space<vmem>>
    %dma_wait3A_396 = arith.constant 0 : i32
    %dma_wait3A_397 = arith.constant 0 : i32
    %dma_wait3A_398 = tpu.memref_slice %arg2[%add3A, %dma_wait3A_396, %dma_wait3A_397] : memref<32x80x128xi32, #tpu.memory_space<hbm>> -> memref<1x16x128xi32, #tpu.memory_space<hbm>>
    %dma_wait3A_399 = tpu.memref_squeeze %dma_wait3A_398 : memref<1x16x128xi32, #tpu.memory_space<hbm>> -> memref<16x128xi32, #tpu.memory_space<hbm>>
    %dma_wait3A_400 = tpu.memref_slice %arg16[%dma_wait3A_391] : memref<2x!tpu.dma_semaphore, #tpu.memory_space<semaphore_mem>> -> memref<1x!tpu.dma_semaphore, #tpu.memory_space<semaphore_mem>>
    %dma_wait3A_401 = tpu.memref_squeeze %dma_wait3A_400 : memref<1x!tpu.dma_semaphore, #tpu.memory_space<semaphore_mem>> -> memref<!tpu.dma_semaphore, #tpu.memory_space<semaphore_mem>>
    %dma_wait3A_402 = arith.constant 0 : i32
    %dma_wait3A_403 = arith.constant 0 : i32
    %dma_wait3A_404 = tpu.memref_slice %arg10[%dma_wait3A_390, %dma_wait3A_402, %dma_wait3A_403] : memref<2x16x128xi32, #tpu.memory_space<vmem>> -> memref<1x16x128xi32, #tpu.memory_space<vmem>>
    %dma_wait3A_405 = tpu.memref_squeeze %dma_wait3A_404 : memref<1x16x128xi32, #tpu.memory_space<vmem>> -> memref<16x128xi32, #tpu.memory_space<vmem>>
    %dma_wait3A_406 = arith.constant 0 : i32
    %dma_wait3A_407 = arith.constant 0 : i32
    %dma_wait3A_408 = tpu.memref_slice %arg2[%add3A, %dma_wait3A_406, %dma_wait3A_407] : memref<32x80x128xi32, #tpu.memory_space<hbm>> -> memref<1x16x128xi32, #tpu.memory_space<hbm>>
    %dma_wait3A_409 = tpu.memref_squeeze %dma_wait3A_408 : memref<1x16x128xi32, #tpu.memory_space<hbm>> -> memref<16x128xi32, #tpu.memory_space<hbm>>
    tpu.wait_dma2 semaphore(%dma_wait3A_401 : memref<!tpu.dma_semaphore, #tpu.memory_space<semaphore_mem>>) src(%dma_wait3A_409 : memref<16x128xi32, #tpu.memory_space<hbm>>) dst(%dma_wait3A_405 : memref<16x128xi32, #tpu.memory_space<vmem>>)
    %dma_wait3A_410 = arith.constant 0 : i32
    %dma_wait3A_411 = arith.constant 0 : i32
    %dma_wait3A_412 = arith.constant 0 : i32
    %dma_wait3A_413 = arith.constant 0 : i32
    %dma_wait3A_414 = tpu.memref_slice %arg11[%dma_wait3A_410, %dma_wait3A_412, %dma_wait3A_413] : memref<2x16x128xi32, #tpu.memory_space<vmem>> -> memref<1x16x128xi32, #tpu.memory_space<vmem>>
    %dma_wait3A_415 = tpu.memref_squeeze %dma_wait3A_414 : memref<1x16x128xi32, #tpu.memory_space<vmem>> -> memref<16x128xi32, #tpu.memory_space<vmem>>
    %dma_wait3A_416 = arith.constant 0 : i32
    %dma_wait3A_417 = arith.constant 0 : i32
    %dma_wait3A_418 = tpu.memref_slice %arg3[%add3A, %dma_wait3A_416, %dma_wait3A_417] : memref<32x80x128xi32, #tpu.memory_space<hbm>> -> memref<1x16x128xi32, #tpu.memory_space<hbm>>
    %dma_wait3A_419 = tpu.memref_squeeze %dma_wait3A_418 : memref<1x16x128xi32, #tpu.memory_space<hbm>> -> memref<16x128xi32, #tpu.memory_space<hbm>>
    %dma_wait3A_420 = tpu.memref_slice %arg16[%dma_wait3A_411] : memref<2x!tpu.dma_semaphore, #tpu.memory_space<semaphore_mem>> -> memref<1x!tpu.dma_semaphore, #tpu.memory_space<semaphore_mem>>
    %dma_wait3A_421 = tpu.memref_squeeze %dma_wait3A_420 : memref<1x!tpu.dma_semaphore, #tpu.memory_space<semaphore_mem>> -> memref<!tpu.dma_semaphore, #tpu.memory_space<semaphore_mem>>
    %dma_wait3A_422 = arith.constant 0 : i32
    %dma_wait3A_423 = arith.constant 0 : i32
    %dma_wait3A_424 = tpu.memref_slice %arg11[%dma_wait3A_410, %dma_wait3A_422, %dma_wait3A_423] : memref<2x16x128xi32, #tpu.memory_space<vmem>> -> memref<1x16x128xi32, #tpu.memory_space<vmem>>
    %dma_wait3A_425 = tpu.memref_squeeze %dma_wait3A_424 : memref<1x16x128xi32, #tpu.memory_space<vmem>> -> memref<16x128xi32, #tpu.memory_space<vmem>>
    %dma_wait3A_426 = arith.constant 0 : i32
    %dma_wait3A_427 = arith.constant 0 : i32
    %dma_wait3A_428 = tpu.memref_slice %arg3[%add3A, %dma_wait3A_426, %dma_wait3A_427] : memref<32x80x128xi32, #tpu.memory_space<hbm>> -> memref<1x16x128xi32, #tpu.memory_space<hbm>>
    %dma_wait3A_429 = tpu.memref_squeeze %dma_wait3A_428 : memref<1x16x128xi32, #tpu.memory_space<hbm>> -> memref<16x128xi32, #tpu.memory_space<hbm>>
    tpu.wait_dma2 semaphore(%dma_wait3A_421 : memref<!tpu.dma_semaphore, #tpu.memory_space<semaphore_mem>>) src(%dma_wait3A_429 : memref<16x128xi32, #tpu.memory_space<hbm>>) dst(%dma_wait3A_425 : memref<16x128xi32, #tpu.memory_space<vmem>>)
    %scan3A_430 = arith.constant 0 : i32
    %scan3A_431 = arith.constant 0 : i32
    %scan3A_432 = arith.constant 16 : i32
    %scan3A_433 = arith.addi %scan3A_431, %scan3A_432 : i32
    %scan3A_434 = arith.constant 1 : i32
    scf.for %scan3A_445 = %scan3A_431 to %scan3A_433 step %scan3A_434  : i32 {
      %dma_start3A_446 = arith.constant 0 : i32
      %dma_start3A_447 = arith.constant 0 : i32
      %dma_start3A_448 = arith.constant 0 : i32
      %dma_start3A_449 = arith.constant 0 : i32
      %dma_start3A_450 = arith.constant 0 : i32
      %dma_start3A_451 = tpu.memref_slice %arg12[%dma_start3A_447, %dma_start3A_449, %dma_start3A_450] : memref<2x128x128xf32, #tpu.memory_space<vmem>> -> memref<1x128x128xf32, #tpu.memory_space<vmem>>
      %dma_start3A_452 = tpu.memref_squeeze %dma_start3A_451 : memref<1x128x128xf32, #tpu.memory_space<vmem>> -> memref<128x128xf32, #tpu.memory_space<vmem>>
      %dma_start3A_453 = arith.constant 0 : i32
      %dma_start3A_454 = tpu.memref_slice %arg10[%dma_start3A_446, %scan3A_445, %dma_start3A_453] : memref<2x16x128xi32, #tpu.memory_space<vmem>> -> memref<1x1x128xi32, #tpu.memory_space<vmem>>
      %dma_start3A_455 = tpu.memref_squeeze %dma_start3A_454 : memref<1x1x128xi32, #tpu.memory_space<vmem>> -> memref<128xi32, #tpu.memory_space<vmem>>
      %dma_start3A_456 = arith.constant 0 : i32
      %dma_start3A_457 = arith.constant 0 : i32
      %dma_start3A_458 = tpu.memref_slice %arg4[%dma_start3A_456, %dma_start3A_457] : memref<10000x128xf32, #tpu.memory_space<hbm>> -> memref<10000x128xf32, #tpu.memory_space<hbm>>
      %dma_start3A_459 = tpu.memref_slice %arg17[%dma_start3A_448] : memref<2x!tpu.dma_semaphore, #tpu.memory_space<semaphore_mem>> -> memref<1x!tpu.dma_semaphore, #tpu.memory_space<semaphore_mem>>
      %dma_start3A_460 = tpu.memref_squeeze %dma_start3A_459 : memref<1x!tpu.dma_semaphore, #tpu.memory_space<semaphore_mem>> -> memref<!tpu.dma_semaphore, #tpu.memory_space<semaphore_mem>>
      tpu.enqueue_indirect_dma source(%dma_start3A_458 : memref<10000x128xf32, #tpu.memory_space<hbm>>) target(%dma_start3A_452 : memref<128x128xf32, #tpu.memory_space<vmem>>) offsets(%dma_start3A_455 : memref<128xi32, #tpu.memory_space<vmem>>) semaphore(%dma_start3A_460 : memref<!tpu.dma_semaphore, #tpu.memory_space<semaphore_mem>>)
      %dma_wait3A_461 = arith.constant 0 : i32
      %dma_wait3A_462 = arith.constant 0 : i32
      %dma_wait3A_463 = arith.constant 0 : i32
      %dma_wait3A_464 = arith.constant 0 : i32
      %dma_wait3A_465 = arith.constant 0 : i32
      %dma_wait3A_466 = arith.constant 0 : i32
      %dma_wait3A_467 = tpu.memref_slice %arg12[%dma_wait3A_463, %dma_wait3A_465, %dma_wait3A_466] : memref<2x128x128xf32, #tpu.memory_space<vmem>> -> memref<1x128x128xf32, #tpu.memory_space<vmem>>
      %dma_wait3A_468 = tpu.memref_squeeze %dma_wait3A_467 : memref<1x128x128xf32, #tpu.memory_space<vmem>> -> memref<128x128xf32, #tpu.memory_space<vmem>>
      %dma_wait3A_469 = arith.constant 0 : i32
      %dma_wait3A_470 = tpu.memref_slice %arg10[%dma_wait3A_461, %dma_wait3A_462, %dma_wait3A_469] : memref<2x16x128xi32, #tpu.memory_space<vmem>> -> memref<1x1x128xi32, #tpu.memory_space<vmem>>
      %dma_wait3A_471 = tpu.memref_squeeze %dma_wait3A_470 : memref<1x1x128xi32, #tpu.memory_space<vmem>> -> memref<128xi32, #tpu.memory_space<vmem>>
      %dma_wait3A_472 = arith.constant 0 : i32
      %dma_wait3A_473 = arith.constant 0 : i32
      %dma_wait3A_474 = tpu.memref_slice %arg4[%dma_wait3A_472, %dma_wait3A_473] : memref<10000x128xf32, #tpu.memory_space<hbm>> -> memref<10000x128xf32, #tpu.memory_space<hbm>>
      %dma_wait3A_475 = tpu.memref_slice %arg17[%dma_wait3A_464] : memref<2x!tpu.dma_semaphore, #tpu.memory_space<semaphore_mem>> -> memref<1x!tpu.dma_semaphore, #tpu.memory_space<semaphore_mem>>
      %dma_wait3A_476 = tpu.memref_squeeze %dma_wait3A_475 : memref<1x!tpu.dma_semaphore, #tpu.memory_space<semaphore_mem>> -> memref<!tpu.dma_semaphore, #tpu.memory_space<semaphore_mem>>
      tpu.wait_indirect_dma semaphore(%dma_wait3A_476 : memref<!tpu.dma_semaphore, #tpu.memory_space<semaphore_mem>>) src(%dma_wait3A_474 : memref<10000x128xf32, #tpu.memory_space<hbm>>) dst(%dma_wait3A_468 : memref<128x128xf32, #tpu.memory_space<vmem>>)
      %dma_start3A_477 = arith.constant 0 : i32
      %dma_start3A_478 = arith.constant 0 : i32
      %dma_start3A_479 = arith.constant 0 : i32
      %dma_start3A_480 = arith.constant 0 : i32
      %dma_start3A_481 = arith.constant 0 : i32
      %dma_start3A_482 = tpu.memref_slice %arg12[%dma_start3A_477, %dma_start3A_480, %dma_start3A_481] : memref<2x128x128xf32, #tpu.memory_space<vmem>> -> memref<1x128x128xf32, #tpu.memory_space<vmem>>
      %dma_start3A_483 = tpu.memref_squeeze %dma_start3A_482 : memref<1x128x128xf32, #tpu.memory_space<vmem>> -> memref<128x128xf32, #tpu.memory_space<vmem>>
      %dma_start3A_484 = arith.constant 0 : i32
      %dma_start3A_485 = tpu.memref_slice %arg11[%dma_start3A_478, %scan3A_445, %dma_start3A_484] : memref<2x16x128xi32, #tpu.memory_space<vmem>> -> memref<1x1x128xi32, #tpu.memory_space<vmem>>
      %dma_start3A_486 = tpu.memref_squeeze %dma_start3A_485 : memref<1x1x128xi32, #tpu.memory_space<vmem>> -> memref<128xi32, #tpu.memory_space<vmem>>
      %dma_start3A_487 = arith.constant 0 : i32
      %dma_start3A_488 = arith.constant 0 : i32
      %dma_start3A_489 = tpu.memref_slice %arg14[%dma_start3A_487, %dma_start3A_488] : memref<10240x128xf32, #tpu.memory_space<vmem_shared>> -> memref<10240x128xf32, #tpu.memory_space<vmem_shared>>
      %dma_start3A_490 = tpu.memref_slice %arg18[%dma_start3A_479] : memref<2x!tpu.dma_semaphore, #tpu.memory_space<semaphore_mem>> -> memref<1x!tpu.dma_semaphore, #tpu.memory_space<semaphore_mem>>
      %dma_start3A_491 = tpu.memref_squeeze %dma_start3A_490 : memref<1x!tpu.dma_semaphore, #tpu.memory_space<semaphore_mem>> -> memref<!tpu.dma_semaphore, #tpu.memory_space<semaphore_mem>>
      tpu.enqueue_indirect_dma source(%dma_start3A_483 : memref<128x128xf32, #tpu.memory_space<vmem>>) target(%dma_start3A_489 : memref<10240x128xf32, #tpu.memory_space<vmem_shared>>) offsets(%dma_start3A_486 : memref<128xi32, #tpu.memory_space<vmem>>) semaphore(%dma_start3A_491 : memref<!tpu.dma_semaphore, #tpu.memory_space<semaphore_mem>>) {add = true}
      %dma_wait3A_492 = arith.constant 0 : i32
      %dma_wait3A_493 = arith.constant 0 : i32
      %dma_wait3A_494 = arith.constant 0 : i32
      %dma_wait3A_495 = arith.constant 0 : i32
      %dma_wait3A_496 = arith.constant 0 : i32
      %dma_wait3A_497 = arith.constant 0 : i32
      %dma_wait3A_498 = tpu.memref_slice %arg12[%dma_wait3A_492, %dma_wait3A_496, %dma_wait3A_497] : memref<2x128x128xf32, #tpu.memory_space<vmem>> -> memref<1x128x128xf32, #tpu.memory_space<vmem>>
      %dma_wait3A_499 = tpu.memref_squeeze %dma_wait3A_498 : memref<1x128x128xf32, #tpu.memory_space<vmem>> -> memref<128x128xf32, #tpu.memory_space<vmem>>
      %dma_wait3A_500 = arith.constant 0 : i32
      %dma_wait3A_501 = tpu.memref_slice %arg11[%dma_wait3A_493, %dma_wait3A_494, %dma_wait3A_500] : memref<2x16x128xi32, #tpu.memory_space<vmem>> -> memref<1x1x128xi32, #tpu.memory_space<vmem>>
      %dma_wait3A_502 = tpu.memref_squeeze %dma_wait3A_501 : memref<1x1x128xi32, #tpu.memory_space<vmem>> -> memref<128xi32, #tpu.memory_space<vmem>>
      %dma_wait3A_503 = arith.constant 0 : i32
      %dma_wait3A_504 = arith.constant 0 : i32
      %dma_wait3A_505 = tpu.memref_slice %arg14[%dma_wait3A_503, %dma_wait3A_504] : memref<10240x128xf32, #tpu.memory_space<vmem_shared>> -> memref<10240x128xf32, #tpu.memory_space<vmem_shared>>
      %dma_wait3A_506 = tpu.memref_slice %arg18[%dma_wait3A_495] : memref<2x!tpu.dma_semaphore, #tpu.memory_space<semaphore_mem>> -> memref<1x!tpu.dma_semaphore, #tpu.memory_space<semaphore_mem>>
      %dma_wait3A_507 = tpu.memref_squeeze %dma_wait3A_506 : memref<1x!tpu.dma_semaphore, #tpu.memory_space<semaphore_mem>> -> memref<!tpu.dma_semaphore, #tpu.memory_space<semaphore_mem>>
      tpu.wait_indirect_dma semaphore(%dma_wait3A_507 : memref<!tpu.dma_semaphore, #tpu.memory_space<semaphore_mem>>) src(%dma_wait3A_499 : memref<128x128xf32, #tpu.memory_space<vmem>>) dst(%dma_wait3A_505 : memref<10240x128xf32, #tpu.memory_space<vmem_shared>>)
      %run_scoped3A = arith.constant 0 : i32
      "tpu.region"() ({
        %run_scoped3A_508 = tpu.sem_alloc : memref<!tpu.dma_semaphore, #tpu.memory_space<semaphore_mem>>
        %dma_start3A_509 = arith.constant 0 : i32
        %dma_start3A_510 = tpu.memref_slice %arg11[%run_scoped3A, %scan3A_445, %dma_start3A_509] : memref<2x16x128xi32, #tpu.memory_space<vmem>> -> memref<1x1x128xi32, #tpu.memory_space<vmem>>
        %dma_start3A_511 = tpu.memref_squeeze %dma_start3A_510 : memref<1x1x128xi32, #tpu.memory_space<vmem>> -> memref<128xi32, #tpu.memory_space<vmem>>
        %dma_start3A_512 = arith.constant 0 : i32
        %dma_start3A_513 = tpu.memref_slice %arg15[%dma_start3A_512] : memref<10240xf32, #tpu.memory_space<vmem_shared>> -> memref<10240xf32, #tpu.memory_space<vmem_shared>>
        tpu.enqueue_indirect_dma source(%arg13 : memref<128xf32, #tpu.memory_space<vmem>>) target(%dma_start3A_513 : memref<10240xf32, #tpu.memory_space<vmem_shared>>) offsets(%dma_start3A_511 : memref<128xi32, #tpu.memory_space<vmem>>) semaphore(%run_scoped3A_508 : memref<!tpu.dma_semaphore, #tpu.memory_space<semaphore_mem>>) {add = true}
        %dma_wait3A_514 = arith.constant 0 : i32
        %dma_wait3A_515 = tpu.memref_slice %arg11[%run_scoped3A, %scan3A_445, %dma_wait3A_514] : memref<2x16x128xi32, #tpu.memory_space<vmem>> -> memref<1x1x128xi32, #tpu.memory_space<vmem>>
        %dma_wait3A_516 = tpu.memref_squeeze %dma_wait3A_515 : memref<1x1x128xi32, #tpu.memory_space<vmem>> -> memref<128xi32, #tpu.memory_space<vmem>>
        %dma_wait3A_517 = arith.constant 0 : i32
        %dma_wait3A_518 = tpu.memref_slice %arg15[%dma_wait3A_517] : memref<10240xf32, #tpu.memory_space<vmem_shared>> -> memref<10240xf32, #tpu.memory_space<vmem_shared>>
        tpu.wait_indirect_dma semaphore(%run_scoped3A_508 : memref<!tpu.dma_semaphore, #tpu.memory_space<semaphore_mem>>) src(%arg13 : memref<128xf32, #tpu.memory_space<vmem>>) dst(%dma_wait3A_518 : memref<10240xf32, #tpu.memory_space<vmem_shared>>)
        tpu.yield
      }) : () -> ()
    }
    %scan3A_435 = arith.constant 16 : i32
    %barrier3A_436 = arith.constant 0 : index
    tpu.barrier barrier_id(%barrier3A_436)
    %mul3A_437 = arith.constant 640 : i32
    %mul3A_438 = arith.muli %arg1, %mul3A_437 : i32
    %mul3A_439 = arith.constant 640 : i32
    %mul3A_440 = arith.muli %arg1, %mul3A_439 : i32
    "tpu.region"() ({
      %run_scoped3A = tpu.sem_alloc : memref<!tpu.dma_semaphore, #tpu.memory_space<semaphore_mem>>
      %dma_start3A_445 = arith.constant 0 : i32
      %dma_start3A_446 = tpu.memref_slice %arg8[%arg0, %mul3A_440, %dma_start3A_445] : memref<2x10240x128xf32, #tpu.memory_space<hbm>> -> memref<1x640x128xf32, #tpu.memory_space<hbm>>
      %dma_start3A_447 = tpu.memref_squeeze %dma_start3A_446 : memref<1x640x128xf32, #tpu.memory_space<hbm>> -> memref<640x128xf32, #tpu.memory_space<hbm>>
      %dma_start3A_448 = arith.constant 0 : i32
      %dma_start3A_449 = tpu.memref_slice %arg14[%mul3A_438, %dma_start3A_448] : memref<10240x128xf32, #tpu.memory_space<vmem_shared>> -> memref<640x128xf32, #tpu.memory_space<vmem_shared>>
      tpu.enqueue_dma source(%dma_start3A_449 : memref<640x128xf32, #tpu.memory_space<vmem_shared>>) target(%dma_start3A_447 : memref<640x128xf32, #tpu.memory_space<hbm>>) target_semaphore(%run_scoped3A : memref<!tpu.dma_semaphore, #tpu.memory_space<semaphore_mem>>)
      %dma_wait3A_450 = arith.constant 0 : i32
      %dma_wait3A_451 = tpu.memref_slice %arg8[%arg0, %mul3A_440, %dma_wait3A_450] : memref<2x10240x128xf32, #tpu.memory_space<hbm>> -> memref<1x640x128xf32, #tpu.memory_space<hbm>>
      %dma_wait3A_452 = tpu.memref_squeeze %dma_wait3A_451 : memref<1x640x128xf32, #tpu.memory_space<hbm>> -> memref<640x128xf32, #tpu.memory_space<hbm>>
      %dma_wait3A_453 = arith.constant 0 : i32
      %dma_wait3A_454 = tpu.memref_slice %arg14[%mul3A_438, %dma_wait3A_453] : memref<10240x128xf32, #tpu.memory_space<vmem_shared>> -> memref<640x128xf32, #tpu.memory_space<vmem_shared>>
      tpu.wait_dma2 semaphore(%run_scoped3A : memref<!tpu.dma_semaphore, #tpu.memory_space<semaphore_mem>>) src(%dma_wait3A_454 : memref<640x128xf32, #tpu.memory_space<vmem_shared>>) dst(%dma_wait3A_452 : memref<640x128xf32, #tpu.memory_space<hbm>>)
      tpu.yield
    }) : () -> ()
    %mul3A_441 = arith.constant 640 : i32
    %mul3A_442 = arith.muli %arg1, %mul3A_441 : i32
    %mul3A_443 = arith.constant 640 : i32
    %mul3A_444 = arith.muli %arg1, %mul3A_443 : i32
    "tpu.region"() ({
      %run_scoped3A = tpu.sem_alloc : memref<!tpu.dma_semaphore, #tpu.memory_space<semaphore_mem>>
      %dma_start3A_445 = tpu.memref_slice %arg9[%arg0, %mul3A_444] : memref<2x10240xf32, #tpu.memory_space<hbm>> -> memref<1x640xf32, #tpu.memory_space<hbm>>
      %dma_start3A_446 = tpu.memref_squeeze %dma_start3A_445 : memref<1x640xf32, #tpu.memory_space<hbm>> -> memref<640xf32, #tpu.memory_space<hbm>>
      %dma_start3A_447 = tpu.memref_slice %arg15[%mul3A_442] : memref<10240xf32, #tpu.memory_space<vmem_shared>> -> memref<640xf32, #tpu.memory_space<vmem_shared>>
      tpu.enqueue_dma source(%dma_start3A_447 : memref<640xf32, #tpu.memory_space<vmem_shared>>) target(%dma_start3A_446 : memref<640xf32, #tpu.memory_space<hbm>>) target_semaphore(%run_scoped3A : memref<!tpu.dma_semaphore, #tpu.memory_space<semaphore_mem>>)
      %dma_wait3A_448 = tpu.memref_slice %arg9[%arg0, %mul3A_444] : memref<2x10240xf32, #tpu.memory_space<hbm>> -> memref<1x640xf32, #tpu.memory_space<hbm>>
      %dma_wait3A_449 = tpu.memref_squeeze %dma_wait3A_448 : memref<1x640xf32, #tpu.memory_space<hbm>> -> memref<640xf32, #tpu.memory_space<hbm>>
      %dma_wait3A_450 = tpu.memref_slice %arg15[%mul3A_442] : memref<10240xf32, #tpu.memory_space<vmem_shared>> -> memref<640xf32, #tpu.memory_space<vmem_shared>>
      tpu.wait_dma2 semaphore(%run_scoped3A : memref<!tpu.dma_semaphore, #tpu.memory_space<semaphore_mem>>) src(%dma_wait3A_450 : memref<640xf32, #tpu.memory_space<vmem_shared>>) dst(%dma_wait3A_449 : memref<640xf32, #tpu.memory_space<hbm>>)
      tpu.yield
    }) : () -> ()
    return
  }
}

module attributes {stable_mosaic.version = 14 : i64} {
  func.func @_layer1_body(%arg0: i32, %arg1: memref<2x1000x128xf32, #tpu.memory_space<vmem>>, %arg2: memref<2x1000x1xf32, #tpu.memory_space<vmem>>, %arg3: memref<1000x128xf32, #tpu.memory_space<vmem>>, %arg4: memref<128x128xf32, #tpu.memory_space<vmem>>, %arg5: memref<1x128xf32, #tpu.memory_space<vmem>>, %arg6: memref<128x128xf32, #tpu.memory_space<vmem>>, %arg7: memref<1000x128xf32, #tpu.memory_space<vmem>>) attributes {dimension_semantics = [#tpu.dimension_semantics<arbitrary>], iteration_bounds = array<i64: 10>, scalar_prefetch = 0 : i64, scratch_operands = 0 : i64, tpu.core_type = #tpu.core_type<tc>, window_params = [{transform_indices = @transform_0, window_bounds = array<i64: 2, 1000, 128>}, {transform_indices = @transform_1, window_bounds = array<i64: 2, 1000, 1>}, {transform_indices = @transform_2, window_bounds = array<i64: 1000, 128>}, {pipeline_mode = #tpu.pipeline_mode<synchronous>, transform_indices = @transform_3, window_bounds = array<i64: 128, 128>}, {pipeline_mode = #tpu.pipeline_mode<synchronous>, transform_indices = @transform_4, window_bounds = array<i64: 1, 128>}, {pipeline_mode = #tpu.pipeline_mode<synchronous>, transform_indices = @transform_5, window_bounds = array<i64: 128, 128>}, {transform_indices = @transform_6, window_bounds = array<i64: 1000, 128>}]} {
    %get3A = arith.constant 0 : index
    %get3A_0 = arith.constant 0 : index
    %get3A_1 = arith.constant 0 : index
    %get3A_2 = vector.load %arg1[%get3A, %get3A_0, %get3A_1] : memref<2x1000x128xf32, #tpu.memory_space<vmem>>, vector<1x1000x128xf32>
    %get3A_3 = vector.shape_cast %get3A_2 : vector<1x1000x128xf32> to vector<1000x128xf32>
    %get3A_4 = arith.constant 1 : index
    %get3A_5 = arith.constant 0 : index
    %get3A_6 = arith.constant 0 : index
    %get3A_7 = vector.load %arg1[%get3A_4, %get3A_5, %get3A_6] : memref<2x1000x128xf32, #tpu.memory_space<vmem>>, vector<1x1000x128xf32>
    %get3A_8 = vector.shape_cast %get3A_7 : vector<1x1000x128xf32> to vector<1000x128xf32>
    %add3A = arith.addf %get3A_3, %get3A_8 : vector<1000x128xf32>
    %get3A_9 = arith.constant 0 : index
    %get3A_10 = arith.constant 0 : index
    %get3A_11 = arith.constant 0 : index
    %get3A_12 = vector.load %arg2[%get3A_9, %get3A_10, %get3A_11] : memref<2x1000x1xf32, #tpu.memory_space<vmem>>, vector<1x1000x1xf32>
    %get3A_13 = vector.shape_cast %get3A_12 : vector<1x1000x1xf32> to vector<1000x1xf32>
    %get3A_14 = arith.constant 1 : index
    %get3A_15 = arith.constant 0 : index
    %get3A_16 = arith.constant 0 : index
    %get3A_17 = vector.load %arg2[%get3A_14, %get3A_15, %get3A_16] : memref<2x1000x1xf32, #tpu.memory_space<vmem>>, vector<1x1000x1xf32>
    %get3A_18 = vector.shape_cast %get3A_17 : vector<1x1000x1xf32> to vector<1000x1xf32>
    %add3A_19 = arith.addf %get3A_13, %get3A_18 : vector<1000x1xf32>
    %max3A = arith.constant 1.000000e+00 : f32
    %max3A_20 = vector.broadcast %max3A : f32 to vector<1000x1xf32>
    %max3A_21 = arith.maximumf %add3A_19, %max3A_20 : vector<1000x1xf32>
    %div3A = vector.broadcast %max3A_21 : vector<1000x1xf32> to vector<1000x128xf32>
    %div3A_22 = arith.divf %add3A, %div3A : vector<1000x128xf32>
    %get3A_23 = arith.constant 0 : index
    %get3A_24 = arith.constant 0 : index
    %get3A_25 = vector.load %arg4[%get3A_23, %get3A_24] : memref<128x128xf32, #tpu.memory_space<vmem>>, vector<128x128xf32>
    %dot_general3A = arith.constant dense<0.000000e+00> : vector<1000x128xf32>
    %dot_general3A_26 = tpu.matmul %div3A_22, %get3A_25, %dot_general3A {dimension_numbers = #tpu.dot_dimension_numbers<[1], [0], [0], [1], [0, 0, 1, 1], [], []>, transpose_lhs_hint = false} : vector<1000x128xf32>, vector<128x128xf32>, vector<1000x128xf32> -> vector<1000x128xf32>
    %get3A_27 = arith.constant 0 : index
    %get3A_28 = arith.constant 0 : index
    %get3A_29 = vector.load %arg5[%get3A_27, %get3A_28] : memref<1x128xf32, #tpu.memory_space<vmem>>, vector<1x128xf32>
    %add3A_30 = vector.broadcast %get3A_29 : vector<1x128xf32> to vector<1000x128xf32>
    %add3A_31 = arith.addf %dot_general3A_26, %add3A_30 : vector<1000x128xf32>
    %get3A_32 = arith.constant 0 : index
    %get3A_33 = arith.constant 0 : index
    %get3A_34 = vector.load %arg3[%get3A_32, %get3A_33] : memref<1000x128xf32, #tpu.memory_space<vmem>>, vector<1000x128xf32>
    %get3A_35 = arith.constant 0 : index
    %get3A_36 = arith.constant 0 : index
    %get3A_37 = vector.load %arg6[%get3A_35, %get3A_36] : memref<128x128xf32, #tpu.memory_space<vmem>>, vector<128x128xf32>
    %dot_general3A_38 = arith.constant dense<0.000000e+00> : vector<1000x128xf32>
    %dot_general3A_39 = tpu.matmul %get3A_34, %get3A_37, %dot_general3A_38 {dimension_numbers = #tpu.dot_dimension_numbers<[1], [0], [0], [1], [0, 0, 1, 1], [], []>, transpose_lhs_hint = false} : vector<1000x128xf32>, vector<128x128xf32>, vector<1000x128xf32> -> vector<1000x128xf32>
    %add3A_40 = arith.addf %add3A_31, %dot_general3A_39 : vector<1000x128xf32>
    %swap3A = arith.constant 0 : index
    %swap3A_41 = arith.constant 0 : index
    %swap3A_42 = vector.load %arg7[%swap3A, %swap3A_41] : memref<1000x128xf32, #tpu.memory_space<vmem>>, vector<1000x128xf32>
    tpu.vector_store %arg7[%swap3A, %swap3A_41], %add3A_40 {strides = array<i32>} : memref<1000x128xf32, #tpu.memory_space<vmem>>, vector<1000x128xf32>,
    return
  }
  func.func @transform_0(%arg0: i32) -> (i32, i32, i32) {
    %c0_i32 = arith.constant 0 : i32
    %c0_i32_0 = arith.constant 0 : i32
    %c0_i32_1 = arith.constant 0 : i32
    return %c0_i32, %arg0, %c0_i32_0 : i32, i32, i32
  }
  func.func @transform_1(%arg0: i32) -> (i32, i32, i32) {
    %c0_i32 = arith.constant 0 : i32
    %c0_i32_0 = arith.constant 0 : i32
    %c0_i32_1 = arith.constant 0 : i32
    return %c0_i32, %arg0, %c0_i32_0 : i32, i32, i32
  }
  func.func @transform_2(%arg0: i32) -> (i32, i32) {
    %c0_i32 = arith.constant 0 : i32
    %c0_i32_0 = arith.constant 0 : i32
    return %arg0, %c0_i32 : i32, i32
  }
  func.func @transform_3(%arg0: i32) -> (i32, i32) {
    %c0_i32 = arith.constant 0 : i32
    %c0_i32_0 = arith.constant 0 : i32
    %c0_i32_1 = arith.constant 0 : i32
    return %c0_i32, %c0_i32_0 : i32, i32
  }
  func.func @transform_4(%arg0: i32) -> (i32, i32) {
    %c0_i32 = arith.constant 0 : i32
    %c0_i32_0 = arith.constant 0 : i32
    %c0_i32_1 = arith.constant 0 : i32
    return %c0_i32, %c0_i32_0 : i32, i32
  }
  func.func @transform_5(%arg0: i32) -> (i32, i32) {
    %c0_i32 = arith.constant 0 : i32
    %c0_i32_0 = arith.constant 0 : i32
    %c0_i32_1 = arith.constant 0 : i32
    return %c0_i32, %c0_i32_0 : i32, i32
  }
  func.func @transform_6(%arg0: i32) -> (i32, i32) {
    %c0_i32 = arith.constant 0 : i32
    %c0_i32_0 = arith.constant 0 : i32
    return %arg0, %c0_i32 : i32, i32
  }
}

module attributes {stable_mosaic.version = 14 : i64} {
  func.func @_layer2_body(%arg0: i32, %arg1: memref<2x1000x128xf32, #tpu.memory_space<vmem>>, %arg2: memref<2x1000x1xf32, #tpu.memory_space<vmem>>, %arg3: memref<1000x128xf32, #tpu.memory_space<vmem>>, %arg4: memref<128x40xf32, #tpu.memory_space<vmem>>, %arg5: memref<128x40xf32, #tpu.memory_space<vmem>>, %arg6: memref<1x40xf32, #tpu.memory_space<vmem>>, %arg7: memref<1000x40xf32, #tpu.memory_space<vmem>>) attributes {dimension_semantics = [#tpu.dimension_semantics<arbitrary>], iteration_bounds = array<i64: 10>, scalar_prefetch = 0 : i64, scratch_operands = 0 : i64, tpu.core_type = #tpu.core_type<tc>, window_params = [{transform_indices = @transform_0, window_bounds = array<i64: 2, 1000, 128>}, {transform_indices = @transform_1, window_bounds = array<i64: 2, 1000, 1>}, {transform_indices = @transform_2, window_bounds = array<i64: 1000, 128>}, {pipeline_mode = #tpu.pipeline_mode<synchronous>, transform_indices = @transform_3, window_bounds = array<i64: 128, 40>}, {pipeline_mode = #tpu.pipeline_mode<synchronous>, transform_indices = @transform_4, window_bounds = array<i64: 128, 40>}, {pipeline_mode = #tpu.pipeline_mode<synchronous>, transform_indices = @transform_5, window_bounds = array<i64: 1, 40>}, {transform_indices = @transform_6, window_bounds = array<i64: 1000, 40>}]} {
    %get3A = arith.constant 0 : index
    %get3A_0 = arith.constant 0 : index
    %get3A_1 = arith.constant 0 : index
    %get3A_2 = vector.load %arg1[%get3A, %get3A_0, %get3A_1] : memref<2x1000x128xf32, #tpu.memory_space<vmem>>, vector<1x1000x128xf32>
    %get3A_3 = vector.shape_cast %get3A_2 : vector<1x1000x128xf32> to vector<1000x128xf32>
    %get3A_4 = arith.constant 1 : index
    %get3A_5 = arith.constant 0 : index
    %get3A_6 = arith.constant 0 : index
    %get3A_7 = vector.load %arg1[%get3A_4, %get3A_5, %get3A_6] : memref<2x1000x128xf32, #tpu.memory_space<vmem>>, vector<1x1000x128xf32>
    %get3A_8 = vector.shape_cast %get3A_7 : vector<1x1000x128xf32> to vector<1000x128xf32>
    %add3A = arith.addf %get3A_3, %get3A_8 : vector<1000x128xf32>
    %get3A_9 = arith.constant 0 : index
    %get3A_10 = arith.constant 0 : index
    %get3A_11 = arith.constant 0 : index
    %get3A_12 = vector.load %arg2[%get3A_9, %get3A_10, %get3A_11] : memref<2x1000x1xf32, #tpu.memory_space<vmem>>, vector<1x1000x1xf32>
    %get3A_13 = vector.shape_cast %get3A_12 : vector<1x1000x1xf32> to vector<1000x1xf32>
    %get3A_14 = arith.constant 1 : index
    %get3A_15 = arith.constant 0 : index
    %get3A_16 = arith.constant 0 : index
    %get3A_17 = vector.load %arg2[%get3A_14, %get3A_15, %get3A_16] : memref<2x1000x1xf32, #tpu.memory_space<vmem>>, vector<1x1000x1xf32>
    %get3A_18 = vector.shape_cast %get3A_17 : vector<1x1000x1xf32> to vector<1000x1xf32>
    %add3A_19 = arith.addf %get3A_13, %get3A_18 : vector<1000x1xf32>
    %max3A = arith.constant 1.000000e+00 : f32
    %max3A_20 = vector.broadcast %max3A : f32 to vector<1000x1xf32>
    %max3A_21 = arith.maximumf %add3A_19, %max3A_20 : vector<1000x1xf32>
    %div3A = vector.broadcast %max3A_21 : vector<1000x1xf32> to vector<1000x128xf32>
    %div3A_22 = arith.divf %add3A, %div3A : vector<1000x128xf32>
    %get3A_23 = arith.constant 0 : index
    %get3A_24 = arith.constant 0 : index
    %get3A_25 = vector.load %arg4[%get3A_23, %get3A_24] : memref<128x40xf32, #tpu.memory_space<vmem>>, vector<128x40xf32>
    %dot_general3A = arith.constant dense<0.000000e+00> : vector<1000x40xf32>
    %dot_general3A_26 = tpu.matmul %div3A_22, %get3A_25, %dot_general3A {dimension_numbers = #tpu.dot_dimension_numbers<[1], [0], [0], [1], [0, 0, 1, 1], [], []>, transpose_lhs_hint = false} : vector<1000x128xf32>, vector<128x40xf32>, vector<1000x40xf32> -> vector<1000x40xf32>
    %get3A_27 = arith.constant 0 : index
    %get3A_28 = arith.constant 0 : index
    %get3A_29 = vector.load %arg6[%get3A_27, %get3A_28] : memref<1x40xf32, #tpu.memory_space<vmem>>, vector<1x40xf32>
    %add3A_30 = vector.broadcast %get3A_29 : vector<1x40xf32> to vector<1000x40xf32>
    %add3A_31 = arith.addf %dot_general3A_26, %add3A_30 : vector<1000x40xf32>
    %get3A_32 = arith.constant 0 : index
    %get3A_33 = arith.constant 0 : index
    %get3A_34 = vector.load %arg3[%get3A_32, %get3A_33] : memref<1000x128xf32, #tpu.memory_space<vmem>>, vector<1000x128xf32>
    %get3A_35 = arith.constant 0 : index
    %get3A_36 = arith.constant 0 : index
    %get3A_37 = vector.load %arg5[%get3A_35, %get3A_36] : memref<128x40xf32, #tpu.memory_space<vmem>>, vector<128x40xf32>
    %dot_general3A_38 = arith.constant dense<0.000000e+00> : vector<1000x40xf32>
    %dot_general3A_39 = tpu.matmul %get3A_34, %get3A_37, %dot_general3A_38 {dimension_numbers = #tpu.dot_dimension_numbers<[1], [0], [0], [1], [0, 0, 1, 1], [], []>, transpose_lhs_hint = false} : vector<1000x128xf32>, vector<128x40xf32>, vector<1000x40xf32> -> vector<1000x40xf32>
    %add3A_40 = arith.addf %add3A_31, %dot_general3A_39 : vector<1000x40xf32>
    %swap3A = arith.constant 0 : index
    %swap3A_41 = arith.constant 0 : index
    %swap3A_42 = vector.load %arg7[%swap3A, %swap3A_41] : memref<1000x40xf32, #tpu.memory_space<vmem>>, vector<1000x40xf32>
    tpu.vector_store %arg7[%swap3A, %swap3A_41], %add3A_40 {strides = array<i32>} : memref<1000x40xf32, #tpu.memory_space<vmem>>, vector<1000x40xf32>,
    return
  }
  func.func @transform_0(%arg0: i32) -> (i32, i32, i32) {
    %c0_i32 = arith.constant 0 : i32
    %c0_i32_0 = arith.constant 0 : i32
    %c0_i32_1 = arith.constant 0 : i32
    return %c0_i32, %arg0, %c0_i32_0 : i32, i32, i32
  }
  func.func @transform_1(%arg0: i32) -> (i32, i32, i32) {
    %c0_i32 = arith.constant 0 : i32
    %c0_i32_0 = arith.constant 0 : i32
    %c0_i32_1 = arith.constant 0 : i32
    return %c0_i32, %arg0, %c0_i32_0 : i32, i32, i32
  }
  func.func @transform_2(%arg0: i32) -> (i32, i32) {
    %c0_i32 = arith.constant 0 : i32
    %c0_i32_0 = arith.constant 0 : i32
    return %arg0, %c0_i32 : i32, i32
  }
  func.func @transform_3(%arg0: i32) -> (i32, i32) {
    %c0_i32 = arith.constant 0 : i32
    %c0_i32_0 = arith.constant 0 : i32
    %c0_i32_1 = arith.constant 0 : i32
    return %c0_i32, %c0_i32_0 : i32, i32
  }
  func.func @transform_4(%arg0: i32) -> (i32, i32) {
    %c0_i32 = arith.constant 0 : i32
    %c0_i32_0 = arith.constant 0 : i32
    %c0_i32_1 = arith.constant 0 : i32
    return %c0_i32, %c0_i32_0 : i32, i32
  }
  func.func @transform_5(%arg0: i32) -> (i32, i32) {
    %c0_i32 = arith.constant 0 : i32
    %c0_i32_0 = arith.constant 0 : i32
    %c0_i32_1 = arith.constant 0 : i32
    return %c0_i32, %c0_i32_0 : i32, i32
  }
  func.func @transform_6(%arg0: i32) -> (i32, i32) {
    %c0_i32 = arith.constant 0 : i32
    %c0_i32_0 = arith.constant 0 : i32
    return %arg0, %c0_i32 : i32, i32
  }
}

</mosaic_0001>

<sc_bundles>
// kernel: kernel.6.cloned.1.call-start
scs
__scs_entry_jumppad:
0x0: {  	(pc) =	sbr.rel $0x88, $3  }
0x1: {  	(tag) =	ssettag $0x0;
	lr =	simm.s32 $0x1  }
0x2: {  	[smem:$0x3F99] =	sst lr;
	_ =	strace $0xD0000000  }
0x3: {  	_ = 	snop  }
0x4: {  	_ = 	snop  }
0x5: {  	_ = 	snop  }
0x6: {  	_ = 	snop  }
0x7: {  	_ = 	snop  }
__scs_overlays_trampoline_lowered:
0x8: {  	[smem:$0x3FA8] =	sst s0  }
0x9: {  	[smem:$0x3FA9] =	sst s1  }
0xa: {  	[smem:$0x3FAA] =	sst s2  }
0xb: {  	[smem:$0x3FAB] =	sst s3  }
0xc: {  	[smem:$0x3FAC] =	sst s4  }
0xd: {  	[smem:$0x3FAD] =	sst s5  }
0xe: {  	[smem:$0x3FAE] =	sst s6  }
0xf: {  	[smem:$0x3FAF] =	sst s7  }
0x10: {  	[smem:$0x3FB0] =	sst s8  }
0x11: {  	[smem:$0x3FB1] =	sst s9;
	s0 =	simm.s32 @!p0 $0x0  }
0x12: {  	s1 =	sld [smem:$0x3F97];
	s0 =	simm.s32 @p0 $0x1  }
0x13: {  	[smem:$0x3FB2] =	sst s0;
	s0 =	simm.s32 @!p1 $0x0  }
0x14: {  	s2 =	sld [smem:$0x3F96];
	s0 =	simm.s32 @p1 $0x1  }
0x15: {  	[smem:$0x3FB3] =	sst s0;
	s0 =	simm.s32 @!p2 $0x0  }
0x16: {  	s3 =	sld [smem:$0x3FDB];
	s0 =	simm.s32 @p2 $0x1  }
0x17: {  	s4 =	simm.s32 $0x1BF5;
	[smem:$0x3FB5] =	sst s0  }
0x18: {  	s0 =	sld [smem:$0x3F98];
	_ =	swait.ge [sflag:s4], $0x0  }
0x19: {  	s7 =	sld [smem:$0x3F99]  }
0x1a: {  	s8 =	sadd.s32 $0xFFFFE003, lr  }
0x1b: {  	s9 =	sadd.s32 $0xFFFFFEF7, lr;
	s5 =	simm.s32 $0xFFFFFFFF;
	p2 =	slt.u32 s8, $0xFFFFF086  }
0x1c: {  	p1 =	slt.u32 s9, $0xF7A;
	s5 =	simm.s32 @!p2 $0x0  }
0x1d: {  	s5 =	simm.s32 @p1 $0x1;
	p0 =	seq.s32 s7, s2  }
0x1e: {  	s7 =	smul.u32 @!p0 $0xF7A, s2;
	p2 =	seq.s32 @!p0 s5, $0x0  }
0x1f: {  	s9 =	smul.u32 $0xF7A, s1;
	s8 =	simm.s32 @!p0 $0x1BF5;
	p2 =	por !p2, p0  }
0x20: {  	[sflag:s8] =	ssyncset.s32 @!p0 $0xFFFFF086;
	s6 =	sadd.s32 @!p0 s3, s7;
	s7 =	simm.s32 @!p0 $0x108  }
0x21: {  	s3 =	sadd.s32 s3, s9;
	s6 =	sadd.s32 @!p0 $0x88, s6;
	s7 =	simm.s32 @p2 $0x1082  }
0x22: {  	[simem:s7], [sflag:s8] =	dma.local @!p0 [hbm:s6], $0xF7A  }
0x23: {  	s9 =	sor.u32 $0xD0000000, s2;
	s6 =	simm.s32 $0x108;
	_ =	swait.ge @!p0 [sflag:s8], $0x0  }
0x24: {  	s3 =	sadd.s32 $0x88, s3;
	s6 =	simm.s32 @!p1 $0x1082;
	[sflag:s4] =	ssyncset.s32 $0xFFFFF086  }
0x25: {  	[simem:s6], [sflag:s4] =	dma.local [hbm:s3], $0xF7A  }
0x26: {  	[smem:$0x3F99] =	sst s1;
	(tag) =	ssettag s2;
	_ =	strace s9  }
0x27: {  	s1 =	sld [smem:$0x3FA9]  }
0x28: {  	s2 =	sld [smem:$0x3FAA]  }
0x29: {  	s4 =	sld [smem:$0x3FAC]  }
0x2a: {  	p0 =	seq.s32 s5, $0x0;
	s5 =	sld [smem:$0x3FAD]  }
0x2b: {  	s6 =	sld [smem:$0x3FAE]  }
0x2c: {  	s7 =	sld [smem:$0x3FAF]  }
0x2d: {  	s3 =	simm.s32 $0x108;
	s8 =	sld [smem:$0x3FB0]  }
0x2e: {  	s3 =	simm.s32 @!p0 $0x1082;
	s9 =	sld [smem:$0x3FB1]  }
0x2f: {  	lr =	sadd.s32 s0, s3;
	s0 =	sld [smem:$0x3FA8]  }
0x30: {  	s3 =	sld [smem:$0x3FAB]  }
0x31: {  	[smem:$0x3FB4] =	sst s10  }
0x32: {  	s10 =	sld [smem:$0x3FB2];
	_ =	sdelay $0x3  }
0x33: {  	p0 =	seq.s32 s10, $0x1;
	s10 =	sld [smem:$0x3FB4];
	_ =	sdelay $0x3  }
0x34: {  	[smem:$0x3FB4] =	sst s10  }
0x35: {  	s10 =	sld [smem:$0x3FB3];
	_ =	sdelay $0x3  }
0x36: {  	p1 =	seq.s32 s10, $0x1;
	s10 =	sld [smem:$0x3FB4];
	_ =	sdelay $0x3  }
0x37: {  	[smem:$0x3FB4] =	sst s10  }
0x38: {  	s10 =	sld [smem:$0x3FB5]  }
0x39: {  	_ = 	snop;
	(pc) =	sbr.ind lr, $3  }
0x3a: {  	_ = 	snop  }
0x3b: {  	_ = 	snop  }
0x3c: {  	p2 =	seq.s32 s10, $0x1;
	s10 =	sld [smem:$0x3FB4]  }
0x3d: {  	_ =	shalt  }
0x3e: {  	_ =	shalt  }
0x3f: {  	_ =	shalt  }
0x40: {  	_ =	shalt  }
0x41: {  	_ =	shalt  }
0x42: {  	_ =	shalt  }
0x43: {  	_ =	shalt  }
0x44: {  	_ =	shalt  }
0x45: {  	_ =	shalt  }
0x46: {  	_ =	shalt  }
0x47: {  	_ =	shalt  }
0x48: {  	_ =	shalt  }
0x49: {  	_ =	shalt  }
0x4a: {  	_ =	shalt  }
0x4b: {  	_ =	shalt  }
0x4c: {  	_ =	shalt  }
0x4d: {  	_ =	shalt  }
0x4e: {  	_ =	shalt  }
0x4f: {  	_ =	shalt  }
0x50: {  	_ =	shalt  }
0x51: {  	_ =	shalt  }
0x52: {  	_ =	shalt  }
0x53: {  	_ =	shalt  }
0x54: {  	_ =	shalt  }
0x55: {  	_ =	shalt  }
0x56: {  	_ =	shalt  }
0x57: {  	_ =	shalt  }
0x58: {  	_ =	shalt  }
0x59: {  	_ =	shalt  }
0x5a: {  	_ =	shalt  }
0x5b: {  	_ =	shalt  }
0x5c: {  	_ =	shalt  }
0x5d: {  	_ =	shalt  }
0x5e: {  	_ =	shalt  }
0x5f: {  	_ =	shalt  }
0x60: {  	_ =	shalt  }
0x61: {  	_ =	shalt  }
0x62: {  	_ =	shalt  }
0x63: {  	_ =	shalt  }
0x64: {  	_ =	shalt  }
0x65: {  	_ =	shalt  }
0x66: {  	_ =	shalt  }
0x67: {  	_ =	shalt  }
0x68: {  	_ =	shalt  }
0x69: {  	_ =	shalt  }
0x6a: {  	_ =	shalt  }
0x6b: {  	_ =	shalt  }
0x6c: {  	_ =	shalt  }
0x6d: {  	_ =	shalt  }
0x6e: {  	_ =	shalt  }
0x6f: {  	_ =	shalt  }
0x70: {  	_ =	shalt  }
0x71: {  	_ =	shalt  }
0x72: {  	_ =	shalt  }
0x73: {  	_ =	shalt  }
0x74: {  	_ =	shalt  }
0x75: {  	_ =	shalt  }
0x76: {  	_ =	shalt  }
0x77: {  	_ =	shalt  }
0x78: {  	_ =	shalt  }
0x79: {  	_ =	shalt  }
0x7a: {  	_ =	shalt  }
0x7b: {  	_ =	shalt  }
0x7c: {  	_ =	shalt  }
0x7d: {  	_ =	shalt  }
0x7e: {  	_ =	shalt  }
0x7f: {  	_ =	shalt  }
0x80: {  	_ =	shalt  }
0x81: {  	_ =	shalt  }
0x82: {  	_ =	shalt  }
0x83: {  	_ =	shalt  }
0x84: {  	_ =	shalt  }
0x85: {  	_ =	shalt  }
0x86: {  	_ =	shalt  }
0x87: {  	_ =	shalt  }
.Lfunc_end0:
.L_simem_size_0:
called_computation_lowered:
.L_overlay_start_0:
0x88: {  	s2 =	sld [smem:$0x3FD9]  }
0x89: {  	s3 =	sld [smem:$0x3FFE];
	_ =	sdelay $0x1  }
0x8a: {  	s1 =	srdreg.scid  }
0x8b: {  	s0 =	sand.u32 $0x1, s1  }
0x8c: {  	s17 =	sshll.u32 s0, $0xA;
	s2 =	sadd.s32 s3, s2  }
0x8d: {  	s2 =	sadd.s32 s2, s17  }
0x8e: {  	[smem:$0x3FC0] =	sst s2  }
0x8f: {  	_ = 	snop  }
0x90: {  	s2 =	sld [smem:$0x3FC8]  }
0x91: {  	s18 =	sld [smem:$0x3FD0];
	(tm) =	ssettm $0x1  }
0x92: {  	s4 =	sld [smem:$0x3FFB];
	_ =	sdelay $0x3  }
0x93: {  	_ =	strace s4  }
0x94: {  	s4 =	sld [smem:$0x3FFC];
	_ =	sdelay $0x3  }
0x95: {  	_ =	strace s4  }
0x96: {  	s4 =	sld [smem:$0x3FFD];
	_ =	sdelay $0x3  }
0x97: {  	_ =	strace s4  }
0x98: {  	_ =	strace $0x8FFFFFFF  }
0x99: {  	s19 =	sld [smem:$0x3FDB];
	_ =	sdelay $0x1  }
0x9a: {  	s5 =	simm.s32 $_scs_section_size  }
0x9b: {  	s6 =	simm.s32 $_size__tile_overlayer_lowered;
	s7 =	simm.s32 $_tile_overlayer_lowered  }
0x9c: {  	s22 =	simm.s32 $0x1BFF;
	s21 =	sshll.u32 s7, $0x1;
	s4 =	sadd.s32 s5, s19  }
0x9d: {  	s8 =	simm.s32 $0x0;
	s20 =	sshll.u32 s6, $0x1;
	s6 =	sadd.s32 s21, s4  }
0x9e: {  	[timem:s8], [sflag:s22] =	dma.local [hbm:s6], s20  }
0x9f: {  	_ =	swait.ge [sflag:s22], s20  }
0xa0: {  	s5 =	ssub.s32 $0x0, s20;
	[sflag:s22] =	ssyncset.done $0x0  }
0xa1: {  	[sflag:s22] =	ssyncadd.s32 s5;
	_ =	sdelay $0x1  }
0xa2: {  	s23 =	simm.s32 $0x1B8B  }
0xa3: {  	_ =	swait.ge [sflag:s23], $0x1  }
0xa4: {  	[sflag:s23] =	ssyncset.done $0x0  }
0xa5: {  	s25 =	simm.s32 $0x1B8E;
	s24 =	sld [smem:$0x3FFE];
	[sflag:s23] =	ssyncadd.s32 $0xFFFFFFFF  }
0xa6: {  	s26 =	simm.s32 $execute0_lowered;
	[smem:$0x3FD2] =	sst s25  }
0xa7: {  	s6 =	sshll.u32 s26, $0x1;
	_ =	strace $0x80000046;
	[dreg:$0x1] =	wrdreg $0xFFFFFFFF  }
0xa8: {  	s28 =	simm.s32 $_size_execute0_lowered;
	s4 =	sadd.s32 s4, s6;
	[dreg:$0x0] =	wrdreg $0x0  }
0xa9: {  	s6 =	sshll.u32 s28, $0x1;
	[dreg:$0x2] =	wrdreg s4  }
0xaa: {  	[dreg:$0x3] =	wrdreg s6  }
0xab: {  	[dreg:$0x4] =	wrdreg $0xC0  }
0xac: {  	_ =	task [dreg:s8], $0x5FFFF  }
0xad: {  	[dreg:$0x1] =	wrdreg $0xFFFFFFFF  }
0xae: {  	[dreg:$0x0] =	wrdreg $0x60  }
0xaf: {  	[dreg:$0x2] =	wrdreg s18  }
0xb0: {  	[dreg:$0x3] =	wrdreg s24  }
0xb1: {  	[dreg:$0x4] =	wrdreg s2  }
0xb2: {  	[dreg:$0x5] =	wrdreg $0xA0800  }
0xb3: {  	[dreg:$0x6] =	wrdreg $0x1E0800  }
0xb4: {  	[dreg:$0x7] =	wrdreg $0x9  }
0xb5: {  	_ =	task.clear_ibuf [dreg:s8], $0x8FFFF;
	_ =	strace $0x90000046  }
0xb6: {  	s29 =	simm.s32 $0x9;
	_ =	strace $0x80000048  }
0xb7: {  	_ =	swait.ge [sflag:s29], $0x1  }
0xb8: {  	[sflag:s29] =	ssyncadd.s32 $0xFFFFFFFF  }
0xb9: {  	_ =	strace $0x90000048  }
0xba: {  	_ =	sfence  }
0xbb: {  	s30 =	sld [smem:$0x0];
	_ =	sdelay $0x2  }
0xbc: {  	s31 =	sshll.u32 s1, $0xD;
	s1 =	sshrl.u32 s1, $0x2  }
0xbd: {  	s3 =	sand.u32 $0x4000, s31;
	s1 =	sadd.s32 s1, s30  }
0xbe: {  	s0 =	sor.u32 s3, s0;
	s1 =	sshll.u32 s1, $0x11  }
0xbf: {  	s0 =	sor.u32 s1, s0  }
0xc0: {  	s0 =	sadd.s32 $0x8F2B, s0  }
0xc1: {  	[sflag:s0] =	ssyncadd.remote.s32 $0x1  }
0xc2: {  	_ =	sfence.sel $0xFFFF  }
0xc3: {  	[dreg:$0x0] =	wrdreg $0xFFFFFFFF;
	(pc) =	sbr.abs _section_cstart, $3  }
0xc4: {  	[dreg:$0x1] =	wrdreg $0xFFFFFFFF  }
0xc5: {  	_ =	task.clear_ibuf [dreg:s8], $0x2FFFF;
	_ =	strace $0x9FFFFFFF  }
0xc6: {  	(tm) =	ssettm $0x7FFFFFFF  }
0xc7: {  	_ =	shalt  }
tec
execute0_lowered:
.L_overlay_start_1:
0x0: {  	(tag) =	ssettag $0x1  }
0x1: {  	s0 =	rddreg [dreg:$0x0]  }
0x2: {  	s1 =	rddreg [dreg:$0x1]  }
0x3: {  	s2 =	rddreg [dreg:$0x2]  }
0x4: {  	s3 =	rddreg [dreg:$0x3]  }
0x5: {  	s4 =	rddreg [dreg:$0x4]  }
0x6: {  	s15 =	stileid.u32;
	s7 =	srdreg.scid;
	s5 =	simm.s32 $0x0  }
0x7: {  	s28 =	simm.s32 $0x1000;
	s29 =	simm.s32 $0x1;
	s6 =	smul.u32 $0x14000, s15  }
0x8: {  	s30 =	simm.s32 $0x800;
	s31 =	simm.s32 $0x1800;
	s8 =	smul.u32 $0x280, s15  }
0x9: {  	s7 =	sand.u32 $0x1, s7;
	[smem:$0x7FF] =	sst s5;
	s22 =	smul.u32 $0x500, s15  }
0xa: {  	s11 =	sadd.s32 $0x2000, s1;
	s14 =	sadd.s32 $0x34600, s1;
	s24 =	smul.u32 $0x50000, s15  }
0xb: {  	s17 =	sshll.u32 s15, $0x6;
	s10 =	smul.u32 $0x140000, s7;
	_ =	strace $0x80000047  }
0xc: {  	s13 =	sshll.u32 s7, $0x7;
	[dreg:$0x6] =	wrdreg s14;
	s23 =	sshll.u32 s7, $0x4  }
0xd: {  	s7 =	ssub.s32 $0x2, s7;
	s9 =	sshrl.u32 s6, $0x3;
	s12 =	sshrl.u32 s8, $0x3  }
0xe: {  	s25 =	sor.u32 s15, s23;
	s26 =	sshrl.u32 s7, $0x1;
	s14 =	sshrl.u32 s24, $0x2  }
0xf: {  	s8 =	sadd.s32 s8, s4;
	s9 =	sadd.s32 s9, s1;
	s6 =	sadd.s32 s6, s10  }
0x10: {  	s12 =	sadd.s32 s12, s1;
	s10 =	sor.u32 s13, s22;
	s16 =	sadd.s32 s14, s3  }
0x11: {  	[dreg:$0x9] =	wrdreg s8;
	s6 =	sshrl.u32 s6, $0x3;
	s10 =	sshrl.u32 s10, $0x3  }
0x12: {  	s6 =	sadd.s32 s6, s1;
	s1 =	sadd.s32 s10, s1;
	s10 =	smul.u32 $0x2800, s25  }
0x13: {  	s7 =	ssub.s32 s7, s26;
	[dreg:$0x7] =	wrdreg s16;
	s9 =	sadd.s32 $0xC000, s9  }
0x14: {  	s18 =	sadd.s32 $0x34000, s12;
	[dreg:$0x8] =	wrdreg s9;
	s10 =	sshrl.u32 s10, $0x3  }
0x15: {  	s9 =	sor.u32 $0x1C07, s17;
	[dreg:$0xa] =	wrdreg s18;
	s19 =	sadd.s32 s0, s10  }
0x16: {  	s20 =	sadd.s32 s11, s10;
	s21 =	sadd.s32 $0x100, s10;
	s22 =	sadd.s32 $0x200, s10  }
0x17: {  	s26 =	sadd.s32 $0x300, s10;
	s10 =	sadd.s32 $0x400, s10;
	[dreg:$0xb] =	wrdreg s19  }
0x18: {  	[dreg:$0xc] =	wrdreg s20;
	s23 =	sadd.s32 s0, s21;
	s8 =	sadd.s32 s11, s21  }
0x19: {  	s24 =	sadd.s32 s0, s22;
	s25 =	sadd.s32 s11, s22;
	s18 =	sadd.s32 s0, s26  }
0x1a: {  	s19 =	sadd.s32 s11, s26;
	s20 =	sadd.s32 s0, s10;
	[dreg:$0xd] =	wrdreg s23  }
0x1b: {  	s21 =	sadd.s32 s11, s10;
	s22 =	sadd.s32 $0x35200, s6;
	[dreg:$0xe] =	wrdreg s8  }
0x1c: {  	s26 =	simm.s32 $0xA000;
	s0 =	simm.s32 $0x80;
	[dreg:$0xf] =	wrdreg s24  }
0x1d: {  	s6 =	simm.s32 $0x3;
	s10 =	simm.s32 $0x0;
	[dreg:$0x10] =	wrdreg s25  }
0x1e: {  	s23 =	sadd.s32 $0x34800, s1;
	s24 =	smax.u32 s7, $0x1;
	s25 =	simm.s32 $0x7  }
0x1f: {  	s1 =	simm.s32 $0x2000;
	s7 =	simm.s32 $0x5;
	s8 =	simm.s32 $0x2  }
.LBB2_1:
0x20: {  	s11 =	rddreg [dreg:$0x7]  }
0x21: {  	s12 =	rddreg [dreg:$0x8];
	s11 =	sshrl.u32 s11, $0x3  }
0x22: {  	[spmem:s11], [sflag:s9] =	dma.local [hbm:s12], $0x2800  }
0x23: {  	_ =	swait.ge [sflag:s25], $0x2800  }
0x24: {  	[sflag:s25] =	ssyncset.done $0x0;
	s14 =	rddreg [dreg:$0x9]  }
0x25: {  	s13 =	rddreg [dreg:$0xa];
	[sflag:s25] =	ssyncadd.s32 $0xFFFFD800;
	s12 =	sshrl.u32 s14, $0x3  }
0x26: {  	[spmem:s12], [sflag:s9] =	dma.local [hbm:s13], $0x50  }
0x27: {  	_ =	swait.ge [sflag:s25], $0x50  }
0x28: {  	[sflag:s25] =	ssyncset.done $0x0  }
0x29: {  	s15 =	rddreg [dreg:$0x6];
	[sflag:s25] =	ssyncadd.s32 $0xFFFFFFB0  }
0x2a: {  	[tilespmem:s26], [sflag:$0x7] =	stream.linear.gather [hbm4b:s15+s5], $0x80, $0x38;
	[tilespmem:$0x1E300] =	vst v63  }
0x2b: {  	_ =	swait.ge [sflag:s25], $0x80  }
0x2c: {  	[sflag:s25] =	ssyncset.done $0x0  }
0x2d: {  	s16 =	rddreg [dreg:$0xb];
	[sflag:s25] =	ssyncadd.s32 $0xFFFFFF80  }
0x2e: {  	[tilespmem:s5], [sflag:$0x1] =	stream.linear.gather [hbm4b:s16+s5], $0x800, $0x38;
	[tilespmem:$0x1E300] =	vst v63  }
0x2f: {  	s17 =	rddreg [dreg:$0xc]  }
0x30: {  	[tilespmem:s28], [sflag:$0x1] =	stream.linear.gather [hbm4b:s17+s5], $0x800, $0x38;
	[tilespmem:$0x1E300] =	vst v63  }
0x31: {  	[bflag:$0x0] =	sbarrier.arrive $0xFFFF  }
0x32: {  	_ =	swait.ge [sflag:s29], $0x800  }
0x33: {  	[sflag:s29] =	ssyncset.done $0x0  }
0x34: {  	[sflag:s29] =	ssyncadd.s32 $0xFFFFF800  }
0x35: {  	_ =	swait.ge [sflag:s29], $0x800  }
0x36: {  	[sflag:s29] =	ssyncset.done $0x0  }
0x37: {  	s14 =	rddreg [dreg:$0xd];
	[sflag:s29] =	ssyncadd.s32 $0xFFFFF800  }
0x38: {  	[tilespmem:s30], [sflag:$0x2] =	stream.linear.gather [hbm4b:s14+s5], $0x800, $0x38;
	[tilespmem:$0x1E300] =	vst v63  }
0x39: {  	s15 =	rddreg [dreg:$0xe]  }
0x3a: {  	[tilespmem:s31], [sflag:$0x2] =	stream.linear.gather [hbm4b:s15+s5], $0x800, $0x38;
	[tilespmem:$0x1E300] =	vst v63  }
0x3b: {  	s16 =	simm.s32 $0x0  }
0x3c: {  	[tilespmem:s1], [sflag:$0x3] =	stream.indirect.gather [hbm4b:s2+s0], $0x80, s16, s0, $0xb8;
	[tilespmem:$0x1E300] =	vst v63  }
0x3d: {  	_ =	swait.ge [sflag:s6], $0x4000  }
0x3e: {  	[sflag:s6] =	ssyncset.done $0x0  }
0x3f: {  	s17 =	simm.s32 $0x1000;
	[sflag:s6] =	ssyncadd.s32 $0xFFFFC000  }
0x40: {  	[spmem:s3] =	stream.indirect.scatter.add.f32 [tilespmem:s1], [sflag:$0x5], $0x80, s17, s0, $0xb8;
	[tilespmem:$0x1E300] =	vst v63  }
0x41: {  	_ =	swait.ge [sflag:s7], $0x4000  }
0x42: {  	[sflag:s7] =	ssyncset.done $0x0  }
0x43: {  	[sflag:s7] =	ssyncadd.s32 $0xFFFFC000  }
0x44: {  	[spmem:s4] =	stream.indirect.scatter.add.f32 [tilespmem:s26], [sflag:$0x7], $0x1, s17, s0, $0xb8;
	[tilespmem:$0x1E300] =	vst v63  }
0x45: {  	_ =	swait.ge [sflag:s25], $0x80  }
0x46: {  	s13 =	simm.s32 $0x200;
	s14 =	simm.s32 $0x400;
	[sflag:s25] =	ssyncset.done $0x0  }
.LBB2_2:
0x47: {  	s15 =	sshra.s32 s13, $0x2  }
0x48: {  	[sflag:s25] =	ssyncadd.s32 $0xFFFFFF80;
	s13 =	smov.u32 s14;
	s16 =	sadd.s32 $0x200, s14  }
0x49: {  	[tilespmem:s1], [sflag:$0x3] =	stream.indirect.gather [hbm4b:s2+s0], $0x80, s15, s0, $0xb8;
	[tilespmem:$0x1E300] =	vst v63  }
0x4a: {  	p0 =	sne.s32 s14, $0x1E00;
	_ =	swait.ge [sflag:s6], $0x4000  }
0x4b: {  	[sflag:s6] =	ssyncset.done $0x0  }
0x4c: {  	s14 =	sadd.s32 $0x1000, s15;
	[sflag:s6] =	ssyncadd.s32 $0xFFFFC000  }
0x4d: {  	[spmem:s3] =	stream.indirect.scatter.add.f32 [tilespmem:s1], [sflag:$0x5], $0x80, s14, s0, $0xb8;
	[tilespmem:$0x1E300] =	vst v63  }
0x4e: {  	_ =	swait.ge [sflag:s7], $0x4000  }
.Ltmp0:
0x4f: {  	[sflag:s7] =	ssyncset.done $0x0;
	(pc) =	sbr.rel @p0 .LBB2_2-.Ltmp0, $4  }
0x50: {  	[sflag:s7] =	ssyncadd.s32 $0xFFFFC000  }
0x51: {  	[spmem:s4] =	stream.indirect.scatter.add.f32 [tilespmem:s26], [sflag:$0x7], $0x1, s14, s0, $0xb8;
	[tilespmem:$0x1E300] =	vst v63  }
0x52: {  	_ =	swait.ge [sflag:s25], $0x80  }
0x53: {  	s14 =	smov.u32 s16;
	[sflag:s25] =	ssyncset.done $0x0  }
0x54: {  	s13 =	sshra.s32 s13, $0x2;
	[sflag:s25] =	ssyncadd.s32 $0xFFFFFF80  }
0x55: {  	[tilespmem:s1], [sflag:$0x3] =	stream.indirect.gather [hbm4b:s2+s0], $0x80, s13, s0, $0xb8;
	[tilespmem:$0x1E300] =	vst v63  }
0x56: {  	_ =	swait.ge [sflag:s6], $0x4000  }
0x57: {  	[sflag:s6] =	ssyncset.done $0x0  }
0x58: {  	s13 =	sadd.s32 $0x1000, s13;
	[sflag:s6] =	ssyncadd.s32 $0xFFFFC000  }
0x59: {  	[spmem:s3] =	stream.indirect.scatter.add.f32 [tilespmem:s1], [sflag:$0x5], $0x80, s13, s0, $0xb8;
	[tilespmem:$0x1E300] =	vst v63  }
0x5a: {  	_ =	swait.ge [sflag:s7], $0x4000  }
0x5b: {  	[sflag:s7] =	ssyncset.done $0x0  }
0x5c: {  	[sflag:s7] =	ssyncadd.s32 $0xFFFFC000  }
0x5d: {  	[spmem:s4] =	stream.indirect.scatter.add.f32 [tilespmem:s26], [sflag:$0x7], $0x1, s13, s0, $0xb8;
	[tilespmem:$0x1E300] =	vst v63  }
0x5e: {  	_ =	swait.ge [sflag:s25], $0x80  }
0x5f: {  	[sflag:s25] =	ssyncset.done $0x0  }
0x60: {  	[sflag:s25] =	ssyncadd.s32 $0xFFFFFF80  }
0x61: {  	_ =	swait.ge [sflag:s8], $0x800  }
0x62: {  	[sflag:s8] =	ssyncset.done $0x0  }
0x63: {  	[sflag:s8] =	ssyncadd.s32 $0xFFFFF800  }
0x64: {  	_ =	swait.ge [sflag:s8], $0x800  }
0x65: {  	[sflag:s8] =	ssyncset.done $0x0  }
0x66: {  	s17 =	simm.s32 $0x0;
	s14 =	rddreg [dreg:$0xf];
	[sflag:s8] =	ssyncadd.s32 $0xFFFFF800  }
0x67: {  	[tilespmem:s17], [sflag:$0x1] =	stream.linear.gather [hbm4b:s14+s17], $0x800, $0x38;
	[tilespmem:$0x1E300] =	vst v63  }
0x68: {  	s15 =	rddreg [dreg:$0x10]  }
0x69: {  	[tilespmem:s28], [sflag:$0x1] =	stream.linear.gather [hbm4b:s15+s17], $0x800, $0x38;
	[tilespmem:$0x1E300] =	vst v63  }
0x6a: {  	s16 =	simm.s32 $0x800  }
0x6b: {  	[tilespmem:s1], [sflag:$0x3] =	stream.indirect.gather [hbm4b:s2+s0], $0x80, s16, s0, $0xb8;
	[tilespmem:$0x1E300] =	vst v63  }
0x6c: {  	_ =	swait.ge [sflag:s6], $0x4000  }
0x6d: {  	[sflag:s6] =	ssyncset.done $0x0  }
0x6e: {  	s17 =	simm.s32 $0x1800;
	[sflag:s6] =	ssyncadd.s32 $0xFFFFC000  }
0x6f: {  	[spmem:s3] =	stream.indirect.scatter.add.f32 [tilespmem:s1], [sflag:$0x5], $0x80, s17, s0, $0xb8;
	[tilespmem:$0x1E300] =	vst v63  }
0x70: {  	_ =	swait.ge [sflag:s7], $0x4000  }
0x71: {  	[sflag:s7] =	ssyncset.done $0x0  }
0x72: {  	[sflag:s7] =	ssyncadd.s32 $0xFFFFC000  }
0x73: {  	[spmem:s4] =	stream.indirect.scatter.add.f32 [tilespmem:s26], [sflag:$0x7], $0x1, s17, s0, $0xb8;
	[tilespmem:$0x1E300] =	vst v63  }
0x74: {  	_ =	swait.ge [sflag:s25], $0x80  }
0x75: {  	s13 =	simm.s32 $0x80;
	s14 =	simm.s32 $0x400;
	[sflag:s25] =	ssyncset.done $0x0  }
.LBB2_4:
0x76: {  	s15 =	sadd.s32 $0x800, s13  }
0x77: {  	[sflag:s25] =	ssyncadd.s32 $0xFFFFFF80;
	s16 =	smov.u32 s14;
	s17 =	sadd.s32 $0x200, s14  }
0x78: {  	[tilespmem:s1], [sflag:$0x3] =	stream.indirect.gather [hbm4b:s2+s0], $0x80, s15, s0, $0xb8;
	[tilespmem:$0x1E300] =	vst v63  }
0x79: {  	p0 =	sne.s32 s14, $0x1E00;
	_ =	swait.ge [sflag:s6], $0x4000  }
0x7a: {  	[sflag:s6] =	ssyncset.done $0x0  }
0x7b: {  	s13 =	sadd.s32 $0x1800, s13;
	[sflag:s6] =	ssyncadd.s32 $0xFFFFC000  }
0x7c: {  	[spmem:s3] =	stream.indirect.scatter.add.f32 [tilespmem:s1], [sflag:$0x5], $0x80, s13, s0, $0xb8;
	[tilespmem:$0x1E300] =	vst v63  }
0x7d: {  	_ =	swait.ge [sflag:s7], $0x4000  }
.Ltmp1:
0x7e: {  	[sflag:s7] =	ssyncset.done $0x0;
	(pc) =	sbr.rel @p0 .LBB2_4-.Ltmp1, $4  }
0x7f: {  	[sflag:s7] =	ssyncadd.s32 $0xFFFFC000  }
0x80: {  	[spmem:s4] =	stream.indirect.scatter.add.f32 [tilespmem:s26], [sflag:$0x7], $0x1, s13, s0, $0xb8;
	[tilespmem:$0x1E300] =	vst v63  }
0x81: {  	_ =	swait.ge [sflag:s25], $0x80  }
0x82: {  	s14 =	smov.u32 s17;
	s13 =	sshra.s32 s16, $0x2;
	[sflag:s25] =	ssyncset.done $0x0  }
0x83: {  	s14 =	sadd.s32 $0x800, s13;
	[sflag:s25] =	ssyncadd.s32 $0xFFFFFF80  }
0x84: {  	[tilespmem:s1], [sflag:$0x3] =	stream.indirect.gather [hbm4b:s2+s0], $0x80, s14, s0, $0xb8;
	[tilespmem:$0x1E300] =	vst v63  }
0x85: {  	_ =	swait.ge [sflag:s6], $0x4000  }
0x86: {  	[sflag:s6] =	ssyncset.done $0x0  }
0x87: {  	s14 =	sadd.s32 $0x1800, s13;
	[sflag:s6] =	ssyncadd.s32 $0xFFFFC000  }
0x88: {  	[spmem:s3] =	stream.indirect.scatter.add.f32 [tilespmem:s1], [sflag:$0x5], $0x80, s14, s0, $0xb8;
	[tilespmem:$0x1E300] =	vst v63  }
0x89: {  	_ =	swait.ge [sflag:s7], $0x4000  }
0x8a: {  	[sflag:s7] =	ssyncset.done $0x0  }
0x8b: {  	[sflag:s7] =	ssyncadd.s32 $0xFFFFC000  }
0x8c: {  	[spmem:s4] =	stream.indirect.scatter.add.f32 [tilespmem:s26], [sflag:$0x7], $0x1, s14, s0, $0xb8;
	[tilespmem:$0x1E300] =	vst v63  }
0x8d: {  	_ =	swait.ge [sflag:s25], $0x80  }
0x8e: {  	[sflag:s25] =	ssyncset.done $0x0  }
0x8f: {  	[sflag:s25] =	ssyncadd.s32 $0xFFFFFF80  }
0x90: {  	_ =	swait.ge [sflag:s29], $0x800  }
0x91: {  	[sflag:s29] =	ssyncset.done $0x0  }
0x92: {  	[sflag:s29] =	ssyncadd.s32 $0xFFFFF800  }
0x93: {  	_ =	swait.ge [sflag:s29], $0x800  }
0x94: {  	[sflag:s29] =	ssyncset.done $0x0  }
0x95: {  	s15 =	simm.s32 $0x0;
	[sflag:s29] =	ssyncadd.s32 $0xFFFFF800  }
0x96: {  	[tilespmem:s30], [sflag:$0x2] =	stream.linear.gather [hbm4b:s18+s15], $0x800, $0x38;
	[tilespmem:$0x1E300] =	vst v63  }
0x97: {  	_ = 	snop  }
0x98: {  	[tilespmem:s31], [sflag:$0x2] =	stream.linear.gather [hbm4b:s19+s15], $0x800, $0x38;
	[tilespmem:$0x1E300] =	vst v63  }
0x99: {  	s16 =	simm.s32 $0x0  }
0x9a: {  	[tilespmem:s1], [sflag:$0x3] =	stream.indirect.gather [hbm4b:s2+s0], $0x80, s16, s0, $0xb8;
	[tilespmem:$0x1E300] =	vst v63  }
0x9b: {  	_ =	swait.ge [sflag:s6], $0x4000  }
0x9c: {  	[sflag:s6] =	ssyncset.done $0x0  }
0x9d: {  	s17 =	simm.s32 $0x1000;
	[sflag:s6] =	ssyncadd.s32 $0xFFFFC000  }
0x9e: {  	[spmem:s3] =	stream.indirect.scatter.add.f32 [tilespmem:s1], [sflag:$0x5], $0x80, s17, s0, $0xb8;
	[tilespmem:$0x1E300] =	vst v63  }
0x9f: {  	_ =	swait.ge [sflag:s7], $0x4000  }
0xa0: {  	[sflag:s7] =	ssyncset.done $0x0  }
0xa1: {  	[sflag:s7] =	ssyncadd.s32 $0xFFFFC000  }
0xa2: {  	[spmem:s4] =	stream.indirect.scatter.add.f32 [tilespmem:s26], [sflag:$0x7], $0x1, s17, s0, $0xb8;
	[tilespmem:$0x1E300] =	vst v63  }
0xa3: {  	_ =	swait.ge [sflag:s25], $0x80  }
0xa4: {  	s13 =	simm.s32 $0x200;
	s14 =	simm.s32 $0x400;
	[sflag:s25] =	ssyncset.done $0x0  }
.LBB2_6:
0xa5: {  	s15 =	sshra.s32 s13, $0x2  }
0xa6: {  	[sflag:s25] =	ssyncadd.s32 $0xFFFFFF80;
	s13 =	smov.u32 s14;
	s16 =	sadd.s32 $0x200, s14  }
0xa7: {  	[tilespmem:s1], [sflag:$0x3] =	stream.indirect.gather [hbm4b:s2+s0], $0x80, s15, s0, $0xb8;
	[tilespmem:$0x1E300] =	vst v63  }
0xa8: {  	p0 =	sne.s32 s14, $0x1E00;
	_ =	swait.ge [sflag:s6], $0x4000  }
0xa9: {  	[sflag:s6] =	ssyncset.done $0x0  }
0xaa: {  	s14 =	sadd.s32 $0x1000, s15;
	[sflag:s6] =	ssyncadd.s32 $0xFFFFC000  }
0xab: {  	[spmem:s3] =	stream.indirect.scatter.add.f32 [tilespmem:s1], [sflag:$0x5], $0x80, s14, s0, $0xb8;
	[tilespmem:$0x1E300] =	vst v63  }
0xac: {  	_ =	swait.ge [sflag:s7], $0x4000  }
.Ltmp2:
0xad: {  	[sflag:s7] =	ssyncset.done $0x0;
	(pc) =	sbr.rel @p0 .LBB2_6-.Ltmp2, $4  }
0xae: {  	[sflag:s7] =	ssyncadd.s32 $0xFFFFC000  }
0xaf: {  	[spmem:s4] =	stream.indirect.scatter.add.f32 [tilespmem:s26], [sflag:$0x7], $0x1, s14, s0, $0xb8;
	[tilespmem:$0x1E300] =	vst v63  }
0xb0: {  	_ =	swait.ge [sflag:s25], $0x80  }
0xb1: {  	s14 =	smov.u32 s16;
	[sflag:s25] =	ssyncset.done $0x0  }
0xb2: {  	s13 =	sshra.s32 s13, $0x2;
	[sflag:s25] =	ssyncadd.s32 $0xFFFFFF80  }
0xb3: {  	[tilespmem:s1], [sflag:$0x3] =	stream.indirect.gather [hbm4b:s2+s0], $0x80, s13, s0, $0xb8;
	[tilespmem:$0x1E300] =	vst v63  }
0xb4: {  	_ =	swait.ge [sflag:s6], $0x4000  }
0xb5: {  	[sflag:s6] =	ssyncset.done $0x0  }
0xb6: {  	s13 =	sadd.s32 $0x1000, s13;
	[sflag:s6] =	ssyncadd.s32 $0xFFFFC000  }
0xb7: {  	[spmem:s3] =	stream.indirect.scatter.add.f32 [tilespmem:s1], [sflag:$0x5], $0x80, s13, s0, $0xb8;
	[tilespmem:$0x1E300] =	vst v63  }
0xb8: {  	_ =	swait.ge [sflag:s7], $0x4000  }
0xb9: {  	[sflag:s7] =	ssyncset.done $0x0  }
0xba: {  	[sflag:s7] =	ssyncadd.s32 $0xFFFFC000  }
0xbb: {  	[spmem:s4] =	stream.indirect.scatter.add.f32 [tilespmem:s26], [sflag:$0x7], $0x1, s13, s0, $0xb8;
	[tilespmem:$0x1E300] =	vst v63  }
0xbc: {  	_ =	swait.ge [sflag:s25], $0x80  }
0xbd: {  	[sflag:s25] =	ssyncset.done $0x0  }
0xbe: {  	[sflag:s25] =	ssyncadd.s32 $0xFFFFFF80  }
0xbf: {  	_ =	swait.ge [sflag:s8], $0x800  }
0xc0: {  	[sflag:s8] =	ssyncset.done $0x0  }
0xc1: {  	[sflag:s8] =	ssyncadd.s32 $0xFFFFF800  }
0xc2: {  	_ =	swait.ge [sflag:s8], $0x800  }
0xc3: {  	[sflag:s8] =	ssyncset.done $0x0  }
0xc4: {  	s15 =	simm.s32 $0x0;
	[sflag:s8] =	ssyncadd.s32 $0xFFFFF800  }
0xc5: {  	[tilespmem:s15], [sflag:$0x1] =	stream.linear.gather [hbm4b:s20+s15], $0x800, $0x38;
	[tilespmem:$0x1E300] =	vst v63  }
0xc6: {  	_ = 	snop  }
0xc7: {  	[tilespmem:s28], [sflag:$0x1] =	stream.linear.gather [hbm4b:s21+s15], $0x800, $0x38;
	[tilespmem:$0x1E300] =	vst v63  }
0xc8: {  	s16 =	simm.s32 $0x800  }
0xc9: {  	[tilespmem:s1], [sflag:$0x3] =	stream.indirect.gather [hbm4b:s2+s0], $0x80, s16, s0, $0xb8;
	[tilespmem:$0x1E300] =	vst v63  }
0xca: {  	_ =	swait.ge [sflag:s6], $0x4000  }
0xcb: {  	[sflag:s6] =	ssyncset.done $0x0  }
0xcc: {  	s17 =	simm.s32 $0x1800;
	[sflag:s6] =	ssyncadd.s32 $0xFFFFC000  }
0xcd: {  	[spmem:s3] =	stream.indirect.scatter.add.f32 [tilespmem:s1], [sflag:$0x5], $0x80, s17, s0, $0xb8;
	[tilespmem:$0x1E300] =	vst v63  }
0xce: {  	_ =	swait.ge [sflag:s7], $0x4000  }
0xcf: {  	[sflag:s7] =	ssyncset.done $0x0  }
0xd0: {  	[sflag:s7] =	ssyncadd.s32 $0xFFFFC000  }
0xd1: {  	[spmem:s4] =	stream.indirect.scatter.add.f32 [tilespmem:s26], [sflag:$0x7], $0x1, s17, s0, $0xb8;
	[tilespmem:$0x1E300] =	vst v63  }
0xd2: {  	_ =	swait.ge [sflag:s25], $0x80  }
0xd3: {  	s14 =	simm.s32 $0x400;
	s13 =	simm.s32 $0x80;
	[sflag:s25] =	ssyncset.done $0x0  }
.LBB2_8:
0xd4: {  	s15 =	sadd.s32 $0x800, s13  }
0xd5: {  	[sflag:s25] =	ssyncadd.s32 $0xFFFFFF80;
	s16 =	smov.u32 s14;
	s17 =	sadd.s32 $0x200, s14  }
0xd6: {  	[tilespmem:s1], [sflag:$0x3] =	stream.indirect.gather [hbm4b:s2+s0], $0x80, s15, s0, $0xb8;
	[tilespmem:$0x1E300] =	vst v63  }
0xd7: {  	p0 =	sne.s32 s14, $0x1E00;
	_ =	swait.ge [sflag:s6], $0x4000  }
0xd8: {  	[sflag:s6] =	ssyncset.done $0x0  }
0xd9: {  	s13 =	sadd.s32 $0x1800, s13;
	[sflag:s6] =	ssyncadd.s32 $0xFFFFC000  }
0xda: {  	[spmem:s3] =	stream.indirect.scatter.add.f32 [tilespmem:s1], [sflag:$0x5], $0x80, s13, s0, $0xb8;
	[tilespmem:$0x1E300] =	vst v63  }
0xdb: {  	_ =	swait.ge [sflag:s7], $0x4000  }
.Ltmp3:
0xdc: {  	[sflag:s7] =	ssyncset.done $0x0;
	(pc) =	sbr.rel @p0 .LBB2_8-.Ltmp3, $4  }
0xdd: {  	[sflag:s7] =	ssyncadd.s32 $0xFFFFC000  }
0xde: {  	[spmem:s4] =	stream.indirect.scatter.add.f32 [tilespmem:s26], [sflag:$0x7], $0x1, s13, s0, $0xb8;
	[tilespmem:$0x1E300] =	vst v63  }
0xdf: {  	_ =	swait.ge [sflag:s25], $0x80  }
0xe0: {  	s14 =	smov.u32 s17;
	s13 =	sshra.s32 s16, $0x2;
	[sflag:s25] =	ssyncset.done $0x0  }
0xe1: {  	s14 =	sadd.s32 $0x800, s13;
	[sflag:s25] =	ssyncadd.s32 $0xFFFFFF80  }
0xe2: {  	[tilespmem:s1], [sflag:$0x3] =	stream.indirect.gather [hbm4b:s2+s0], $0x80, s14, s0, $0xb8;
	[tilespmem:$0x1E300] =	vst v63  }
0xe3: {  	_ =	swait.ge [sflag:s6], $0x4000  }
0xe4: {  	[sflag:s6] =	ssyncset.done $0x0  }
0xe5: {  	s15 =	sadd.s32 $0x1800, s13;
	[sflag:s6] =	ssyncadd.s32 $0xFFFFC000  }
0xe6: {  	[spmem:s3] =	stream.indirect.scatter.add.f32 [tilespmem:s1], [sflag:$0x5], $0x80, s15, s0, $0xb8;
	[tilespmem:$0x1E300] =	vst v63  }
0xe7: {  	_ =	swait.ge [sflag:s7], $0x4000  }
0xe8: {  	[sflag:s7] =	ssyncset.done $0x0  }
0xe9: {  	[sflag:s7] =	ssyncadd.s32 $0xFFFFC000  }
0xea: {  	[spmem:s4] =	stream.indirect.scatter.add.f32 [tilespmem:s26], [sflag:$0x7], $0x1, s15, s0, $0xb8;
	[tilespmem:$0x1E300] =	vst v63  }
0xeb: {  	_ =	swait.ge [sflag:s25], $0x80  }
0xec: {  	[sflag:s25] =	ssyncset.done $0x0  }
0xed: {  	[sflag:s25] =	ssyncadd.s32 $0xFFFFFF80  }
0xee: {  	_ =	swait.ge [sflag:s29], $0x800  }
0xef: {  	[sflag:s29] =	ssyncset.done $0x0  }
0xf0: {  	[sflag:s29] =	ssyncadd.s32 $0xFFFFF800  }
0xf1: {  	_ =	swait.ge [sflag:s29], $0x800  }
0xf2: {  	[sflag:s29] =	ssyncset.done $0x0  }
0xf3: {  	s16 =	simm.s32 $0x0;
	[sflag:s29] =	ssyncadd.s32 $0xFFFFF800  }
0xf4: {  	[tilespmem:s1], [sflag:$0x3] =	stream.indirect.gather [hbm4b:s2+s0], $0x80, s16, s0, $0xb8;
	[tilespmem:$0x1E300] =	vst v63  }
0xf5: {  	_ =	swait.ge [sflag:s6], $0x4000  }
0xf6: {  	[sflag:s6] =	ssyncset.done $0x0  }
0xf7: {  	s17 =	simm.s32 $0x1000;
	[sflag:s6] =	ssyncadd.s32 $0xFFFFC000  }
0xf8: {  	[spmem:s3] =	stream.indirect.scatter.add.f32 [tilespmem:s1], [sflag:$0x5], $0x80, s17, s0, $0xb8;
	[tilespmem:$0x1E300] =	vst v63  }
0xf9: {  	_ =	swait.ge [sflag:s7], $0x4000  }
0xfa: {  	[sflag:s7] =	ssyncset.done $0x0  }
0xfb: {  	[sflag:s7] =	ssyncadd.s32 $0xFFFFC000  }
0xfc: {  	[spmem:s4] =	stream.indirect.scatter.add.f32 [tilespmem:s26], [sflag:$0x7], $0x1, s17, s0, $0xb8;
	[tilespmem:$0x1E300] =	vst v63  }
0xfd: {  	_ =	swait.ge [sflag:s25], $0x80  }
0xfe: {  	s13 =	simm.s32 $0x200;
	s14 =	simm.s32 $0x400;
	[sflag:s25] =	ssyncset.done $0x0  }
.LBB2_10:
0xff: {  	s15 =	sshra.s32 s13, $0x2  }
0x100: {  	[sflag:s25] =	ssyncadd.s32 $0xFFFFFF80;
	s13 =	smov.u32 s14;
	s16 =	sadd.s32 $0x200, s14  }
0x101: {  	[tilespmem:s1], [sflag:$0x3] =	stream.indirect.gather [hbm4b:s2+s0], $0x80, s15, s0, $0xb8;
	[tilespmem:$0x1E300] =	vst v63  }
0x102: {  	p0 =	sne.s32 s14, $0x1E00;
	_ =	swait.ge [sflag:s6], $0x4000  }
0x103: {  	[sflag:s6] =	ssyncset.done $0x0  }
0x104: {  	s14 =	sadd.s32 $0x1000, s15;
	[sflag:s6] =	ssyncadd.s32 $0xFFFFC000  }
0x105: {  	[spmem:s3] =	stream.indirect.scatter.add.f32 [tilespmem:s1], [sflag:$0x5], $0x80, s14, s0, $0xb8;
	[tilespmem:$0x1E300] =	vst v63  }
0x106: {  	_ =	swait.ge [sflag:s7], $0x4000  }
.Ltmp4:
0x107: {  	[sflag:s7] =	ssyncset.done $0x0;
	(pc) =	sbr.rel @p0 .LBB2_10-.Ltmp4, $4  }
0x108: {  	[sflag:s7] =	ssyncadd.s32 $0xFFFFC000  }
0x109: {  	[spmem:s4] =	stream.indirect.scatter.add.f32 [tilespmem:s26], [sflag:$0x7], $0x1, s14, s0, $0xb8;
	[tilespmem:$0x1E300] =	vst v63  }
0x10a: {  	_ =	swait.ge [sflag:s25], $0x80  }
0x10b: {  	s14 =	smov.u32 s16;
	[sflag:s25] =	ssyncset.done $0x0  }
0x10c: {  	s13 =	sshra.s32 s13, $0x2;
	[sflag:s25] =	ssyncadd.s32 $0xFFFFFF80  }
0x10d: {  	[tilespmem:s1], [sflag:$0x3] =	stream.indirect.gather [hbm4b:s2+s0], $0x80, s13, s0, $0xb8;
	[tilespmem:$0x1E300] =	vst v63  }
0x10e: {  	_ =	swait.ge [sflag:s6], $0x4000  }
0x10f: {  	[sflag:s6] =	ssyncset.done $0x0  }
0x110: {  	s13 =	sadd.s32 $0x1000, s13;
	[sflag:s6] =	ssyncadd.s32 $0xFFFFC000  }
0x111: {  	[spmem:s3] =	stream.indirect.scatter.add.f32 [tilespmem:s1], [sflag:$0x5], $0x80, s13, s0, $0xb8;
	[tilespmem:$0x1E300] =	vst v63  }
0x112: {  	_ =	swait.ge [sflag:s7], $0x4000  }
0x113: {  	[sflag:s7] =	ssyncset.done $0x0  }
0x114: {  	[sflag:s7] =	ssyncadd.s32 $0xFFFFC000  }
0x115: {  	[spmem:s4] =	stream.indirect.scatter.add.f32 [tilespmem:s26], [sflag:$0x7], $0x1, s13, s0, $0xb8;
	[tilespmem:$0x1E300] =	vst v63  }
0x116: {  	_ =	swait.ge [sflag:s25], $0x80  }
0x117: {  	[sflag:s25] =	ssyncset.done $0x0  }
0x118: {  	[sflag:s25] =	ssyncadd.s32 $0xFFFFFF80  }
0x119: {  	[bflag:$0x0] =	sbarrier.arrive $0xFFFF  }
0x11a: {  	[hbm:s22], [sflag:s9] =	dma.local [spmem:s11], $0x2800  }
0x11b: {  	s10 =	sadd.s32 $0x1, s10;
	_ =	swait.ge [sflag:s25], $0x2800  }
0x11c: {  	s16 =	simm.s32 $0x20;
	p0 =	sne.s32 s10, s24;
	[sflag:s25] =	ssyncset.done $0x0  }
.Ltmp5:
0x11d: {  	s17 =	simm.s32 $0x10;
	[sflag:s25] =	ssyncadd.s32 $0xFFFFD800;
	(pc) =	sbr.rel @p0 .LBB2_1-.Ltmp5, $4  }
0x11e: {  	[hbm:s23@s16], [sflag:s9] =	dma.strided [spmem:s12@s17], $0x50, s29, $0x10   }
0x11f: {  	_ =	swait.ge [sflag:s25], $0x50  }
0x120: {  	[sflag:s25] =	ssyncset.done $0x0  }
0x121: {  	[sflag:s25] =	ssyncadd.s32 $0xFFFFFFB0  }
0x122: {  	_ =	sfence.sel $0x180000  }
0x123: {  	[bflag:$0x0] =	sbarrier.arrive $0xFFFF  }
0x124: {  	_ =	strace $0x90000047  }
0x125: {  	s0 =	stileid.u32;
	[bflag:$0x2] =	sbarrier.arrive $0xFFFF  }
0x126: {  	p0 =	sne.s32 s0, $0x0;
	s0 =	rddreg [dreg:$0x5]  }
0x127: {  	s0 =	sadd.s32 @!p0 $0x100000, s0  }
0x128: {  	[sflag:s0] =	ssyncadd.tile.s32 @!p0 $0x1;
	_ =	shalt  }
.Lfunc_end2:
_tile_overlayer_lowered:
.L_overlay_start_2:
0x129: {  	(tag) =	ssettag $0x2  }
0x12a: {  	s0 =	rddreg [dreg:$0x0];
	s2 =	stileid.u32  }
0x12b: {  	s1 =	rddreg [dreg:$0x1];
	p0 =	sne.s32 s2, $0x0  }
0x12c: {  	s3 =	rddreg [dreg:$0x2];
	[bflag:$0x3] =	sbarrier.arrive $0xFFFF;
	s2 =	simm.s32 @!p0 $0x1C07  }
0x12d: {  	[timem:s3], [sflag:s2] =	dma.local @!p0 [hbm:s0], s1  }
0x12e: {  	s0 =	simm.s32 @!p0 $0x7  }
0x12f: {  	_ =	swait.ge @!p0 [sflag:s0], s1  }
0x130: {  	s1 =	ssub.s32 @!p0 $0x0, s1;
	[sflag:s0] =	ssyncset.done @!p0 $0x0  }
0x131: {  	[sflag:s0] =	ssyncadd.s32 @!p0 s1  }
0x132: {  	[bflag:$0x3] =	sbarrier.arrive $0xFFFF  }
0x133: {  	_ =	shalt  }

// kernel: kernel.9.cloned.1.call-start
scs
__scs_entry_jumppad:
0x0: {  	(pc) =	sbr.rel $0x88, $3  }
0x1: {  	(tag) =	ssettag $0x0;
	lr =	simm.s32 $0x1  }
0x2: {  	[smem:$0x3F99] =	sst lr;
	_ =	strace $0xD0000000  }
0x3: {  	_ = 	snop  }
0x4: {  	_ = 	snop  }
0x5: {  	_ = 	snop  }
0x6: {  	_ = 	snop  }
0x7: {  	_ = 	snop  }
__scs_overlays_trampoline_lowered:
0x8: {  	[smem:$0x3FA8] =	sst s0  }
0x9: {  	[smem:$0x3FA9] =	sst s1  }
0xa: {  	[smem:$0x3FAA] =	sst s2  }
0xb: {  	[smem:$0x3FAB] =	sst s3  }
0xc: {  	[smem:$0x3FAC] =	sst s4  }
0xd: {  	[smem:$0x3FAD] =	sst s5  }
0xe: {  	[smem:$0x3FAE] =	sst s6  }
0xf: {  	[smem:$0x3FAF] =	sst s7  }
0x10: {  	[smem:$0x3FB0] =	sst s8  }
0x11: {  	[smem:$0x3FB1] =	sst s9;
	s0 =	simm.s32 @!p0 $0x0  }
0x12: {  	s1 =	sld [smem:$0x3F97];
	s0 =	simm.s32 @p0 $0x1  }
0x13: {  	[smem:$0x3FB2] =	sst s0;
	s0 =	simm.s32 @!p1 $0x0  }
0x14: {  	s2 =	sld [smem:$0x3F96];
	s0 =	simm.s32 @p1 $0x1  }
0x15: {  	[smem:$0x3FB3] =	sst s0;
	s0 =	simm.s32 @!p2 $0x0  }
0x16: {  	s3 =	sld [smem:$0x3FDB];
	s0 =	simm.s32 @p2 $0x1  }
0x17: {  	s4 =	simm.s32 $0x1BF5;
	[smem:$0x3FB5] =	sst s0  }
0x18: {  	s0 =	sld [smem:$0x3F98];
	_ =	swait.ge [sflag:s4], $0x0  }
0x19: {  	s7 =	sld [smem:$0x3F99]  }
0x1a: {  	s8 =	sadd.s32 $0xFFFFE003, lr  }
0x1b: {  	s9 =	sadd.s32 $0xFFFFFEF7, lr;
	s5 =	simm.s32 $0xFFFFFFFF;
	p2 =	slt.u32 s8, $0xFFFFF086  }
0x1c: {  	p1 =	slt.u32 s9, $0xF7A;
	s5 =	simm.s32 @!p2 $0x0  }
0x1d: {  	s5 =	simm.s32 @p1 $0x1;
	p0 =	seq.s32 s7, s2  }
0x1e: {  	s7 =	smul.u32 @!p0 $0xF7A, s2;
	p2 =	seq.s32 @!p0 s5, $0x0  }
0x1f: {  	s9 =	smul.u32 $0xF7A, s1;
	s8 =	simm.s32 @!p0 $0x1BF5;
	p2 =	por !p2, p0  }
0x20: {  	[sflag:s8] =	ssyncset.s32 @!p0 $0xFFFFF086;
	s6 =	sadd.s32 @!p0 s3, s7;
	s7 =	simm.s32 @!p0 $0x108  }
0x21: {  	s3 =	sadd.s32 s3, s9;
	s6 =	sadd.s32 @!p0 $0x88, s6;
	s7 =	simm.s32 @p2 $0x1082  }
0x22: {  	[simem:s7], [sflag:s8] =	dma.local @!p0 [hbm:s6], $0xF7A  }
0x23: {  	s9 =	sor.u32 $0xD0000000, s2;
	s6 =	simm.s32 $0x108;
	_ =	swait.ge @!p0 [sflag:s8], $0x0  }
0x24: {  	s3 =	sadd.s32 $0x88, s3;
	s6 =	simm.s32 @!p1 $0x1082;
	[sflag:s4] =	ssyncset.s32 $0xFFFFF086  }
0x25: {  	[simem:s6], [sflag:s4] =	dma.local [hbm:s3], $0xF7A  }
0x26: {  	[smem:$0x3F99] =	sst s1;
	(tag) =	ssettag s2;
	_ =	strace s9  }
0x27: {  	s1 =	sld [smem:$0x3FA9]  }
0x28: {  	s2 =	sld [smem:$0x3FAA]  }
0x29: {  	s4 =	sld [smem:$0x3FAC]  }
0x2a: {  	p0 =	seq.s32 s5, $0x0;
	s5 =	sld [smem:$0x3FAD]  }
0x2b: {  	s6 =	sld [smem:$0x3FAE]  }
0x2c: {  	s7 =	sld [smem:$0x3FAF]  }
0x2d: {  	s3 =	simm.s32 $0x108;
	s8 =	sld [smem:$0x3FB0]  }
0x2e: {  	s3 =	simm.s32 @!p0 $0x1082;
	s9 =	sld [smem:$0x3FB1]  }
0x2f: {  	lr =	sadd.s32 s0, s3;
	s0 =	sld [smem:$0x3FA8]  }
0x30: {  	s3 =	sld [smem:$0x3FAB]  }
0x31: {  	[smem:$0x3FB4] =	sst s10  }
0x32: {  	s10 =	sld [smem:$0x3FB2];
	_ =	sdelay $0x3  }
0x33: {  	p0 =	seq.s32 s10, $0x1;
	s10 =	sld [smem:$0x3FB4];
	_ =	sdelay $0x3  }
0x34: {  	[smem:$0x3FB4] =	sst s10  }
0x35: {  	s10 =	sld [smem:$0x3FB3];
	_ =	sdelay $0x3  }
0x36: {  	p1 =	seq.s32 s10, $0x1;
	s10 =	sld [smem:$0x3FB4];
	_ =	sdelay $0x3  }
0x37: {  	[smem:$0x3FB4] =	sst s10  }
0x38: {  	s10 =	sld [smem:$0x3FB5]  }
0x39: {  	_ = 	snop;
	(pc) =	sbr.ind lr, $3  }
0x3a: {  	_ = 	snop  }
0x3b: {  	_ = 	snop  }
0x3c: {  	p2 =	seq.s32 s10, $0x1;
	s10 =	sld [smem:$0x3FB4]  }
0x3d: {  	_ =	shalt  }
0x3e: {  	_ =	shalt  }
0x3f: {  	_ =	shalt  }
0x40: {  	_ =	shalt  }
0x41: {  	_ =	shalt  }
0x42: {  	_ =	shalt  }
0x43: {  	_ =	shalt  }
0x44: {  	_ =	shalt  }
0x45: {  	_ =	shalt  }
0x46: {  	_ =	shalt  }
0x47: {  	_ =	shalt  }
0x48: {  	_ =	shalt  }
0x49: {  	_ =	shalt  }
0x4a: {  	_ =	shalt  }
0x4b: {  	_ =	shalt  }
0x4c: {  	_ =	shalt  }
0x4d: {  	_ =	shalt  }
0x4e: {  	_ =	shalt  }
0x4f: {  	_ =	shalt  }
0x50: {  	_ =	shalt  }
0x51: {  	_ =	shalt  }
0x52: {  	_ =	shalt  }
0x53: {  	_ =	shalt  }
0x54: {  	_ =	shalt  }
0x55: {  	_ =	shalt  }
0x56: {  	_ =	shalt  }
0x57: {  	_ =	shalt  }
0x58: {  	_ =	shalt  }
0x59: {  	_ =	shalt  }
0x5a: {  	_ =	shalt  }
0x5b: {  	_ =	shalt  }
0x5c: {  	_ =	shalt  }
0x5d: {  	_ =	shalt  }
0x5e: {  	_ =	shalt  }
0x5f: {  	_ =	shalt  }
0x60: {  	_ =	shalt  }
0x61: {  	_ =	shalt  }
0x62: {  	_ =	shalt  }
0x63: {  	_ =	shalt  }
0x64: {  	_ =	shalt  }
0x65: {  	_ =	shalt  }
0x66: {  	_ =	shalt  }
0x67: {  	_ =	shalt  }
0x68: {  	_ =	shalt  }
0x69: {  	_ =	shalt  }
0x6a: {  	_ =	shalt  }
0x6b: {  	_ =	shalt  }
0x6c: {  	_ =	shalt  }
0x6d: {  	_ =	shalt  }
0x6e: {  	_ =	shalt  }
0x6f: {  	_ =	shalt  }
0x70: {  	_ =	shalt  }
0x71: {  	_ =	shalt  }
0x72: {  	_ =	shalt  }
0x73: {  	_ =	shalt  }
0x74: {  	_ =	shalt  }
0x75: {  	_ =	shalt  }
0x76: {  	_ =	shalt  }
0x77: {  	_ =	shalt  }
0x78: {  	_ =	shalt  }
0x79: {  	_ =	shalt  }
0x7a: {  	_ =	shalt  }
0x7b: {  	_ =	shalt  }
0x7c: {  	_ =	shalt  }
0x7d: {  	_ =	shalt  }
0x7e: {  	_ =	shalt  }
0x7f: {  	_ =	shalt  }
0x80: {  	_ =	shalt  }
0x81: {  	_ =	shalt  }
0x82: {  	_ =	shalt  }
0x83: {  	_ =	shalt  }
0x84: {  	_ =	shalt  }
0x85: {  	_ =	shalt  }
0x86: {  	_ =	shalt  }
0x87: {  	_ =	shalt  }
.Lfunc_end0:
.L_simem_size_0:
called_computation.1_lowered:
.L_overlay_start_0:
0x88: {  	s2 =	sld [smem:$0x3FD9]  }
0x89: {  	s3 =	sld [smem:$0x3FFE];
	_ =	sdelay $0x1  }
0x8a: {  	s1 =	srdreg.scid  }
0x8b: {  	s0 =	sand.u32 $0x1, s1  }
0x8c: {  	s17 =	sshll.u32 s0, $0xA;
	s2 =	sadd.s32 s3, s2  }
0x8d: {  	s2 =	sadd.s32 s2, s17  }
0x8e: {  	[smem:$0x3FC0] =	sst s2  }
0x8f: {  	_ = 	snop  }
0x90: {  	s2 =	sld [smem:$0x3FD0];
	(tm) =	ssettm $0x1  }
0x91: {  	s18 =	sld [smem:$0x3FFB];
	_ =	sdelay $0x3  }
0x92: {  	_ =	strace s18  }
0x93: {  	s3 =	sld [smem:$0x3FFC];
	_ =	sdelay $0x3  }
0x94: {  	_ =	strace s3  }
0x95: {  	s3 =	sld [smem:$0x3FFD];
	_ =	sdelay $0x3  }
0x96: {  	_ =	strace s3  }
0x97: {  	_ =	strace $0x8FFFFFFF  }
0x98: {  	s19 =	sld [smem:$0x3FDB];
	_ =	sdelay $0x1  }
0x99: {  	s4 =	simm.s32 $_scs_section_size  }
0x9a: {  	s5 =	simm.s32 $_size__tile_overlayer_lowered;
	s6 =	simm.s32 $_tile_overlayer_lowered  }
0x9b: {  	s22 =	simm.s32 $0x1BFF;
	s21 =	sshll.u32 s6, $0x1;
	s3 =	sadd.s32 s4, s19  }
0x9c: {  	s7 =	simm.s32 $0x0;
	s20 =	sshll.u32 s5, $0x1;
	s5 =	sadd.s32 s21, s3  }
0x9d: {  	[timem:s7], [sflag:s22] =	dma.local [hbm:s5], s20  }
0x9e: {  	_ =	swait.ge [sflag:s22], s20  }
0x9f: {  	s4 =	ssub.s32 $0x0, s20;
	[sflag:s22] =	ssyncset.done $0x0  }
0xa0: {  	[sflag:s22] =	ssyncadd.s32 s4;
	_ =	sdelay $0x1  }
0xa1: {  	s23 =	simm.s32 $0x1B8B  }
0xa2: {  	_ =	swait.ge [sflag:s23], $0x1  }
0xa3: {  	[sflag:s23] =	ssyncset.done $0x0  }
0xa4: {  	s25 =	simm.s32 $0x1B8E;
	s24 =	sld [smem:$0x3FFE];
	[sflag:s23] =	ssyncadd.s32 $0xFFFFFFFF  }
0xa5: {  	s26 =	simm.s32 $execute0_lowered;
	[smem:$0x3FD2] =	sst s25  }
0xa6: {  	s5 =	sshll.u32 s26, $0x1;
	_ =	strace $0x80000049;
	[dreg:$0x1] =	wrdreg $0xFFFFFFFF  }
0xa7: {  	s28 =	simm.s32 $_size_execute0_lowered;
	s3 =	sadd.s32 s3, s5;
	[dreg:$0x0] =	wrdreg $0x0  }
0xa8: {  	s5 =	sshll.u32 s28, $0x1;
	[dreg:$0x2] =	wrdreg s3  }
0xa9: {  	[dreg:$0x3] =	wrdreg s5  }
0xaa: {  	[dreg:$0x4] =	wrdreg $0xC0  }
0xab: {  	_ =	task [dreg:s7], $0x5FFFF  }
0xac: {  	[dreg:$0x1] =	wrdreg $0xFFFFFFFF  }
0xad: {  	[dreg:$0x0] =	wrdreg $0x60  }
0xae: {  	[dreg:$0x2] =	wrdreg s2  }
0xaf: {  	[dreg:$0x3] =	wrdreg s24  }
0xb0: {  	[dreg:$0x4] =	wrdreg $0xA0000  }
0xb1: {  	[dreg:$0x5] =	wrdreg $0x9  }
0xb2: {  	_ =	task.clear_ibuf [dreg:s7], $0x6FFFF;
	_ =	strace $0x90000049  }
0xb3: {  	s29 =	simm.s32 $0x9;
	_ =	strace $0x8000004B  }
0xb4: {  	_ =	swait.ge [sflag:s29], $0x1  }
0xb5: {  	[sflag:s29] =	ssyncadd.s32 $0xFFFFFFFF  }
0xb6: {  	_ =	strace $0x9000004B  }
0xb7: {  	_ =	sfence  }
0xb8: {  	s30 =	sld [smem:$0x0];
	_ =	sdelay $0x2  }
0xb9: {  	s31 =	sshll.u32 s1, $0xD;
	s1 =	sshrl.u32 s1, $0x2  }
0xba: {  	s3 =	sand.u32 $0x4000, s31;
	s1 =	sadd.s32 s1, s30  }
0xbb: {  	s0 =	sor.u32 s3, s0;
	s1 =	sshll.u32 s1, $0x11  }
0xbc: {  	s0 =	sor.u32 s1, s0  }
0xbd: {  	s0 =	sadd.s32 $0x8F2B, s0  }
0xbe: {  	[sflag:s0] =	ssyncadd.remote.s32 $0x1  }
0xbf: {  	_ =	sfence.sel $0xFFFF  }
0xc0: {  	[dreg:$0x0] =	wrdreg $0xFFFFFFFF;
	(pc) =	sbr.abs _section_cstart, $3  }
0xc1: {  	[dreg:$0x1] =	wrdreg $0xFFFFFFFF  }
0xc2: {  	_ =	task.clear_ibuf [dreg:s7], $0x2FFFF;
	_ =	strace $0x9FFFFFFF  }
0xc3: {  	(tm) =	ssettm $0x7FFFFFFF  }
tec
execute0_lowered:
.L_overlay_start_1:
0x0: {  	(tag) =	ssettag $0x1  }
0x1: {  	s0 =	rddreg [dreg:$0x0]  }
0x2: {  	s1 =	rddreg [dreg:$0x1]  }
0x3: {  	s2 =	rddreg [dreg:$0x2]  }
0x4: {  	s11 =	stileid.u32;
	s4 =	srdreg.scid  }
0x5: {  	s3 =	simm.s32 $0x0;
	s28 =	simm.s32 $0x3;
	s29 =	simm.s32 $0x5  }
0x6: {  	s30 =	simm.s32 $0x2;
	s31 =	simm.s32 $0x0;
	s5 =	smul.u32 $0x14000, s11  }
0x7: {  	s6 =	sand.u32 $0x1, s4;
	[smem:$0x7FF] =	sst s3;
	s17 =	sadd.s32 $0x2000, s1  }
0x8: {  	s4 =	sadd.s32 $0x34000, s1;
	s16 =	smul.u32 $0x50000, s11;
	s22 =	sshll.u32 s11, $0x6  }
0x9: {  	s7 =	smul.u32 $0x140000, s6;
	_ =	strace $0x8000004A;
	s9 =	sshll.u32 s6, $0x4  }
0xa: {  	s18 =	ssub.s32 $0x2, s6;
	s8 =	sshrl.u32 s5, $0x3;
	s19 =	sor.u32 s11, s9  }
0xb: {  	s20 =	sshrl.u32 s18, $0x1;
	s8 =	sadd.s32 s8, s1;
	s5 =	sadd.s32 s5, s7  }
0xc: {  	s7 =	sshrl.u32 s16, $0x2;
	s10 =	smul.u32 $0x2800, s19;
	s5 =	sshrl.u32 s5, $0x3  }
0xd: {  	s21 =	sadd.s32 s7, s2;
	s23 =	sadd.s32 $0xC000, s8;
	s7 =	sor.u32 $0x1C07, s22  }
0xe: {  	s22 =	simm.s32 $0x1;
	s1 =	sadd.s32 s5, s1;
	[dreg:$0x4] =	wrdreg s21  }
0xf: {  	s5 =	ssub.s32 s18, s20;
	[dreg:$0x5] =	wrdreg s23;
	s16 =	sshrl.u32 s10, $0x3  }
0x10: {  	s20 =	simm.s32 $0x7;
	s21 =	simm.s32 $0x1000;
	s23 =	simm.s32 $0x800  }
0x11: {  	s24 =	sadd.s32 s0, s16;
	s25 =	sadd.s32 s17, s16;
	s26 =	sadd.s32 $0x100, s16  }
0x12: {  	s13 =	sadd.s32 $0x200, s16;
	s15 =	sadd.s32 $0x300, s16;
	[dreg:$0x6] =	wrdreg s24  }
0x13: {  	s18 =	sadd.s32 $0x400, s16;
	s19 =	smax.u32 s5, $0x1;
	[dreg:$0x7] =	wrdreg s25  }
0x14: {  	s10 =	sadd.s32 s0, s26;
	s11 =	sadd.s32 s17, s26;
	s12 =	sadd.s32 s0, s13  }
0x15: {  	s13 =	sadd.s32 s17, s13;
	s14 =	sadd.s32 s0, s15;
	s15 =	sadd.s32 s17, s15  }
0x16: {  	s16 =	sadd.s32 s0, s18;
	s17 =	sadd.s32 s17, s18;
	s18 =	sadd.s32 $0xD5200, s1  }
0x17: {  	s24 =	simm.s32 $0x1800;
	s25 =	simm.s32 $0x80;
	s26 =	simm.s32 $0x2000  }
.LBB2_1:
0x18: {  	s0 =	rddreg [dreg:$0x4]  }
0x19: {  	s1 =	rddreg [dreg:$0x5];
	s0 =	sshrl.u32 s0, $0x3  }
0x1a: {  	[spmem:s0], [sflag:s7] =	dma.local [hbm:s1], $0x2800  }
0x1b: {  	_ =	swait.ge [sflag:s20], $0x2800  }
0x1c: {  	[sflag:s20] =	ssyncset.done $0x0  }
0x1d: {  	s5 =	rddreg [dreg:$0x6];
	[sflag:s20] =	ssyncadd.s32 $0xFFFFD800  }
0x1e: {  	[tilespmem:s3], [sflag:$0x1] =	stream.linear.gather [hbm4b:s5+s3], $0x800, $0x38;
	[tilespmem:$0x1E000] =	vst v63  }
0x1f: {  	s6 =	rddreg [dreg:$0x7]  }
0x20: {  	[tilespmem:s21], [sflag:$0x1] =	stream.linear.gather [hbm4b:s6+s3], $0x800, $0x38;
	[tilespmem:$0x1E000] =	vst v63  }
0x21: {  	[bflag:$0x0] =	sbarrier.arrive $0xFFFF  }
0x22: {  	_ =	swait.ge [sflag:s22], $0x800  }
0x23: {  	[sflag:s22] =	ssyncset.done $0x0  }
0x24: {  	[sflag:s22] =	ssyncadd.s32 $0xFFFFF800  }
0x25: {  	_ =	swait.ge [sflag:s22], $0x800  }
0x26: {  	[sflag:s22] =	ssyncset.done $0x0  }
0x27: {  	[sflag:s22] =	ssyncadd.s32 $0xFFFFF800  }
0x28: {  	[tilespmem:s23], [sflag:$0x2] =	stream.linear.gather [hbm4b:s10+s3], $0x800, $0x38;
	[tilespmem:$0x1E000] =	vst v63  }
0x29: {  	_ = 	snop  }
0x2a: {  	[tilespmem:s24], [sflag:$0x2] =	stream.linear.gather [hbm4b:s11+s3], $0x800, $0x38;
	[tilespmem:$0x1E000] =	vst v63  }
0x2b: {  	s8 =	simm.s32 $0x0  }
0x2c: {  	[tilespmem:s26], [sflag:$0x3] =	stream.indirect.gather [hbm4b:s4+s25], $0x80, s8, s25, $0xb8;
	[tilespmem:$0x1E000] =	vst v63  }
0x2d: {  	_ =	swait.ge [sflag:s28], $0x4000  }
0x2e: {  	[sflag:s28] =	ssyncset.done $0x0  }
0x2f: {  	s9 =	simm.s32 $0x1000;
	[sflag:s28] =	ssyncadd.s32 $0xFFFFC000  }
0x30: {  	[spmem:s2] =	stream.indirect.scatter.add.f32 [tilespmem:s26], [sflag:$0x5], $0x80, s9, s25, $0xb8;
	[tilespmem:$0x1E000] =	vst v63  }
0x31: {  	_ =	swait.ge [sflag:s29], $0x4000  }
0x32: {  	s1 =	simm.s32 $0x200;
	s5 =	simm.s32 $0x400;
	[sflag:s29] =	ssyncset.done $0x0  }
.LBB2_2:
0x33: {  	s6 =	sshra.s32 s1, $0x2  }
0x34: {  	[sflag:s29] =	ssyncadd.s32 $0xFFFFC000;
	s1 =	smov.u32 s5;
	s8 =	sadd.s32 $0x200, s5  }
0x35: {  	[tilespmem:s26], [sflag:$0x3] =	stream.indirect.gather [hbm4b:s4+s25], $0x80, s6, s25, $0xb8;
	[tilespmem:$0x1E000] =	vst v63  }
0x36: {  	p0 =	sne.s32 s5, $0x1E00;
	_ =	swait.ge [sflag:s28], $0x4000  }
.Ltmp0:
0x37: {  	[sflag:s28] =	ssyncset.done $0x0;
	(pc) =	sbr.rel @p0 .LBB2_2-.Ltmp0, $4  }
0x38: {  	s5 =	sadd.s32 $0x1000, s6;
	[sflag:s28] =	ssyncadd.s32 $0xFFFFC000  }
0x39: {  	[spmem:s2] =	stream.indirect.scatter.add.f32 [tilespmem:s26], [sflag:$0x5], $0x80, s5, s25, $0xb8;
	[tilespmem:$0x1E000] =	vst v63  }
0x3a: {  	_ =	swait.ge [sflag:s29], $0x4000  }
0x3b: {  	s5 =	smov.u32 s8;
	[sflag:s29] =	ssyncset.done $0x0  }
0x3c: {  	s1 =	sshra.s32 s1, $0x2;
	[sflag:s29] =	ssyncadd.s32 $0xFFFFC000  }
0x3d: {  	[tilespmem:s26], [sflag:$0x3] =	stream.indirect.gather [hbm4b:s4+s25], $0x80, s1, s25, $0xb8;
	[tilespmem:$0x1E000] =	vst v63  }
0x3e: {  	_ =	swait.ge [sflag:s28], $0x4000  }
0x3f: {  	[sflag:s28] =	ssyncset.done $0x0  }
0x40: {  	s1 =	sadd.s32 $0x1000, s1;
	[sflag:s28] =	ssyncadd.s32 $0xFFFFC000  }
0x41: {  	[spmem:s2] =	stream.indirect.scatter.add.f32 [tilespmem:s26], [sflag:$0x5], $0x80, s1, s25, $0xb8;
	[tilespmem:$0x1E000] =	vst v63  }
0x42: {  	_ =	swait.ge [sflag:s29], $0x4000  }
0x43: {  	[sflag:s29] =	ssyncset.done $0x0  }
0x44: {  	[sflag:s29] =	ssyncadd.s32 $0xFFFFC000  }
0x45: {  	_ =	swait.ge [sflag:s30], $0x800  }
0x46: {  	[sflag:s30] =	ssyncset.done $0x0  }
0x47: {  	[sflag:s30] =	ssyncadd.s32 $0xFFFFF800  }
0x48: {  	_ =	swait.ge [sflag:s30], $0x800  }
0x49: {  	[sflag:s30] =	ssyncset.done $0x0  }
0x4a: {  	s6 =	simm.s32 $0x0;
	[sflag:s30] =	ssyncadd.s32 $0xFFFFF800  }
0x4b: {  	[tilespmem:s6], [sflag:$0x1] =	stream.linear.gather [hbm4b:s12+s6], $0x800, $0x38;
	[tilespmem:$0x1E000] =	vst v63  }
0x4c: {  	_ = 	snop  }
0x4d: {  	[tilespmem:s21], [sflag:$0x1] =	stream.linear.gather [hbm4b:s13+s6], $0x800, $0x38;
	[tilespmem:$0x1E000] =	vst v63  }
0x4e: {  	s8 =	simm.s32 $0x800  }
0x4f: {  	[tilespmem:s26], [sflag:$0x3] =	stream.indirect.gather [hbm4b:s4+s25], $0x80, s8, s25, $0xb8;
	[tilespmem:$0x1E000] =	vst v63  }
0x50: {  	_ =	swait.ge [sflag:s28], $0x4000  }
0x51: {  	[sflag:s28] =	ssyncset.done $0x0  }
0x52: {  	s9 =	simm.s32 $0x1800;
	[sflag:s28] =	ssyncadd.s32 $0xFFFFC000  }
0x53: {  	[spmem:s2] =	stream.indirect.scatter.add.f32 [tilespmem:s26], [sflag:$0x5], $0x80, s9, s25, $0xb8;
	[tilespmem:$0x1E000] =	vst v63  }
0x54: {  	_ =	swait.ge [sflag:s29], $0x4000  }
0x55: {  	s5 =	simm.s32 $0x400;
	s1 =	simm.s32 $0x80;
	[sflag:s29] =	ssyncset.done $0x0  }
.LBB2_4:
0x56: {  	s6 =	sadd.s32 $0x800, s1  }
0x57: {  	[sflag:s29] =	ssyncadd.s32 $0xFFFFC000;
	s8 =	smov.u32 s5;
	s9 =	sadd.s32 $0x200, s5  }
0x58: {  	[tilespmem:s26], [sflag:$0x3] =	stream.indirect.gather [hbm4b:s4+s25], $0x80, s6, s25, $0xb8;
	[tilespmem:$0x1E000] =	vst v63  }
0x59: {  	p0 =	sne.s32 s5, $0x1E00;
	_ =	swait.ge [sflag:s28], $0x4000  }
.Ltmp1:
0x5a: {  	[sflag:s28] =	ssyncset.done $0x0;
	(pc) =	sbr.rel @p0 .LBB2_4-.Ltmp1, $4  }
0x5b: {  	s1 =	sadd.s32 $0x1800, s1;
	[sflag:s28] =	ssyncadd.s32 $0xFFFFC000  }
0x5c: {  	[spmem:s2] =	stream.indirect.scatter.add.f32 [tilespmem:s26], [sflag:$0x5], $0x80, s1, s25, $0xb8;
	[tilespmem:$0x1E000] =	vst v63  }
0x5d: {  	_ =	swait.ge [sflag:s29], $0x4000  }
0x5e: {  	s5 =	smov.u32 s9;
	s1 =	sshra.s32 s8, $0x2;
	[sflag:s29] =	ssyncset.done $0x0  }
0x5f: {  	s5 =	sadd.s32 $0x800, s1;
	[sflag:s29] =	ssyncadd.s32 $0xFFFFC000  }
0x60: {  	[tilespmem:s26], [sflag:$0x3] =	stream.indirect.gather [hbm4b:s4+s25], $0x80, s5, s25, $0xb8;
	[tilespmem:$0x1E000] =	vst v63  }
0x61: {  	_ =	swait.ge [sflag:s28], $0x4000  }
0x62: {  	[sflag:s28] =	ssyncset.done $0x0  }
0x63: {  	s5 =	sadd.s32 $0x1800, s1;
	[sflag:s28] =	ssyncadd.s32 $0xFFFFC000  }
0x64: {  	[spmem:s2] =	stream.indirect.scatter.add.f32 [tilespmem:s26], [sflag:$0x5], $0x80, s5, s25, $0xb8;
	[tilespmem:$0x1E000] =	vst v63  }
0x65: {  	_ =	swait.ge [sflag:s29], $0x4000  }
0x66: {  	[sflag:s29] =	ssyncset.done $0x0  }
0x67: {  	[sflag:s29] =	ssyncadd.s32 $0xFFFFC000  }
0x68: {  	_ =	swait.ge [sflag:s22], $0x800  }
0x69: {  	[sflag:s22] =	ssyncset.done $0x0  }
0x6a: {  	[sflag:s22] =	ssyncadd.s32 $0xFFFFF800  }
0x6b: {  	_ =	swait.ge [sflag:s22], $0x800  }
0x6c: {  	[sflag:s22] =	ssyncset.done $0x0  }
0x6d: {  	s6 =	simm.s32 $0x0;
	[sflag:s22] =	ssyncadd.s32 $0xFFFFF800  }
0x6e: {  	[tilespmem:s23], [sflag:$0x2] =	stream.linear.gather [hbm4b:s14+s6], $0x800, $0x38;
	[tilespmem:$0x1E000] =	vst v63  }
0x6f: {  	_ = 	snop  }
0x70: {  	[tilespmem:s24], [sflag:$0x2] =	stream.linear.gather [hbm4b:s15+s6], $0x800, $0x38;
	[tilespmem:$0x1E000] =	vst v63  }
0x71: {  	s8 =	simm.s32 $0x0  }
0x72: {  	[tilespmem:s26], [sflag:$0x3] =	stream.indirect.gather [hbm4b:s4+s25], $0x80, s8, s25, $0xb8;
	[tilespmem:$0x1E000] =	vst v63  }
0x73: {  	_ =	swait.ge [sflag:s28], $0x4000  }
0x74: {  	[sflag:s28] =	ssyncset.done $0x0  }
0x75: {  	s9 =	simm.s32 $0x1000;
	[sflag:s28] =	ssyncadd.s32 $0xFFFFC000  }
0x76: {  	[spmem:s2] =	stream.indirect.scatter.add.f32 [tilespmem:s26], [sflag:$0x5], $0x80, s9, s25, $0xb8;
	[tilespmem:$0x1E000] =	vst v63  }
0x77: {  	_ =	swait.ge [sflag:s29], $0x4000  }
0x78: {  	s1 =	simm.s32 $0x200;
	s5 =	simm.s32 $0x400;
	[sflag:s29] =	ssyncset.done $0x0  }
.LBB2_6:
0x79: {  	s6 =	sshra.s32 s1, $0x2  }
0x7a: {  	[sflag:s29] =	ssyncadd.s32 $0xFFFFC000;
	s1 =	smov.u32 s5;
	s8 =	sadd.s32 $0x200, s5  }
0x7b: {  	[tilespmem:s26], [sflag:$0x3] =	stream.indirect.gather [hbm4b:s4+s25], $0x80, s6, s25, $0xb8;
	[tilespmem:$0x1E000] =	vst v63  }
0x7c: {  	p0 =	sne.s32 s5, $0x1E00;
	_ =	swait.ge [sflag:s28], $0x4000  }
.Ltmp2:
0x7d: {  	[sflag:s28] =	ssyncset.done $0x0;
	(pc) =	sbr.rel @p0 .LBB2_6-.Ltmp2, $4  }
0x7e: {  	s5 =	sadd.s32 $0x1000, s6;
	[sflag:s28] =	ssyncadd.s32 $0xFFFFC000  }
0x7f: {  	[spmem:s2] =	stream.indirect.scatter.add.f32 [tilespmem:s26], [sflag:$0x5], $0x80, s5, s25, $0xb8;
	[tilespmem:$0x1E000] =	vst v63  }
0x80: {  	_ =	swait.ge [sflag:s29], $0x4000  }
0x81: {  	s5 =	smov.u32 s8;
	[sflag:s29] =	ssyncset.done $0x0  }
0x82: {  	s1 =	sshra.s32 s1, $0x2;
	[sflag:s29] =	ssyncadd.s32 $0xFFFFC000  }
0x83: {  	[tilespmem:s26], [sflag:$0x3] =	stream.indirect.gather [hbm4b:s4+s25], $0x80, s1, s25, $0xb8;
	[tilespmem:$0x1E000] =	vst v63  }
0x84: {  	_ =	swait.ge [sflag:s28], $0x4000  }
0x85: {  	[sflag:s28] =	ssyncset.done $0x0  }
0x86: {  	s1 =	sadd.s32 $0x1000, s1;
	[sflag:s28] =	ssyncadd.s32 $0xFFFFC000  }
0x87: {  	[spmem:s2] =	stream.indirect.scatter.add.f32 [tilespmem:s26], [sflag:$0x5], $0x80, s1, s25, $0xb8;
	[tilespmem:$0x1E000] =	vst v63  }
0x88: {  	_ =	swait.ge [sflag:s29], $0x4000  }
0x89: {  	[sflag:s29] =	ssyncset.done $0x0  }
0x8a: {  	[sflag:s29] =	ssyncadd.s32 $0xFFFFC000  }
0x8b: {  	_ =	swait.ge [sflag:s30], $0x800  }
0x8c: {  	[sflag:s30] =	ssyncset.done $0x0  }
0x8d: {  	[sflag:s30] =	ssyncadd.s32 $0xFFFFF800  }
0x8e: {  	_ =	swait.ge [sflag:s30], $0x800  }
0x8f: {  	[sflag:s30] =	ssyncset.done $0x0  }
0x90: {  	s6 =	simm.s32 $0x0;
	[sflag:s30] =	ssyncadd.s32 $0xFFFFF800  }
0x91: {  	[tilespmem:s6], [sflag:$0x1] =	stream.linear.gather [hbm4b:s16+s6], $0x800, $0x38;
	[tilespmem:$0x1E000] =	vst v63  }
0x92: {  	_ = 	snop  }
0x93: {  	[tilespmem:s21], [sflag:$0x1] =	stream.linear.gather [hbm4b:s17+s6], $0x800, $0x38;
	[tilespmem:$0x1E000] =	vst v63  }
0x94: {  	s8 =	simm.s32 $0x800  }
0x95: {  	[tilespmem:s26], [sflag:$0x3] =	stream.indirect.gather [hbm4b:s4+s25], $0x80, s8, s25, $0xb8;
	[tilespmem:$0x1E000] =	vst v63  }
0x96: {  	_ =	swait.ge [sflag:s28], $0x4000  }
0x97: {  	[sflag:s28] =	ssyncset.done $0x0  }
0x98: {  	s9 =	simm.s32 $0x1800;
	[sflag:s28] =	ssyncadd.s32 $0xFFFFC000  }
0x99: {  	[spmem:s2] =	stream.indirect.scatter.add.f32 [tilespmem:s26], [sflag:$0x5], $0x80, s9, s25, $0xb8;
	[tilespmem:$0x1E000] =	vst v63  }
0x9a: {  	_ =	swait.ge [sflag:s29], $0x4000  }
0x9b: {  	s5 =	simm.s32 $0x400;
	s1 =	simm.s32 $0x80;
	[sflag:s29] =	ssyncset.done $0x0  }
.LBB2_8:
0x9c: {  	s6 =	sadd.s32 $0x800, s1  }
0x9d: {  	[sflag:s29] =	ssyncadd.s32 $0xFFFFC000;
	s8 =	smov.u32 s5;
	s9 =	sadd.s32 $0x200, s5  }
0x9e: {  	[tilespmem:s26], [sflag:$0x3] =	stream.indirect.gather [hbm4b:s4+s25], $0x80, s6, s25, $0xb8;
	[tilespmem:$0x1E000] =	vst v63  }
0x9f: {  	p0 =	sne.s32 s5, $0x1E00;
	_ =	swait.ge [sflag:s28], $0x4000  }
.Ltmp3:
0xa0: {  	[sflag:s28] =	ssyncset.done $0x0;
	(pc) =	sbr.rel @p0 .LBB2_8-.Ltmp3, $4  }
0xa1: {  	s1 =	sadd.s32 $0x1800, s1;
	[sflag:s28] =	ssyncadd.s32 $0xFFFFC000  }
0xa2: {  	[spmem:s2] =	stream.indirect.scatter.add.f32 [tilespmem:s26], [sflag:$0x5], $0x80, s1, s25, $0xb8;
	[tilespmem:$0x1E000] =	vst v63  }
0xa3: {  	_ =	swait.ge [sflag:s29], $0x4000  }
0xa4: {  	s5 =	smov.u32 s9;
	s1 =	sshra.s32 s8, $0x2;
	[sflag:s29] =	ssyncset.done $0x0  }
0xa5: {  	s5 =	sadd.s32 $0x800, s1;
	[sflag:s29] =	ssyncadd.s32 $0xFFFFC000  }
0xa6: {  	[tilespmem:s26], [sflag:$0x3] =	stream.indirect.gather [hbm4b:s4+s25], $0x80, s5, s25, $0xb8;
	[tilespmem:$0x1E000] =	vst v63  }
0xa7: {  	_ =	swait.ge [sflag:s28], $0x4000  }
0xa8: {  	[sflag:s28] =	ssyncset.done $0x0  }
0xa9: {  	s6 =	sadd.s32 $0x1800, s1;
	[sflag:s28] =	ssyncadd.s32 $0xFFFFC000  }
0xaa: {  	[spmem:s2] =	stream.indirect.scatter.add.f32 [tilespmem:s26], [sflag:$0x5], $0x80, s6, s25, $0xb8;
	[tilespmem:$0x1E000] =	vst v63  }
0xab: {  	_ =	swait.ge [sflag:s29], $0x4000  }
0xac: {  	[sflag:s29] =	ssyncset.done $0x0  }
0xad: {  	[sflag:s29] =	ssyncadd.s32 $0xFFFFC000  }
0xae: {  	_ =	swait.ge [sflag:s22], $0x800  }
0xaf: {  	[sflag:s22] =	ssyncset.done $0x0  }
0xb0: {  	[sflag:s22] =	ssyncadd.s32 $0xFFFFF800  }
0xb1: {  	_ =	swait.ge [sflag:s22], $0x800  }
0xb2: {  	[sflag:s22] =	ssyncset.done $0x0  }
0xb3: {  	s8 =	simm.s32 $0x0;
	[sflag:s22] =	ssyncadd.s32 $0xFFFFF800  }
0xb4: {  	[tilespmem:s26], [sflag:$0x3] =	stream.indirect.gather [hbm4b:s4+s25], $0x80, s8, s25, $0xb8;
	[tilespmem:$0x1E000] =	vst v63  }
0xb5: {  	_ =	swait.ge [sflag:s28], $0x4000  }
0xb6: {  	[sflag:s28] =	ssyncset.done $0x0  }
0xb7: {  	s9 =	simm.s32 $0x1000;
	[sflag:s28] =	ssyncadd.s32 $0xFFFFC000  }
0xb8: {  	[spmem:s2] =	stream.indirect.scatter.add.f32 [tilespmem:s26], [sflag:$0x5], $0x80, s9, s25, $0xb8;
	[tilespmem:$0x1E000] =	vst v63  }
0xb9: {  	_ =	swait.ge [sflag:s29], $0x4000  }
0xba: {  	s1 =	simm.s32 $0x200;
	s5 =	simm.s32 $0x400;
	[sflag:s29] =	ssyncset.done $0x0  }
.LBB2_10:
0xbb: {  	s6 =	sshra.s32 s1, $0x2  }
0xbc: {  	[sflag:s29] =	ssyncadd.s32 $0xFFFFC000;
	s1 =	smov.u32 s5;
	s8 =	sadd.s32 $0x200, s5  }
0xbd: {  	[tilespmem:s26], [sflag:$0x3] =	stream.indirect.gather [hbm4b:s4+s25], $0x80, s6, s25, $0xb8;
	[tilespmem:$0x1E000] =	vst v63  }
0xbe: {  	p0 =	sne.s32 s5, $0x1E00;
	_ =	swait.ge [sflag:s28], $0x4000  }
.Ltmp4:
0xbf: {  	[sflag:s28] =	ssyncset.done $0x0;
	(pc) =	sbr.rel @p0 .LBB2_10-.Ltmp4, $4  }
0xc0: {  	s5 =	sadd.s32 $0x1000, s6;
	[sflag:s28] =	ssyncadd.s32 $0xFFFFC000  }
0xc1: {  	[spmem:s2] =	stream.indirect.scatter.add.f32 [tilespmem:s26], [sflag:$0x5], $0x80, s5, s25, $0xb8;
	[tilespmem:$0x1E000] =	vst v63  }
0xc2: {  	_ =	swait.ge [sflag:s29], $0x4000  }
0xc3: {  	s5 =	smov.u32 s8;
	[sflag:s29] =	ssyncset.done $0x0  }
0xc4: {  	s1 =	sshra.s32 s1, $0x2;
	[sflag:s29] =	ssyncadd.s32 $0xFFFFC000  }
0xc5: {  	[tilespmem:s26], [sflag:$0x3] =	stream.indirect.gather [hbm4b:s4+s25], $0x80, s1, s25, $0xb8;
	[tilespmem:$0x1E000] =	vst v63  }
0xc6: {  	_ =	swait.ge [sflag:s28], $0x4000  }
0xc7: {  	[sflag:s28] =	ssyncset.done $0x0  }
0xc8: {  	s1 =	sadd.s32 $0x1000, s1;
	[sflag:s28] =	ssyncadd.s32 $0xFFFFC000  }
0xc9: {  	[spmem:s2] =	stream.indirect.scatter.add.f32 [tilespmem:s26], [sflag:$0x5], $0x80, s1, s25, $0xb8;
	[tilespmem:$0x1E000] =	vst v63  }
0xca: {  	_ =	swait.ge [sflag:s29], $0x4000  }
0xcb: {  	s31 =	sadd.s32 $0x1, s31;
	[sflag:s29] =	ssyncset.done $0x0  }
0xcc: {  	p0 =	sne.s32 s31, s19;
	[sflag:s29] =	ssyncadd.s32 $0xFFFFC000  }
.Ltmp5:
0xcd: {  	[bflag:$0x0] =	sbarrier.arrive $0xFFFF;
	(pc) =	sbr.rel @p0 .LBB2_1-.Ltmp5, $4  }
0xce: {  	[hbm:s18], [sflag:s7] =	dma.local [spmem:s0], $0x2800  }
0xcf: {  	_ =	swait.ge [sflag:s20], $0x2800  }
0xd0: {  	[sflag:s20] =	ssyncset.done $0x0  }
0xd1: {  	[sflag:s20] =	ssyncadd.s32 $0xFFFFD800  }
0xd2: {  	_ =	sfence.sel $0x180000  }
0xd3: {  	[bflag:$0x0] =	sbarrier.arrive $0xFFFF  }
0xd4: {  	_ =	strace $0x9000004A  }
0xd5: {  	s0 =	stileid.u32;
	[bflag:$0x2] =	sbarrier.arrive $0xFFFF  }
0xd6: {  	p0 =	sne.s32 s0, $0x0;
	s0 =	rddreg [dreg:$0x3]  }
0xd7: {  	s0 =	sadd.s32 @!p0 $0x100000, s0  }
0xd8: {  	[sflag:s0] =	ssyncadd.tile.s32 @!p0 $0x1;
	_ =	shalt  }
.Lfunc_end2:
_tile_overlayer_lowered:
.L_overlay_start_2:
0xd9: {  	(tag) =	ssettag $0x2  }
0xda: {  	s0 =	rddreg [dreg:$0x0];
	s2 =	stileid.u32  }
0xdb: {  	s1 =	rddreg [dreg:$0x1];
	p0 =	sne.s32 s2, $0x0  }
0xdc: {  	s3 =	rddreg [dreg:$0x2];
	[bflag:$0x3] =	sbarrier.arrive $0xFFFF;
	s2 =	simm.s32 @!p0 $0x1C07  }
0xdd: {  	[timem:s3], [sflag:s2] =	dma.local @!p0 [hbm:s0], s1  }
0xde: {  	s0 =	simm.s32 @!p0 $0x7  }
0xdf: {  	_ =	swait.ge @!p0 [sflag:s0], s1  }
0xe0: {  	s1 =	ssub.s32 @!p0 $0x0, s1;
	[sflag:s0] =	ssyncset.done @!p0 $0x0  }
0xe1: {  	[sflag:s0] =	ssyncadd.s32 @!p0 s1  }
0xe2: {  	[bflag:$0x3] =	sbarrier.arrive $0xFFFF  }
0xe3: {  	_ =	shalt  }

</sc_bundles>
